<compile_context>
chip_gen: v7x
topology: tpu7x:2x2x1
jax: 0.10.2.dev20260603
libtpu: 0.0.44.dev20260713+nightly
codegen_flags: <defaults>
</compile_context>

<pallas_src>
import functools

import jax
import jax.numpy as jnp
from jax import lax
from jax.experimental import pallas as pl
from jax.experimental.pallas import tpu as pltpu
from jax.experimental.pallas import tpu_sc as plsc

B, V, L, D = 2, 50, 50, 128
VOCAB = 5000
N = B * V * 3 * L
E = 480000
NROW = 15104
KCH = NROW // 128
NC, NS = 2, 16
DW = 128
HALF = NROW // 2
DUMMY = HALF
ACCR = HALF + 128
EPAD = 483328
EPT = EPAD // NS
EH = 2
EKCH = EPT // EH // 128
RPT = HALF // NS
ZPT = ACCR // NS


@functools.cache
def _make_sc_gather_deg():
    mesh = plsc.VectorSubcoreMesh(core_axis_name="c", subcore_axis_name="s",
                                  num_cores=NC, num_subcores=NS)
    return functools.partial(
        pl.kernel,
        out_type=(jax.ShapeDtypeStruct((NROW, D), jnp.float32),
                  jax.ShapeDtypeStruct((NROW, DW), jnp.float32)),
        mesh=mesh,
        scratch_types=[
            pltpu.VMEM((128,), jnp.int32),
            pltpu.VMEM((EKCH, 128), jnp.int32),
            pltpu.VMEM((128, D), jnp.float32),
            pltpu.VMEM((128, DW), jnp.float32),
            pltpu.VMEM_SHARED((ACCR, DW), jnp.float32),
            pltpu.SemaphoreType.DMA,
        ],
    )(_sc_gather_deg_body)


def _sc_gather_deg_body(embs_hbm, nidx_hbm, dst_hbm, ones_hbm, zeros128_hbm,
                        nodes_hbm, deg_hbm,
                        nidx_v, didx_v, rows_v, ones_v, dega, sem):
    c = lax.axis_index("c")
    s = lax.axis_index("s")
    wid = s * NC + c
    pltpu.sync_copy(zeros128_hbm, dega.at[pl.ds(s * ZPT, ZPT)])

    def emb_chunk(i, _):
        j = wid + i * (NC * NS)

        @pl.when(j < KCH)
        def _():
            pltpu.sync_copy(nidx_hbm.at[j], nidx_v)
            pltpu.async_copy(embs_hbm.at[nidx_v], rows_v, sem).wait()
            pltpu.sync_copy(rows_v, nodes_hbm.at[pl.ds(j * 128, 128)])
        return 0

    lax.fori_loop(0, (KCH + NC * NS - 1) // (NC * NS), emb_chunk, 0)

    pltpu.sync_copy(ones_hbm, ones_v)
    plsc.subcore_barrier()
    for h in range(EH):
        pltpu.sync_copy(dst_hbm.at[c, s, h], didx_v)

        def deg_chunk(j, _):
            pltpu.sync_copy(ones_v, dega.at[didx_v.at[j]], add=True)
            return 0

        lax.fori_loop(0, EKCH, deg_chunk, 0)
    plsc.subcore_barrier()
    pltpu.sync_copy(dega.at[pl.ds(s * RPT, RPT)],
                    deg_hbm.at[pl.ds(c * HALF + s * RPT, RPT)])


@functools.cache
def _make_sc_edge_agg():
    mesh = plsc.VectorSubcoreMesh(core_axis_name="c", subcore_axis_name="s",
                                  num_cores=NC, num_subcores=NS)
    return functools.partial(
        pl.kernel,
        out_type=jax.ShapeDtypeStruct((NROW, D), jnp.float32),
        mesh=mesh,
        scratch_types=[
            pltpu.VMEM((EKCH, 128), jnp.int32),
            pltpu.VMEM((EKCH, 128), jnp.int32),
            pltpu.VMEM((128, D), jnp.float32),
            pltpu.VMEM((128, D), jnp.float32),
            pltpu.VMEM_SHARED((ACCR, D), jnp.float32),
            pltpu.SemaphoreType.DMA,
            pltpu.SemaphoreType.DMA,
        ],
    )(_sc_edge_agg_body)


def _sc_edge_agg_body(y_hbm, src_hbm, dst_hbm,
                      out_hbm, sidx_v, didx_v, rows0_v, rows1_v,
                      acc, sem0, sem1):
    c = lax.axis_index("c")
    s = lax.axis_index("s")
    pltpu.sync_copy(y_hbm.at[pl.ds(c * HALF + s * RPT, RPT)],
                    acc.at[pl.ds(s * RPT, RPT)])
    plsc.subcore_barrier()

    for h in range(EH):
        pltpu.sync_copy(src_hbm.at[s, h], sidx_v)
        pltpu.sync_copy(dst_hbm.at[c, s, h], didx_v)
        pltpu.async_copy(y_hbm.at[sidx_v.at[0]], rows0_v, sem0)

        def edge_pair(i, _):
            j = 2 * i
            cp1 = pltpu.async_copy(y_hbm.at[sidx_v.at[j + 1]], rows1_v, sem1)
            pltpu.make_async_copy(y_hbm.at[sidx_v.at[j]], rows0_v,
                                  sem0).wait()
            pltpu.sync_copy(rows0_v, acc.at[didx_v.at[j]], add=True)

            @pl.when(j + 2 < EKCH)
            def _():
                pltpu.async_copy(y_hbm.at[sidx_v.at[j + 2]], rows0_v, sem0)

            cp1.wait()
            pltpu.sync_copy(rows1_v, acc.at[didx_v.at[j + 1]], add=True)
            return 0

        lax.fori_loop(0, EKCH // 2, edge_pair, 0)
    plsc.subcore_barrier()
    pltpu.sync_copy(acc.at[pl.ds(s * RPT, RPT)],
                    out_hbm.at[pl.ds(c * HALF + s * RPT, RPT)])


def _tc1_body(nodes_ref, deg_ref, w_ref, y_ref, dinv_ref):
    d = lax.rsqrt(jnp.maximum(deg_ref[...][:, :1] + 1.0, 1.0))
    y = jnp.dot(nodes_ref[...], w_ref[...], preferred_element_type=jnp.float32)
    y_ref[...] = y * d
    dinv_ref[...] = jnp.broadcast_to(d, (128, 8))


def _tc1(nodes, deg, w1):
    return pl.pallas_call(
        _tc1_body,
        grid=(KCH,),
        in_specs=[
            pl.BlockSpec((128, D), lambda i: (i, 0)),
            pl.BlockSpec((128, DW), lambda i: (i, 0)),
            pl.BlockSpec((D, D), lambda i: (0, 0)),
        ],
        out_specs=[
            pl.BlockSpec((128, D), lambda i: (i, 0)),
            pl.BlockSpec((128, 8), lambda i: (i, 0)),
        ],
        out_shape=[jax.ShapeDtypeStruct((NROW, D), jnp.float32),
                   jax.ShapeDtypeStruct((NROW, 8), jnp.float32)],
    )(nodes, deg, w1)


def _tc2_body(agg_ref, dinv_ref, b_ref, w_ref, y_ref):
    d = dinv_ref[...][:, :1]
    h = agg_ref[...] * d + b_ref[...]
    h = jnp.maximum(h, 0.0)
    y = jnp.dot(h, w_ref[...], preferred_element_type=jnp.float32)
    y_ref[...] = y * d


def _tc2(agg, dinv, b1, w2):
    return pl.pallas_call(
        _tc2_body,
        grid=(KCH,),
        in_specs=[
            pl.BlockSpec((128, D), lambda i: (i, 0)),
            pl.BlockSpec((128, 8), lambda i: (i, 0)),
            pl.BlockSpec((1, D), lambda i: (0, 0)),
            pl.BlockSpec((D, D), lambda i: (0, 0)),
        ],
        out_specs=pl.BlockSpec((128, D), lambda i: (i, 0)),
        out_shape=jax.ShapeDtypeStruct((NROW, D), jnp.float32),
    )(agg, dinv, b1, w2)


def _tc3_body(agg_ref, dinv_ref, b2_ref,
              wih_c_ref, whh_c_ref, bih_c_ref, bhh_c_ref,
              wih_p_ref, whh_p_ref, bih_p_ref, bhh_p_ref,
              wih_d_ref, whh_d_ref, bih_d_ref, bhh_d_ref,
              fcw_ref, fcb_ref, out_ref, gi_scr):
    b2 = b2_ref[...]
    G = 3 * B

    def visit(v, accs):
        out = list(accs)
        for b in range(B):
            base = (b * V + v) * 3 * L
            ch = agg_ref[pl.ds(base, 3 * L), :]
            ch = ch * dinv_ref[pl.ds(base, 3 * L), :1] + b2
            for f in range(3):
                out[b * 3 + f] = out[b * 3 + f] + ch[f * L:(f + 1) * L, :]
        return tuple(out)

    accs0 = tuple(jnp.zeros((L, D), jnp.float32) for _ in range(3 * B))
    accs = lax.fori_loop(0, V, visit, accs0)

    z0 = jnp.zeros((L, D), jnp.float32)
    parts = []
    for f in range(3):
        for b in range(B):
            blocks = [z0, z0, z0]
            blocks[f] = accs[b * 3 + f]
            parts.append(jnp.concatenate(blocks, axis=1).reshape(L, 1, 3 * D))
    zrow = jnp.zeros((L, 1, 3 * D), jnp.float32)
    parts += [zrow, zrow]
    xblk = jnp.concatenate(parts, axis=1)
    wih = jnp.concatenate([wih_c_ref[...], wih_p_ref[...], wih_d_ref[...]],
                          axis=0)
    whh = jnp.concatenate([whh_c_ref[...], whh_p_ref[...], whh_d_ref[...]],
                          axis=0)
    bih = jnp.concatenate([bih_c_ref[...]] * B + [bih_p_ref[...]] * B
                          + [bih_d_ref[...]] * B, axis=0)
    bhh = jnp.concatenate([bhh_c_ref[...]] * B + [bhh_p_ref[...]] * B
                          + [bhh_d_ref[...]] * B, axis=0)
    gi_scr[...] = jnp.dot(xblk.reshape(L * 8, 3 * D), wih,
                          preferred_element_type=jnp.float32)

    row_f = lax.broadcasted_iota(jnp.int32, (G, 3 * D), 0) // B
    lane_f = lax.broadcasted_iota(jnp.int32, (G, 3 * D), 1) // D
    blkmask = (row_f == lane_f).astype(jnp.float32)

    def step(t, h):
        h_blk = jnp.concatenate([h, h, h], axis=1) * blkmask
        gh = jnp.dot(h_blk, whh, preferred_element_type=jnp.float32) + bhh
        gi_t = gi_scr[pl.ds(pl.multiple_of(8 * t, 8), 8), :][:G] + bih
        r = jax.nn.sigmoid(gi_t[:, :D] + gh[:, :D])
        z = jax.nn.sigmoid(gi_t[:, D:2 * D] + gh[:, D:2 * D])
        nc = jnp.tanh(gi_t[:, 2 * D:] + r * gh[:, 2 * D:])
        return (1.0 - z) * nc + z * h

    h = lax.fori_loop(0, L, step, jnp.zeros((G, D), jnp.float32))

    patient = jnp.concatenate(
        [jnp.concatenate([h[f * B + b:f * B + b + 1] for f in range(3)],
                         axis=1) for b in range(B)], axis=0)
    patient = jnp.maximum(patient, 0.0)
    out_ref[...] = (jnp.dot(patient, fcw_ref[...],
                            preferred_element_type=jnp.float32) + fcb_ref[...])


def _tc3(agg2, dinv, b2, gru_ws, fcw_p, fcb_p):
    full = lambda shape: pl.BlockSpec(shape, lambda: tuple(0 for _ in shape))
    gru_specs, gru_args = [], []
    for (wih, whh, bih, bhh) in gru_ws:
        gru_specs += [full((D, 3 * D)), full((D, 3 * D)),
                      full((1, 3 * D)), full((1, 3 * D))]
        gru_args += [wih, whh, bih, bhh]
    return pl.pallas_call(
        _tc3_body,
        in_specs=[full((NROW, D)), full((NROW, 8)), full((1, D))]
        + gru_specs + [full((3 * D, D)), full((1, D))],
        out_specs=full((B, D)),
        out_shape=jax.ShapeDtypeStruct((B, D), jnp.float32),
        scratch_shapes=[pltpu.VMEM((8 * L, 3 * D), jnp.float32)],
    )(agg2, dinv, b2, *gru_args, fcw_p, fcb_p)


def kernel(x_conditions, x_procedures, x_drugs, edge_index,
           emb_cond, emb_proc, emb_drug,
           gcn1_w, gcn1_b, gcn2_w, gcn2_b, fc_w, fc_b,
           gru_c_wih, gru_c_whh, gru_c_bih, gru_c_bhh,
           gru_p_wih, gru_p_whh, gru_p_bih, gru_p_bhh,
           gru_d_wih, gru_d_whh, gru_d_bih, gru_d_bhh):
    f32 = jnp.float32
    embs = jnp.concatenate([emb_cond, emb_proc, emb_drug], axis=0)
    nidx = jnp.concatenate(
        [x_conditions, x_procedures + VOCAB, x_drugs + 2 * VOCAB],
        axis=2).reshape(-1).astype(jnp.int32)
    nidx = jnp.concatenate([nidx, jnp.zeros((NROW - N,), jnp.int32)])
    nidx = nidx.reshape(KCH, 128)

    src = edge_index[0].astype(jnp.int32)
    dst = edge_index[1].astype(jnp.int32)
    src = jnp.concatenate([src, jnp.zeros((EPAD - E,), jnp.int32)])
    dst = jnp.concatenate([dst, jnp.full((EPAD - E,), N, jnp.int32)])
    in0 = dst < HALF
    dst0 = jnp.where(in0, dst, DUMMY)
    dst1 = jnp.where(in0, DUMMY, dst - HALF)
    src_r = src.reshape(NS, EH, EKCH, 128)
    dst_r = jnp.stack([dst0, dst1]).reshape(NC, NS, EH, EKCH, 128)

    ones128 = jnp.ones((128, DW), f32)
    zeros128 = jnp.zeros((ZPT, DW), f32)

    sc_gather_deg = _make_sc_gather_deg()
    sc_edge_agg = _make_sc_edge_agg()
    nodes, deg = sc_gather_deg(embs, nidx, dst_r, ones128, zeros128)
    y1, dinv = _tc1(nodes, deg, gcn1_w)
    agg1 = sc_edge_agg(y1, src_r, dst_r)
    y2 = _tc2(agg1, dinv, gcn1_b.reshape(1, D), gcn2_w)
    agg2 = sc_edge_agg(y2, src_r, dst_r)

    gru_ws = [(gru_c_wih, gru_c_whh, gru_c_bih.reshape(1, -1), gru_c_bhh.reshape(1, -1)),
              (gru_p_wih, gru_p_whh, gru_p_bih.reshape(1, -1), gru_p_bhh.reshape(1, -1)),
              (gru_d_wih, gru_d_whh, gru_d_bih.reshape(1, -1), gru_d_bhh.reshape(1, -1))]
    fcw_p = jnp.zeros((3 * D, D), f32).at[:, :10].set(fc_w)
    fcb_p = jnp.zeros((1, D), f32).at[0, :10].set(fc_b)
    out2 = _tc3(agg2, dinv, gcn2_b.reshape(1, D), gru_ws, fcw_p, fcb_p)
    return out2[:, :10]

# --- scband reference (transcript-rebuilt; emitter-appended) ---
"""Pipeline reference for scband-graph-care-85177791414324 (READ-ONLY COPY).

The authoritative reference and input builder live on the scoring server;
editing this copy changes nothing except your own understanding.
"""

import jax, jax.numpy as jnp
import numpy as np

B, V, L = 2, 50, 50
D = 128
VOCAB = 5000
OUT = 10
N = B * V * 3 * L  # 15000 nodes
E = 480000


def _gcn(x, src, dst, w, b):
    n = x.shape[0]
    loops = jnp.arange(n)
    s = jnp.concatenate([src, loops])
    t = jnp.concatenate([dst, loops])
    deg = jnp.zeros((n,), x.dtype).at[t].add(1.0)
    dinv = 1.0 / jnp.sqrt(jnp.clip(deg, 1.0))
    xw = x @ w
    msg = xw[s] * (dinv[s] * dinv[t])[:, None]
    out = jnp.zeros_like(xw).at[t].add(msg)
    return out + b


def _gru(x, w_ih, w_hh, b_ih, b_hh):
    bsz = x.shape[0]
    h0 = jnp.zeros((bsz, w_hh.shape[0]), x.dtype)
    def step(h, xt):
        gi = xt @ w_ih + b_ih
        gh = h @ w_hh + b_hh
        ir, iz, inn = jnp.split(gi, 3, axis=-1)
        hr, hz, hn = jnp.split(gh, 3, axis=-1)
        r = jax.nn.sigmoid(ir + hr)
        z = jax.nn.sigmoid(iz + hz)
        nc = jnp.tanh(inn + r * hn)
        hnew = (1.0 - z) * nc + z * h
        return hnew, None
    hT, _ = jax.lax.scan(step, h0, jnp.swapaxes(x, 0, 1))
    return hT


def setup_inputs(seed: int = 0):
    key = jax.random.key(seed)
    ks = jax.random.split(key, 30)
    def emb(k):
        t = jax.random.normal(k, (VOCAB, D), jnp.float32) * 0.02
        return t.at[0].set(0.0)  # padding_idx=0
    inp = {
        "x_conditions": jax.random.randint(ks[0], (B, V, L), 0, VOCAB),
        "x_procedures": jax.random.randint(ks[1], (B, V, L), 0, VOCAB),
        "x_drugs": jax.random.randint(ks[2], (B, V, L), 0, VOCAB),
        "edge_index": jax.random.randint(ks[3], (2, E), 0, N),
        "emb_cond": emb(ks[4]),
        "emb_proc": emb(ks[5]),
        "emb_drug": emb(ks[6]),
        "gcn1_w": jax.random.normal(ks[7], (D, D), jnp.float32) / np.sqrt(D),
        "gcn1_b": jnp.zeros((D,), jnp.float32),
        "gcn2_w": jax.random.normal(ks[8], (D, D), jnp.float32) / np.sqrt(D),
        "gcn2_b": jnp.zeros((D,), jnp.float32),
        "fc_w": jax.random.normal(ks[9], (3 * D, OUT), jnp.float32) / np.sqrt(3 * D),
        "fc_b": jnp.zeros((OUT,), jnp.float32),
    }
    i = 10
    for name in ("c", "p", "d"):
        inp["gru_" + name + "_wih"] = jax.random.normal(ks[i], (D, 3 * D), jnp.float32) / np.sqrt(D); i += 1
        inp["gru_" + name + "_whh"] = jax.random.normal(ks[i], (D, 3 * D), jnp.float32) / np.sqrt(D); i += 1
        inp["gru_" + name + "_bih"] = jnp.zeros((3 * D,), jnp.float32)
        inp["gru_" + name + "_bhh"] = jnp.zeros((3 * D,), jnp.float32)
    return inp


def reference(x_conditions, x_procedures, x_drugs, edge_index,
              emb_cond, emb_proc, emb_drug,
              gcn1_w, gcn1_b, gcn2_w, gcn2_b, fc_w, fc_b,
              gru_c_wih, gru_c_whh, gru_c_bih, gru_c_bhh,
              gru_p_wih, gru_p_whh, gru_p_bih, gru_p_bhh,
              gru_d_wih, gru_d_whh, gru_d_bih, gru_d_bhh):
    # step0: per-feature embedding lookup (dropout identity in eval)
    e_c = jnp.take(emb_cond, x_conditions, axis=0)
    e_p = jnp.take(emb_proc, x_procedures, axis=0)
    e_d = jnp.take(emb_drug, x_drugs, axis=0)
    # step1: flatten all events into one node set (patient, visit, feature, event order)
    nodes = jnp.concatenate([e_c, e_p, e_d], axis=2).reshape(-1, D)
    src, dst = edge_index[0], edge_index[1]
    # step2: two-layer GCN update
    h = _gcn(nodes, src, dst, gcn1_w, gcn1_b)
    h = jax.nn.relu(h)
    h = _gcn(h, src, dst, gcn2_w, gcn2_b)
    # scatter updated embeddings back per feature
    upd = h.reshape(B, V, 3 * L, D)
    parts = jnp.split(upd, 3, axis=2)
    grus = [
        (gru_c_wih, gru_c_whh, gru_c_bih, gru_c_bhh),
        (gru_p_wih, gru_p_whh, gru_p_bih, gru_p_bhh),
        (gru_d_wih, gru_d_whh, gru_d_bih, gru_d_bhh),
    ]
    outs = []
    for part, (wih, whh, bih, bhh) in zip(parts, grus):
        xseq = part.sum(axis=1)  # sum over visits -> [B, L, D]
        outs.append(_gru(xseq, wih, whh, bih, bhh))
    patient = jnp.concatenate(outs, axis=-1)  # [B, 3D]
    logits = jax.nn.relu(patient) @ fc_w + fc_b
    return logits

if __name__ == "__main__":
    import jax
    _d = setup_inputs()
    print(jax.jit(kernel)(*tuple(_d.values())))

</pallas_src>

<mosaic_0001>
#map = affine_map<(d0, d1) -> (0, 0)>
#map1 = affine_map<(d0, d1) -> (0, 0, 0, 0)>
#map2 = affine_map<(d0, d1) -> (0, 0, 0, 0, 0)>
module attributes {stable_mosaic.version = 14 : i64} {
  func.func @_sc_edge_agg_body(%arg0: i32, %arg1: i32, %arg2: memref<15104x128xf32, #tpu.memory_space<hbm>>, %arg3: memref<16x2x118x128xi32, #tpu.memory_space<hbm>>, %arg4: memref<2x16x2x118x128xi32, #tpu.memory_space<hbm>>, %arg5: memref<15104x128xf32, #tpu.memory_space<hbm>>, %arg6: memref<118x128xi32, #tpu.memory_space<vmem>>, %arg7: memref<118x128xi32, #tpu.memory_space<vmem>>, %arg8: memref<128x128xf32, #tpu.memory_space<vmem>>, %arg9: memref<128x128xf32, #tpu.memory_space<vmem>>, %arg10: memref<7680x128xf32, #tpu.memory_space<vmem_shared>>, %arg11: memref<!tpu.dma_semaphore, #tpu.memory_space<semaphore_mem>>, %arg12: memref<!tpu.dma_semaphore, #tpu.memory_space<semaphore_mem>>) attributes {dimension_semantics = [#tpu.dimension_semantics<core_parallel>, #tpu.dimension_semantics<subcore_parallel>], iteration_bounds = array<i64: 2, 16>, scalar_prefetch = 0 : i64, scratch_operands = 7 : i64, tpu.core_type = #tpu.core_type<sc_vector_subcore>, window_params = [{transform_indices = #map}, {transform_indices = #map1}, {transform_indices = #map2}, {transform_indices = #map}]} {
    %mul3A = arith.constant 7552 : i32
    %mul3A_0 = arith.muli %arg0, %mul3A : i32
    %mul3A_1 = arith.constant 472 : i32
    %mul3A_2 = arith.muli %arg1, %mul3A_1 : i32
    %add3A = arith.addi %mul3A_0, %mul3A_2 : i32
    %mul3A_3 = arith.constant 472 : i32
    %mul3A_4 = arith.muli %arg1, %mul3A_3 : i32
    "tpu.region"() ({
      %run_scoped3A_42 = tpu.sem_alloc : memref<!tpu.dma_semaphore, #tpu.memory_space<semaphore_mem>>
      %dma_start3A_43 = arith.constant 0 : i32
      %dma_start3A_44 = tpu.memref_slice %arg10[%mul3A_4, %dma_start3A_43] : memref<7680x128xf32, #tpu.memory_space<vmem_shared>> -> memref<472x128xf32, #tpu.memory_space<vmem_shared>>
      %dma_start3A_45 = arith.constant 0 : i32
      %dma_start3A_46 = tpu.memref_slice %arg2[%add3A, %dma_start3A_45] : memref<15104x128xf32, #tpu.memory_space<hbm>> -> memref<472x128xf32, #tpu.memory_space<hbm>>
      tpu.enqueue_dma source(%dma_start3A_46 : memref<472x128xf32, #tpu.memory_space<hbm>>) target(%dma_start3A_44 : memref<472x128xf32, #tpu.memory_space<vmem_shared>>) target_semaphore(%run_scoped3A_42 : memref<!tpu.dma_semaphore, #tpu.memory_space<semaphore_mem>>)
      %dma_wait3A = arith.constant 0 : i32
      %dma_wait3A_47 = tpu.memref_slice %arg10[%mul3A_4, %dma_wait3A] : memref<7680x128xf32, #tpu.memory_space<vmem_shared>> -> memref<472x128xf32, #tpu.memory_space<vmem_shared>>
      %dma_wait3A_48 = arith.constant 0 : i32
      %dma_wait3A_49 = tpu.memref_slice %arg2[%add3A, %dma_wait3A_48] : memref<15104x128xf32, #tpu.memory_space<hbm>> -> memref<472x128xf32, #tpu.memory_space<hbm>>
      tpu.wait_dma2 semaphore(%run_scoped3A_42 : memref<!tpu.dma_semaphore, #tpu.memory_space<semaphore_mem>>) src(%dma_wait3A_49 : memref<472x128xf32, #tpu.memory_space<hbm>>) dst(%dma_wait3A_47 : memref<472x128xf32, #tpu.memory_space<vmem_shared>>)
      tpu.yield
    }) : () -> ()
    %barrier3A = arith.constant 0 : index
    tpu.barrier barrier_id(%barrier3A)
    %run_scoped3A = arith.constant 0 : i32
    "tpu.region"() ({
      %run_scoped3A_42 = tpu.sem_alloc : memref<!tpu.dma_semaphore, #tpu.memory_space<semaphore_mem>>
      %dma_start3A_43 = arith.constant 0 : i32
      %dma_start3A_44 = arith.constant 0 : i32
      %dma_start3A_45 = tpu.memref_slice %arg3[%arg1, %run_scoped3A, %dma_start3A_43, %dma_start3A_44] : memref<16x2x118x128xi32, #tpu.memory_space<hbm>> -> memref<1x1x118x128xi32, #tpu.memory_space<hbm>>
      %dma_start3A_46 = tpu.memref_squeeze %dma_start3A_45 : memref<1x1x118x128xi32, #tpu.memory_space<hbm>> -> memref<118x128xi32, #tpu.memory_space<hbm>>
      %dma_start3A_47 = arith.constant 0 : i32
      %dma_start3A_48 = arith.constant 0 : i32
      %dma_start3A_49 = tpu.memref_slice %arg3[%arg1, %run_scoped3A, %dma_start3A_47, %dma_start3A_48] : memref<16x2x118x128xi32, #tpu.memory_space<hbm>> -> memref<1x1x118x128xi32, #tpu.memory_space<hbm>>
      %dma_start3A_50 = tpu.memref_squeeze %dma_start3A_49 : memref<1x1x118x128xi32, #tpu.memory_space<hbm>> -> memref<118x128xi32, #tpu.memory_space<hbm>>
      tpu.enqueue_dma source(%dma_start3A_50 : memref<118x128xi32, #tpu.memory_space<hbm>>) target(%arg6 : memref<118x128xi32, #tpu.memory_space<vmem>>) target_semaphore(%run_scoped3A_42 : memref<!tpu.dma_semaphore, #tpu.memory_space<semaphore_mem>>)
      %dma_wait3A = arith.constant 0 : i32
      %dma_wait3A_51 = arith.constant 0 : i32
      %dma_wait3A_52 = tpu.memref_slice %arg3[%arg1, %run_scoped3A, %dma_wait3A, %dma_wait3A_51] : memref<16x2x118x128xi32, #tpu.memory_space<hbm>> -> memref<1x1x118x128xi32, #tpu.memory_space<hbm>>
      %dma_wait3A_53 = tpu.memref_squeeze %dma_wait3A_52 : memref<1x1x118x128xi32, #tpu.memory_space<hbm>> -> memref<118x128xi32, #tpu.memory_space<hbm>>
      %dma_wait3A_54 = arith.constant 0 : i32
      %dma_wait3A_55 = arith.constant 0 : i32
      %dma_wait3A_56 = tpu.memref_slice %arg3[%arg1, %run_scoped3A, %dma_wait3A_54, %dma_wait3A_55] : memref<16x2x118x128xi32, #tpu.memory_space<hbm>> -> memref<1x1x118x128xi32, #tpu.memory_space<hbm>>
      %dma_wait3A_57 = tpu.memref_squeeze %dma_wait3A_56 : memref<1x1x118x128xi32, #tpu.memory_space<hbm>> -> memref<118x128xi32, #tpu.memory_space<hbm>>
      tpu.wait_dma2 semaphore(%run_scoped3A_42 : memref<!tpu.dma_semaphore, #tpu.memory_space<semaphore_mem>>) src(%dma_wait3A_57 : memref<118x128xi32, #tpu.memory_space<hbm>>) dst(%arg6 : memref<118x128xi32, #tpu.memory_space<vmem>>)
      tpu.yield
    }) : () -> ()
    %run_scoped3A_5 = arith.constant 0 : i32
    "tpu.region"() ({
      %run_scoped3A_42 = tpu.sem_alloc : memref<!tpu.dma_semaphore, #tpu.memory_space<semaphore_mem>>
      %dma_start3A_43 = arith.constant 0 : i32
      %dma_start3A_44 = arith.constant 0 : i32
      %dma_start3A_45 = tpu.memref_slice %arg4[%arg0, %arg1, %run_scoped3A_5, %dma_start3A_43, %dma_start3A_44] : memref<2x16x2x118x128xi32, #tpu.memory_space<hbm>> -> memref<1x1x1x118x128xi32, #tpu.memory_space<hbm>>
      %dma_start3A_46 = tpu.memref_squeeze %dma_start3A_45 : memref<1x1x1x118x128xi32, #tpu.memory_space<hbm>> -> memref<118x128xi32, #tpu.memory_space<hbm>>
      %dma_start3A_47 = arith.constant 0 : i32
      %dma_start3A_48 = arith.constant 0 : i32
      %dma_start3A_49 = tpu.memref_slice %arg4[%arg0, %arg1, %run_scoped3A_5, %dma_start3A_47, %dma_start3A_48] : memref<2x16x2x118x128xi32, #tpu.memory_space<hbm>> -> memref<1x1x1x118x128xi32, #tpu.memory_space<hbm>>
      %dma_start3A_50 = tpu.memref_squeeze %dma_start3A_49 : memref<1x1x1x118x128xi32, #tpu.memory_space<hbm>> -> memref<118x128xi32, #tpu.memory_space<hbm>>
      tpu.enqueue_dma source(%dma_start3A_50 : memref<118x128xi32, #tpu.memory_space<hbm>>) target(%arg7 : memref<118x128xi32, #tpu.memory_space<vmem>>) target_semaphore(%run_scoped3A_42 : memref<!tpu.dma_semaphore, #tpu.memory_space<semaphore_mem>>)
      %dma_wait3A = arith.constant 0 : i32
      %dma_wait3A_51 = arith.constant 0 : i32
      %dma_wait3A_52 = tpu.memref_slice %arg4[%arg0, %arg1, %run_scoped3A_5, %dma_wait3A, %dma_wait3A_51] : memref<2x16x2x118x128xi32, #tpu.memory_space<hbm>> -> memref<1x1x1x118x128xi32, #tpu.memory_space<hbm>>
      %dma_wait3A_53 = tpu.memref_squeeze %dma_wait3A_52 : memref<1x1x1x118x128xi32, #tpu.memory_space<hbm>> -> memref<118x128xi32, #tpu.memory_space<hbm>>
      %dma_wait3A_54 = arith.constant 0 : i32
      %dma_wait3A_55 = arith.constant 0 : i32
      %dma_wait3A_56 = tpu.memref_slice %arg4[%arg0, %arg1, %run_scoped3A_5, %dma_wait3A_54, %dma_wait3A_55] : memref<2x16x2x118x128xi32, #tpu.memory_space<hbm>> -> memref<1x1x1x118x128xi32, #tpu.memory_space<hbm>>
      %dma_wait3A_57 = tpu.memref_squeeze %dma_wait3A_56 : memref<1x1x1x118x128xi32, #tpu.memory_space<hbm>> -> memref<118x128xi32, #tpu.memory_space<hbm>>
      tpu.wait_dma2 semaphore(%run_scoped3A_42 : memref<!tpu.dma_semaphore, #tpu.memory_space<semaphore_mem>>) src(%dma_wait3A_57 : memref<118x128xi32, #tpu.memory_space<hbm>>) dst(%arg7 : memref<118x128xi32, #tpu.memory_space<vmem>>)
      tpu.yield
    }) : () -> ()
    %dma_start3A = arith.constant 0 : i32
    %dma_start3A_6 = arith.constant 0 : i32
    %dma_start3A_7 = tpu.memref_slice %arg6[%dma_start3A, %dma_start3A_6] : memref<118x128xi32, #tpu.memory_space<vmem>> -> memref<1x128xi32, #tpu.memory_space<vmem>>
    %dma_start3A_8 = tpu.memref_squeeze %dma_start3A_7 : memref<1x128xi32, #tpu.memory_space<vmem>> -> memref<128xi32, #tpu.memory_space<vmem>>
    %dma_start3A_9 = arith.constant 0 : i32
    %dma_start3A_10 = arith.constant 0 : i32
    %dma_start3A_11 = tpu.memref_slice %arg2[%dma_start3A_9, %dma_start3A_10] : memref<15104x128xf32, #tpu.memory_space<hbm>> -> memref<15104x128xf32, #tpu.memory_space<hbm>>
    tpu.enqueue_indirect_dma source(%dma_start3A_11 : memref<15104x128xf32, #tpu.memory_space<hbm>>) target(%arg8 : memref<128x128xf32, #tpu.memory_space<vmem>>) offsets(%dma_start3A_8 : memref<128xi32, #tpu.memory_space<vmem>>) semaphore(%arg11 : memref<!tpu.dma_semaphore, #tpu.memory_space<semaphore_mem>>)
    %scan3A = arith.constant 0 : i32
    %scan3A_12 = arith.constant 0 : i32
    %scan3A_13 = arith.constant 59 : i32
    %scan3A_14 = arith.addi %scan3A_12, %scan3A_13 : i32
    %scan3A_15 = arith.constant 1 : i32
    %scan3A_16 = scf.for %scan3A_42 = %scan3A_12 to %scan3A_14 step %scan3A_15 iter_args(%scan3A_43 = %scan3A) -> (i32)  : i32 {
      %mul3A_44 = arith.constant 2 : i32
      %mul3A_45 = arith.muli %mul3A_44, %scan3A_42 : i32
      %add3A_46 = arith.constant 1 : i32
      %add3A_47 = arith.addi %mul3A_45, %add3A_46 : i32
      %dma_start3A_48 = arith.constant 0 : i32
      %dma_start3A_49 = tpu.memref_slice %arg6[%add3A_47, %dma_start3A_48] : memref<118x128xi32, #tpu.memory_space<vmem>> -> memref<1x128xi32, #tpu.memory_space<vmem>>
      %dma_start3A_50 = tpu.memref_squeeze %dma_start3A_49 : memref<1x128xi32, #tpu.memory_space<vmem>> -> memref<128xi32, #tpu.memory_space<vmem>>
      %dma_start3A_51 = arith.constant 0 : i32
      %dma_start3A_52 = arith.constant 0 : i32
      %dma_start3A_53 = tpu.memref_slice %arg2[%dma_start3A_51, %dma_start3A_52] : memref<15104x128xf32, #tpu.memory_space<hbm>> -> memref<15104x128xf32, #tpu.memory_space<hbm>>
      tpu.enqueue_indirect_dma source(%dma_start3A_53 : memref<15104x128xf32, #tpu.memory_space<hbm>>) target(%arg9 : memref<128x128xf32, #tpu.memory_space<vmem>>) offsets(%dma_start3A_50 : memref<128xi32, #tpu.memory_space<vmem>>) semaphore(%arg12 : memref<!tpu.dma_semaphore, #tpu.memory_space<semaphore_mem>>)
      %dma_wait3A = arith.constant 0 : i32
      %dma_wait3A_54 = tpu.memref_slice %arg6[%mul3A_45, %dma_wait3A] : memref<118x128xi32, #tpu.memory_space<vmem>> -> memref<1x128xi32, #tpu.memory_space<vmem>>
      %dma_wait3A_55 = tpu.memref_squeeze %dma_wait3A_54 : memref<1x128xi32, #tpu.memory_space<vmem>> -> memref<128xi32, #tpu.memory_space<vmem>>
      %dma_wait3A_56 = arith.constant 0 : i32
      %dma_wait3A_57 = arith.constant 0 : i32
      %dma_wait3A_58 = tpu.memref_slice %arg2[%dma_wait3A_56, %dma_wait3A_57] : memref<15104x128xf32, #tpu.memory_space<hbm>> -> memref<15104x128xf32, #tpu.memory_space<hbm>>
      tpu.wait_indirect_dma semaphore(%arg11 : memref<!tpu.dma_semaphore, #tpu.memory_space<semaphore_mem>>) src(%dma_wait3A_58 : memref<15104x128xf32, #tpu.memory_space<hbm>>) dst(%arg8 : memref<128x128xf32, #tpu.memory_space<vmem>>)
      "tpu.region"() ({
        %run_scoped3A_72 = tpu.sem_alloc : memref<!tpu.dma_semaphore, #tpu.memory_space<semaphore_mem>>
        %dma_start3A_73 = arith.constant 0 : i32
        %dma_start3A_74 = tpu.memref_slice %arg7[%mul3A_45, %dma_start3A_73] : memref<118x128xi32, #tpu.memory_space<vmem>> -> memref<1x128xi32, #tpu.memory_space<vmem>>
        %dma_start3A_75 = tpu.memref_squeeze %dma_start3A_74 : memref<1x128xi32, #tpu.memory_space<vmem>> -> memref<128xi32, #tpu.memory_space<vmem>>
        %dma_start3A_76 = arith.constant 0 : i32
        %dma_start3A_77 = arith.constant 0 : i32
        %dma_start3A_78 = tpu.memref_slice %arg10[%dma_start3A_76, %dma_start3A_77] : memref<7680x128xf32, #tpu.memory_space<vmem_shared>> -> memref<7680x128xf32, #tpu.memory_space<vmem_shared>>
        tpu.enqueue_indirect_dma source(%arg8 : memref<128x128xf32, #tpu.memory_space<vmem>>) target(%dma_start3A_78 : memref<7680x128xf32, #tpu.memory_space<vmem_shared>>) offsets(%dma_start3A_75 : memref<128xi32, #tpu.memory_space<vmem>>) semaphore(%run_scoped3A_72 : memref<!tpu.dma_semaphore, #tpu.memory_space<semaphore_mem>>) {add = true}
        %dma_wait3A_79 = arith.constant 0 : i32
        %dma_wait3A_80 = tpu.memref_slice %arg7[%mul3A_45, %dma_wait3A_79] : memref<118x128xi32, #tpu.memory_space<vmem>> -> memref<1x128xi32, #tpu.memory_space<vmem>>
        %dma_wait3A_81 = tpu.memref_squeeze %dma_wait3A_80 : memref<1x128xi32, #tpu.memory_space<vmem>> -> memref<128xi32, #tpu.memory_space<vmem>>
        %dma_wait3A_82 = arith.constant 0 : i32
        %dma_wait3A_83 = arith.constant 0 : i32
        %dma_wait3A_84 = tpu.memref_slice %arg10[%dma_wait3A_82, %dma_wait3A_83] : memref<7680x128xf32, #tpu.memory_space<vmem_shared>> -> memref<7680x128xf32, #tpu.memory_space<vmem_shared>>
        tpu.wait_indirect_dma semaphore(%run_scoped3A_72 : memref<!tpu.dma_semaphore, #tpu.memory_space<semaphore_mem>>) src(%arg8 : memref<128x128xf32, #tpu.memory_space<vmem>>) dst(%dma_wait3A_84 : memref<7680x128xf32, #tpu.memory_space<vmem_shared>>)
        tpu.yield
      }) : () -> ()
      %add3A_59 = arith.constant 2 : i32
      %add3A_60 = arith.addi %mul3A_45, %add3A_59 : i32
      %lt3A = arith.constant 118 : i32
      %lt3A_61 = arith.cmpi slt, %add3A_60, %lt3A : i32
      %convert_element_type3A = arith.extui %lt3A_61 : i1 to i32
      %cond3A = arith.constant 0 : i32
      %cond3A_62 = arith.cmpi ne, %convert_element_type3A, %cond3A : i32
      scf.if %cond3A_62 {
        %add3A_72 = arith.constant 2 : i32
        %add3A_73 = arith.addi %mul3A_45, %add3A_72 : i32
        %dma_start3A_74 = arith.constant 0 : i32
        %dma_start3A_75 = tpu.memref_slice %arg6[%add3A_73, %dma_start3A_74] : memref<118x128xi32, #tpu.memory_space<vmem>> -> memref<1x128xi32, #tpu.memory_space<vmem>>
        %dma_start3A_76 = tpu.memref_squeeze %dma_start3A_75 : memref<1x128xi32, #tpu.memory_space<vmem>> -> memref<128xi32, #tpu.memory_space<vmem>>
        %dma_start3A_77 = arith.constant 0 : i32
        %dma_start3A_78 = arith.constant 0 : i32
        %dma_start3A_79 = tpu.memref_slice %arg2[%dma_start3A_77, %dma_start3A_78] : memref<15104x128xf32, #tpu.memory_space<hbm>> -> memref<15104x128xf32, #tpu.memory_space<hbm>>
        tpu.enqueue_indirect_dma source(%dma_start3A_79 : memref<15104x128xf32, #tpu.memory_space<hbm>>) target(%arg8 : memref<128x128xf32, #tpu.memory_space<vmem>>) offsets(%dma_start3A_76 : memref<128xi32, #tpu.memory_space<vmem>>) semaphore(%arg11 : memref<!tpu.dma_semaphore, #tpu.memory_space<semaphore_mem>>)
      } else {
      }
      %dma_wait3A_63 = arith.constant 0 : i32
      %dma_wait3A_64 = tpu.memref_slice %arg6[%add3A_47, %dma_wait3A_63] : memref<118x128xi32, #tpu.memory_space<vmem>> -> memref<1x128xi32, #tpu.memory_space<vmem>>
      %dma_wait3A_65 = tpu.memref_squeeze %dma_wait3A_64 : memref<1x128xi32, #tpu.memory_space<vmem>> -> memref<128xi32, #tpu.memory_space<vmem>>
      %dma_wait3A_66 = arith.constant 0 : i32
      %dma_wait3A_67 = arith.constant 0 : i32
      %dma_wait3A_68 = tpu.memref_slice %arg2[%dma_wait3A_66, %dma_wait3A_67] : memref<15104x128xf32, #tpu.memory_space<hbm>> -> memref<15104x128xf32, #tpu.memory_space<hbm>>
      tpu.wait_indirect_dma semaphore(%arg12 : memref<!tpu.dma_semaphore, #tpu.memory_space<semaphore_mem>>) src(%dma_wait3A_68 : memref<15104x128xf32, #tpu.memory_space<hbm>>) dst(%arg9 : memref<128x128xf32, #tpu.memory_space<vmem>>)
      %add3A_69 = arith.constant 1 : i32
      %add3A_70 = arith.addi %mul3A_45, %add3A_69 : i32
      "tpu.region"() ({
        %run_scoped3A_72 = tpu.sem_alloc : memref<!tpu.dma_semaphore, #tpu.memory_space<semaphore_mem>>
        %dma_start3A_73 = arith.constant 0 : i32
        %dma_start3A_74 = tpu.memref_slice %arg7[%add3A_70, %dma_start3A_73] : memref<118x128xi32, #tpu.memory_space<vmem>> -> memref<1x128xi32, #tpu.memory_space<vmem>>
        %dma_start3A_75 = tpu.memref_squeeze %dma_start3A_74 : memref<1x128xi32, #tpu.memory_space<vmem>> -> memref<128xi32, #tpu.memory_space<vmem>>
        %dma_start3A_76 = arith.constant 0 : i32
        %dma_start3A_77 = arith.constant 0 : i32
        %dma_start3A_78 = tpu.memref_slice %arg10[%dma_start3A_76, %dma_start3A_77] : memref<7680x128xf32, #tpu.memory_space<vmem_shared>> -> memref<7680x128xf32, #tpu.memory_space<vmem_shared>>
        tpu.enqueue_indirect_dma source(%arg9 : memref<128x128xf32, #tpu.memory_space<vmem>>) target(%dma_start3A_78 : memref<7680x128xf32, #tpu.memory_space<vmem_shared>>) offsets(%dma_start3A_75 : memref<128xi32, #tpu.memory_space<vmem>>) semaphore(%run_scoped3A_72 : memref<!tpu.dma_semaphore, #tpu.memory_space<semaphore_mem>>) {add = true}
        %dma_wait3A_79 = arith.constant 0 : i32
        %dma_wait3A_80 = tpu.memref_slice %arg7[%add3A_70, %dma_wait3A_79] : memref<118x128xi32, #tpu.memory_space<vmem>> -> memref<1x128xi32, #tpu.memory_space<vmem>>
        %dma_wait3A_81 = tpu.memref_squeeze %dma_wait3A_80 : memref<1x128xi32, #tpu.memory_space<vmem>> -> memref<128xi32, #tpu.memory_space<vmem>>
        %dma_wait3A_82 = arith.constant 0 : i32
        %dma_wait3A_83 = arith.constant 0 : i32
        %dma_wait3A_84 = tpu.memref_slice %arg10[%dma_wait3A_82, %dma_wait3A_83] : memref<7680x128xf32, #tpu.memory_space<vmem_shared>> -> memref<7680x128xf32, #tpu.memory_space<vmem_shared>>
        tpu.wait_indirect_dma semaphore(%run_scoped3A_72 : memref<!tpu.dma_semaphore, #tpu.memory_space<semaphore_mem>>) src(%arg9 : memref<128x128xf32, #tpu.memory_space<vmem>>) dst(%dma_wait3A_84 : memref<7680x128xf32, #tpu.memory_space<vmem_shared>>)
        tpu.yield
      }) : () -> ()
      %scan3A_71 = arith.constant 0 : i32
      scf.yield %scan3A_71 : i32
    }
    %scan3A_17 = arith.constant 59 : i32
    %run_scoped3A_18 = arith.constant 1 : i32
    "tpu.region"() ({
      %run_scoped3A_42 = tpu.sem_alloc : memref<!tpu.dma_semaphore, #tpu.memory_space<semaphore_mem>>
      %dma_start3A_43 = arith.constant 0 : i32
      %dma_start3A_44 = arith.constant 0 : i32
      %dma_start3A_45 = tpu.memref_slice %arg3[%arg1, %run_scoped3A_18, %dma_start3A_43, %dma_start3A_44] : memref<16x2x118x128xi32, #tpu.memory_space<hbm>> -> memref<1x1x118x128xi32, #tpu.memory_space<hbm>>
      %dma_start3A_46 = tpu.memref_squeeze %dma_start3A_45 : memref<1x1x118x128xi32, #tpu.memory_space<hbm>> -> memref<118x128xi32, #tpu.memory_space<hbm>>
      %dma_start3A_47 = arith.constant 0 : i32
      %dma_start3A_48 = arith.constant 0 : i32
      %dma_start3A_49 = tpu.memref_slice %arg3[%arg1, %run_scoped3A_18, %dma_start3A_47, %dma_start3A_48] : memref<16x2x118x128xi32, #tpu.memory_space<hbm>> -> memref<1x1x118x128xi32, #tpu.memory_space<hbm>>
      %dma_start3A_50 = tpu.memref_squeeze %dma_start3A_49 : memref<1x1x118x128xi32, #tpu.memory_space<hbm>> -> memref<118x128xi32, #tpu.memory_space<hbm>>
      tpu.enqueue_dma source(%dma_start3A_50 : memref<118x128xi32, #tpu.memory_space<hbm>>) target(%arg6 : memref<118x128xi32, #tpu.memory_space<vmem>>) target_semaphore(%run_scoped3A_42 : memref<!tpu.dma_semaphore, #tpu.memory_space<semaphore_mem>>)
      %dma_wait3A = arith.constant 0 : i32
      %dma_wait3A_51 = arith.constant 0 : i32
      %dma_wait3A_52 = tpu.memref_slice %arg3[%arg1, %run_scoped3A_18, %dma_wait3A, %dma_wait3A_51] : memref<16x2x118x128xi32, #tpu.memory_space<hbm>> -> memref<1x1x118x128xi32, #tpu.memory_space<hbm>>
      %dma_wait3A_53 = tpu.memref_squeeze %dma_wait3A_52 : memref<1x1x118x128xi32, #tpu.memory_space<hbm>> -> memref<118x128xi32, #tpu.memory_space<hbm>>
      %dma_wait3A_54 = arith.constant 0 : i32
      %dma_wait3A_55 = arith.constant 0 : i32
      %dma_wait3A_56 = tpu.memref_slice %arg3[%arg1, %run_scoped3A_18, %dma_wait3A_54, %dma_wait3A_55] : memref<16x2x118x128xi32, #tpu.memory_space<hbm>> -> memref<1x1x118x128xi32, #tpu.memory_space<hbm>>
      %dma_wait3A_57 = tpu.memref_squeeze %dma_wait3A_56 : memref<1x1x118x128xi32, #tpu.memory_space<hbm>> -> memref<118x128xi32, #tpu.memory_space<hbm>>
      tpu.wait_dma2 semaphore(%run_scoped3A_42 : memref<!tpu.dma_semaphore, #tpu.memory_space<semaphore_mem>>) src(%dma_wait3A_57 : memref<118x128xi32, #tpu.memory_space<hbm>>) dst(%arg6 : memref<118x128xi32, #tpu.memory_space<vmem>>)
      tpu.yield
    }) : () -> ()
    %run_scoped3A_19 = arith.constant 1 : i32
    "tpu.region"() ({
      %run_scoped3A_42 = tpu.sem_alloc : memref<!tpu.dma_semaphore, #tpu.memory_space<semaphore_mem>>
      %dma_start3A_43 = arith.constant 0 : i32
      %dma_start3A_44 = arith.constant 0 : i32
      %dma_start3A_45 = tpu.memref_slice %arg4[%arg0, %arg1, %run_scoped3A_19, %dma_start3A_43, %dma_start3A_44] : memref<2x16x2x118x128xi32, #tpu.memory_space<hbm>> -> memref<1x1x1x118x128xi32, #tpu.memory_space<hbm>>
      %dma_start3A_46 = tpu.memref_squeeze %dma_start3A_45 : memref<1x1x1x118x128xi32, #tpu.memory_space<hbm>> -> memref<118x128xi32, #tpu.memory_space<hbm>>
      %dma_start3A_47 = arith.constant 0 : i32
      %dma_start3A_48 = arith.constant 0 : i32
      %dma_start3A_49 = tpu.memref_slice %arg4[%arg0, %arg1, %run_scoped3A_19, %dma_start3A_47, %dma_start3A_48] : memref<2x16x2x118x128xi32, #tpu.memory_space<hbm>> -> memref<1x1x1x118x128xi32, #tpu.memory_space<hbm>>
      %dma_start3A_50 = tpu.memref_squeeze %dma_start3A_49 : memref<1x1x1x118x128xi32, #tpu.memory_space<hbm>> -> memref<118x128xi32, #tpu.memory_space<hbm>>
      tpu.enqueue_dma source(%dma_start3A_50 : memref<118x128xi32, #tpu.memory_space<hbm>>) target(%arg7 : memref<118x128xi32, #tpu.memory_space<vmem>>) target_semaphore(%run_scoped3A_42 : memref<!tpu.dma_semaphore, #tpu.memory_space<semaphore_mem>>)
      %dma_wait3A = arith.constant 0 : i32
      %dma_wait3A_51 = arith.constant 0 : i32
      %dma_wait3A_52 = tpu.memref_slice %arg4[%arg0, %arg1, %run_scoped3A_19, %dma_wait3A, %dma_wait3A_51] : memref<2x16x2x118x128xi32, #tpu.memory_space<hbm>> -> memref<1x1x1x118x128xi32, #tpu.memory_space<hbm>>
      %dma_wait3A_53 = tpu.memref_squeeze %dma_wait3A_52 : memref<1x1x1x118x128xi32, #tpu.memory_space<hbm>> -> memref<118x128xi32, #tpu.memory_space<hbm>>
      %dma_wait3A_54 = arith.constant 0 : i32
      %dma_wait3A_55 = arith.constant 0 : i32
      %dma_wait3A_56 = tpu.memref_slice %arg4[%arg0, %arg1, %run_scoped3A_19, %dma_wait3A_54, %dma_wait3A_55] : memref<2x16x2x118x128xi32, #tpu.memory_space<hbm>> -> memref<1x1x1x118x128xi32, #tpu.memory_space<hbm>>
      %dma_wait3A_57 = tpu.memref_squeeze %dma_wait3A_56 : memref<1x1x1x118x128xi32, #tpu.memory_space<hbm>> -> memref<118x128xi32, #tpu.memory_space<hbm>>
      tpu.wait_dma2 semaphore(%run_scoped3A_42 : memref<!tpu.dma_semaphore, #tpu.memory_space<semaphore_mem>>) src(%dma_wait3A_57 : memref<118x128xi32, #tpu.memory_space<hbm>>) dst(%arg7 : memref<118x128xi32, #tpu.memory_space<vmem>>)
      tpu.yield
    }) : () -> ()
    %dma_start3A_20 = arith.constant 0 : i32
    %dma_start3A_21 = arith.constant 0 : i32
    %dma_start3A_22 = tpu.memref_slice %arg6[%dma_start3A_20, %dma_start3A_21] : memref<118x128xi32, #tpu.memory_space<vmem>> -> memref<1x128xi32, #tpu.memory_space<vmem>>
    %dma_start3A_23 = tpu.memref_squeeze %dma_start3A_22 : memref<1x128xi32, #tpu.memory_space<vmem>> -> memref<128xi32, #tpu.memory_space<vmem>>
    %dma_start3A_24 = arith.constant 0 : i32
    %dma_start3A_25 = arith.constant 0 : i32
    %dma_start3A_26 = tpu.memref_slice %arg2[%dma_start3A_24, %dma_start3A_25] : memref<15104x128xf32, #tpu.memory_space<hbm>> -> memref<15104x128xf32, #tpu.memory_space<hbm>>
    tpu.enqueue_indirect_dma source(%dma_start3A_26 : memref<15104x128xf32, #tpu.memory_space<hbm>>) target(%arg8 : memref<128x128xf32, #tpu.memory_space<vmem>>) offsets(%dma_start3A_23 : memref<128xi32, #tpu.memory_space<vmem>>) semaphore(%arg11 : memref<!tpu.dma_semaphore, #tpu.memory_space<semaphore_mem>>)
    %scan3A_27 = arith.constant 0 : i32
    %scan3A_28 = arith.constant 0 : i32
    %scan3A_29 = arith.constant 59 : i32
    %scan3A_30 = arith.addi %scan3A_28, %scan3A_29 : i32
    %scan3A_31 = arith.constant 1 : i32
    %scan3A_32 = scf.for %scan3A_42 = %scan3A_28 to %scan3A_30 step %scan3A_31 iter_args(%scan3A_43 = %scan3A_27) -> (i32)  : i32 {
      %mul3A_44 = arith.constant 2 : i32
      %mul3A_45 = arith.muli %mul3A_44, %scan3A_42 : i32
      %add3A_46 = arith.constant 1 : i32
      %add3A_47 = arith.addi %mul3A_45, %add3A_46 : i32
      %dma_start3A_48 = arith.constant 0 : i32
      %dma_start3A_49 = tpu.memref_slice %arg6[%add3A_47, %dma_start3A_48] : memref<118x128xi32, #tpu.memory_space<vmem>> -> memref<1x128xi32, #tpu.memory_space<vmem>>
      %dma_start3A_50 = tpu.memref_squeeze %dma_start3A_49 : memref<1x128xi32, #tpu.memory_space<vmem>> -> memref<128xi32, #tpu.memory_space<vmem>>
      %dma_start3A_51 = arith.constant 0 : i32
      %dma_start3A_52 = arith.constant 0 : i32
      %dma_start3A_53 = tpu.memref_slice %arg2[%dma_start3A_51, %dma_start3A_52] : memref<15104x128xf32, #tpu.memory_space<hbm>> -> memref<15104x128xf32, #tpu.memory_space<hbm>>
      tpu.enqueue_indirect_dma source(%dma_start3A_53 : memref<15104x128xf32, #tpu.memory_space<hbm>>) target(%arg9 : memref<128x128xf32, #tpu.memory_space<vmem>>) offsets(%dma_start3A_50 : memref<128xi32, #tpu.memory_space<vmem>>) semaphore(%arg12 : memref<!tpu.dma_semaphore, #tpu.memory_space<semaphore_mem>>)
      %dma_wait3A = arith.constant 0 : i32
      %dma_wait3A_54 = tpu.memref_slice %arg6[%mul3A_45, %dma_wait3A] : memref<118x128xi32, #tpu.memory_space<vmem>> -> memref<1x128xi32, #tpu.memory_space<vmem>>
      %dma_wait3A_55 = tpu.memref_squeeze %dma_wait3A_54 : memref<1x128xi32, #tpu.memory_space<vmem>> -> memref<128xi32, #tpu.memory_space<vmem>>
      %dma_wait3A_56 = arith.constant 0 : i32
      %dma_wait3A_57 = arith.constant 0 : i32
      %dma_wait3A_58 = tpu.memref_slice %arg2[%dma_wait3A_56, %dma_wait3A_57] : memref<15104x128xf32, #tpu.memory_space<hbm>> -> memref<15104x128xf32, #tpu.memory_space<hbm>>
      tpu.wait_indirect_dma semaphore(%arg11 : memref<!tpu.dma_semaphore, #tpu.memory_space<semaphore_mem>>) src(%dma_wait3A_58 : memref<15104x128xf32, #tpu.memory_space<hbm>>) dst(%arg8 : memref<128x128xf32, #tpu.memory_space<vmem>>)
      "tpu.region"() ({
        %run_scoped3A_72 = tpu.sem_alloc : memref<!tpu.dma_semaphore, #tpu.memory_space<semaphore_mem>>
        %dma_start3A_73 = arith.constant 0 : i32
        %dma_start3A_74 = tpu.memref_slice %arg7[%mul3A_45, %dma_start3A_73] : memref<118x128xi32, #tpu.memory_space<vmem>> -> memref<1x128xi32, #tpu.memory_space<vmem>>
        %dma_start3A_75 = tpu.memref_squeeze %dma_start3A_74 : memref<1x128xi32, #tpu.memory_space<vmem>> -> memref<128xi32, #tpu.memory_space<vmem>>
        %dma_start3A_76 = arith.constant 0 : i32
        %dma_start3A_77 = arith.constant 0 : i32
        %dma_start3A_78 = tpu.memref_slice %arg10[%dma_start3A_76, %dma_start3A_77] : memref<7680x128xf32, #tpu.memory_space<vmem_shared>> -> memref<7680x128xf32, #tpu.memory_space<vmem_shared>>
        tpu.enqueue_indirect_dma source(%arg8 : memref<128x128xf32, #tpu.memory_space<vmem>>) target(%dma_start3A_78 : memref<7680x128xf32, #tpu.memory_space<vmem_shared>>) offsets(%dma_start3A_75 : memref<128xi32, #tpu.memory_space<vmem>>) semaphore(%run_scoped3A_72 : memref<!tpu.dma_semaphore, #tpu.memory_space<semaphore_mem>>) {add = true}
        %dma_wait3A_79 = arith.constant 0 : i32
        %dma_wait3A_80 = tpu.memref_slice %arg7[%mul3A_45, %dma_wait3A_79] : memref<118x128xi32, #tpu.memory_space<vmem>> -> memref<1x128xi32, #tpu.memory_space<vmem>>
        %dma_wait3A_81 = tpu.memref_squeeze %dma_wait3A_80 : memref<1x128xi32, #tpu.memory_space<vmem>> -> memref<128xi32, #tpu.memory_space<vmem>>
        %dma_wait3A_82 = arith.constant 0 : i32
        %dma_wait3A_83 = arith.constant 0 : i32
        %dma_wait3A_84 = tpu.memref_slice %arg10[%dma_wait3A_82, %dma_wait3A_83] : memref<7680x128xf32, #tpu.memory_space<vmem_shared>> -> memref<7680x128xf32, #tpu.memory_space<vmem_shared>>
        tpu.wait_indirect_dma semaphore(%run_scoped3A_72 : memref<!tpu.dma_semaphore, #tpu.memory_space<semaphore_mem>>) src(%arg8 : memref<128x128xf32, #tpu.memory_space<vmem>>) dst(%dma_wait3A_84 : memref<7680x128xf32, #tpu.memory_space<vmem_shared>>)
        tpu.yield
      }) : () -> ()
      %add3A_59 = arith.constant 2 : i32
      %add3A_60 = arith.addi %mul3A_45, %add3A_59 : i32
      %lt3A = arith.constant 118 : i32
      %lt3A_61 = arith.cmpi slt, %add3A_60, %lt3A : i32
      %convert_element_type3A = arith.extui %lt3A_61 : i1 to i32
      %cond3A = arith.constant 0 : i32
      %cond3A_62 = arith.cmpi ne, %convert_element_type3A, %cond3A : i32
      scf.if %cond3A_62 {
        %add3A_72 = arith.constant 2 : i32
        %add3A_73 = arith.addi %mul3A_45, %add3A_72 : i32
        %dma_start3A_74 = arith.constant 0 : i32
        %dma_start3A_75 = tpu.memref_slice %arg6[%add3A_73, %dma_start3A_74] : memref<118x128xi32, #tpu.memory_space<vmem>> -> memref<1x128xi32, #tpu.memory_space<vmem>>
        %dma_start3A_76 = tpu.memref_squeeze %dma_start3A_75 : memref<1x128xi32, #tpu.memory_space<vmem>> -> memref<128xi32, #tpu.memory_space<vmem>>
        %dma_start3A_77 = arith.constant 0 : i32
        %dma_start3A_78 = arith.constant 0 : i32
        %dma_start3A_79 = tpu.memref_slice %arg2[%dma_start3A_77, %dma_start3A_78] : memref<15104x128xf32, #tpu.memory_space<hbm>> -> memref<15104x128xf32, #tpu.memory_space<hbm>>
        tpu.enqueue_indirect_dma source(%dma_start3A_79 : memref<15104x128xf32, #tpu.memory_space<hbm>>) target(%arg8 : memref<128x128xf32, #tpu.memory_space<vmem>>) offsets(%dma_start3A_76 : memref<128xi32, #tpu.memory_space<vmem>>) semaphore(%arg11 : memref<!tpu.dma_semaphore, #tpu.memory_space<semaphore_mem>>)
      } else {
      }
      %dma_wait3A_63 = arith.constant 0 : i32
      %dma_wait3A_64 = tpu.memref_slice %arg6[%add3A_47, %dma_wait3A_63] : memref<118x128xi32, #tpu.memory_space<vmem>> -> memref<1x128xi32, #tpu.memory_space<vmem>>
      %dma_wait3A_65 = tpu.memref_squeeze %dma_wait3A_64 : memref<1x128xi32, #tpu.memory_space<vmem>> -> memref<128xi32, #tpu.memory_space<vmem>>
      %dma_wait3A_66 = arith.constant 0 : i32
      %dma_wait3A_67 = arith.constant 0 : i32
      %dma_wait3A_68 = tpu.memref_slice %arg2[%dma_wait3A_66, %dma_wait3A_67] : memref<15104x128xf32, #tpu.memory_space<hbm>> -> memref<15104x128xf32, #tpu.memory_space<hbm>>
      tpu.wait_indirect_dma semaphore(%arg12 : memref<!tpu.dma_semaphore, #tpu.memory_space<semaphore_mem>>) src(%dma_wait3A_68 : memref<15104x128xf32, #tpu.memory_space<hbm>>) dst(%arg9 : memref<128x128xf32, #tpu.memory_space<vmem>>)
      %add3A_69 = arith.constant 1 : i32
      %add3A_70 = arith.addi %mul3A_45, %add3A_69 : i32
      "tpu.region"() ({
        %run_scoped3A_72 = tpu.sem_alloc : memref<!tpu.dma_semaphore, #tpu.memory_space<semaphore_mem>>
        %dma_start3A_73 = arith.constant 0 : i32
        %dma_start3A_74 = tpu.memref_slice %arg7[%add3A_70, %dma_start3A_73] : memref<118x128xi32, #tpu.memory_space<vmem>> -> memref<1x128xi32, #tpu.memory_space<vmem>>
        %dma_start3A_75 = tpu.memref_squeeze %dma_start3A_74 : memref<1x128xi32, #tpu.memory_space<vmem>> -> memref<128xi32, #tpu.memory_space<vmem>>
        %dma_start3A_76 = arith.constant 0 : i32
        %dma_start3A_77 = arith.constant 0 : i32
        %dma_start3A_78 = tpu.memref_slice %arg10[%dma_start3A_76, %dma_start3A_77] : memref<7680x128xf32, #tpu.memory_space<vmem_shared>> -> memref<7680x128xf32, #tpu.memory_space<vmem_shared>>
        tpu.enqueue_indirect_dma source(%arg9 : memref<128x128xf32, #tpu.memory_space<vmem>>) target(%dma_start3A_78 : memref<7680x128xf32, #tpu.memory_space<vmem_shared>>) offsets(%dma_start3A_75 : memref<128xi32, #tpu.memory_space<vmem>>) semaphore(%run_scoped3A_72 : memref<!tpu.dma_semaphore, #tpu.memory_space<semaphore_mem>>) {add = true}
        %dma_wait3A_79 = arith.constant 0 : i32
        %dma_wait3A_80 = tpu.memref_slice %arg7[%add3A_70, %dma_wait3A_79] : memref<118x128xi32, #tpu.memory_space<vmem>> -> memref<1x128xi32, #tpu.memory_space<vmem>>
        %dma_wait3A_81 = tpu.memref_squeeze %dma_wait3A_80 : memref<1x128xi32, #tpu.memory_space<vmem>> -> memref<128xi32, #tpu.memory_space<vmem>>
        %dma_wait3A_82 = arith.constant 0 : i32
        %dma_wait3A_83 = arith.constant 0 : i32
        %dma_wait3A_84 = tpu.memref_slice %arg10[%dma_wait3A_82, %dma_wait3A_83] : memref<7680x128xf32, #tpu.memory_space<vmem_shared>> -> memref<7680x128xf32, #tpu.memory_space<vmem_shared>>
        tpu.wait_indirect_dma semaphore(%run_scoped3A_72 : memref<!tpu.dma_semaphore, #tpu.memory_space<semaphore_mem>>) src(%arg9 : memref<128x128xf32, #tpu.memory_space<vmem>>) dst(%dma_wait3A_84 : memref<7680x128xf32, #tpu.memory_space<vmem_shared>>)
        tpu.yield
      }) : () -> ()
      %scan3A_71 = arith.constant 0 : i32
      scf.yield %scan3A_71 : i32
    }
    %scan3A_33 = arith.constant 59 : i32
    %barrier3A_34 = arith.constant 0 : index
    tpu.barrier barrier_id(%barrier3A_34)
    %mul3A_35 = arith.constant 472 : i32
    %mul3A_36 = arith.muli %arg1, %mul3A_35 : i32
    %mul3A_37 = arith.constant 7552 : i32
    %mul3A_38 = arith.muli %arg0, %mul3A_37 : i32
    %mul3A_39 = arith.constant 472 : i32
    %mul3A_40 = arith.muli %arg1, %mul3A_39 : i32
    %add3A_41 = arith.addi %mul3A_38, %mul3A_40 : i32
    "tpu.region"() ({
      %run_scoped3A_42 = tpu.sem_alloc : memref<!tpu.dma_semaphore, #tpu.memory_space<semaphore_mem>>
      %dma_start3A_43 = arith.constant 0 : i32
      %dma_start3A_44 = tpu.memref_slice %arg5[%add3A_41, %dma_start3A_43] : memref<15104x128xf32, #tpu.memory_space<hbm>> -> memref<472x128xf32, #tpu.memory_space<hbm>>
      %dma_start3A_45 = arith.constant 0 : i32
      %dma_start3A_46 = tpu.memref_slice %arg10[%mul3A_36, %dma_start3A_45] : memref<7680x128xf32, #tpu.memory_space<vmem_shared>> -> memref<472x128xf32, #tpu.memory_space<vmem_shared>>
      tpu.enqueue_dma source(%dma_start3A_46 : memref<472x128xf32, #tpu.memory_space<vmem_shared>>) target(%dma_start3A_44 : memref<472x128xf32, #tpu.memory_space<hbm>>) target_semaphore(%run_scoped3A_42 : memref<!tpu.dma_semaphore, #tpu.memory_space<semaphore_mem>>)
      %dma_wait3A = arith.constant 0 : i32
      %dma_wait3A_47 = tpu.memref_slice %arg5[%add3A_41, %dma_wait3A] : memref<15104x128xf32, #tpu.memory_space<hbm>> -> memref<472x128xf32, #tpu.memory_space<hbm>>
      %dma_wait3A_48 = arith.constant 0 : i32
      %dma_wait3A_49 = tpu.memref_slice %arg10[%mul3A_36, %dma_wait3A_48] : memref<7680x128xf32, #tpu.memory_space<vmem_shared>> -> memref<472x128xf32, #tpu.memory_space<vmem_shared>>
      tpu.wait_dma2 semaphore(%run_scoped3A_42 : memref<!tpu.dma_semaphore, #tpu.memory_space<semaphore_mem>>) src(%dma_wait3A_49 : memref<472x128xf32, #tpu.memory_space<vmem_shared>>) dst(%dma_wait3A_47 : memref<472x128xf32, #tpu.memory_space<hbm>>)
      tpu.yield
    }) : () -> ()
    return
  }
}

#map = affine_map<(d0, d1) -> (0, 0)>
#map1 = affine_map<(d0, d1) -> (0, 0, 0, 0, 0)>
module attributes {stable_mosaic.version = 14 : i64} {
  func.func @_sc_gather_deg_body(%arg0: i32, %arg1: i32, %arg2: memref<15000x128xf32, #tpu.memory_space<hbm>>, %arg3: memref<118x128xi32, #tpu.memory_space<hbm>>, %arg4: memref<2x16x2x118x128xi32, #tpu.memory_space<hbm>>, %arg5: memref<128x128xf32, #tpu.memory_space<hbm>>, %arg6: memref<480x128xf32, #tpu.memory_space<hbm>>, %arg7: memref<15104x128xf32, #tpu.memory_space<hbm>>, %arg8: memref<15104x128xf32, #tpu.memory_space<hbm>>, %arg9: memref<128xi32, #tpu.memory_space<vmem>>, %arg10: memref<118x128xi32, #tpu.memory_space<vmem>>, %arg11: memref<128x128xf32, #tpu.memory_space<vmem>>, %arg12: memref<128x128xf32, #tpu.memory_space<vmem>>, %arg13: memref<7680x128xf32, #tpu.memory_space<vmem_shared>>, %arg14: memref<!tpu.dma_semaphore, #tpu.memory_space<semaphore_mem>>) attributes {dimension_semantics = [#tpu.dimension_semantics<core_parallel>, #tpu.dimension_semantics<subcore_parallel>], iteration_bounds = array<i64: 2, 16>, scalar_prefetch = 0 : i64, scratch_operands = 6 : i64, tpu.core_type = #tpu.core_type<sc_vector_subcore>, window_params = [{transform_indices = #map}, {transform_indices = #map}, {transform_indices = #map1}, {transform_indices = #map}, {transform_indices = #map}, {transform_indices = #map}, {transform_indices = #map}]} {
    %mul3A = arith.constant 2 : i32
    %mul3A_0 = arith.muli %arg1, %mul3A : i32
    %add3A = arith.addi %mul3A_0, %arg0 : i32
    %mul3A_1 = arith.constant 480 : i32
    %mul3A_2 = arith.muli %arg1, %mul3A_1 : i32
    "tpu.region"() ({
      %run_scoped3A_32 = tpu.sem_alloc : memref<!tpu.dma_semaphore, #tpu.memory_space<semaphore_mem>>
      %dma_start3A = arith.constant 0 : i32
      %dma_start3A_33 = tpu.memref_slice %arg13[%mul3A_2, %dma_start3A] : memref<7680x128xf32, #tpu.memory_space<vmem_shared>> -> memref<480x128xf32, #tpu.memory_space<vmem_shared>>
      tpu.enqueue_dma source(%arg6 : memref<480x128xf32, #tpu.memory_space<hbm>>) target(%dma_start3A_33 : memref<480x128xf32, #tpu.memory_space<vmem_shared>>) target_semaphore(%run_scoped3A_32 : memref<!tpu.dma_semaphore, #tpu.memory_space<semaphore_mem>>)
      %dma_wait3A = arith.constant 0 : i32
      %dma_wait3A_34 = tpu.memref_slice %arg13[%mul3A_2, %dma_wait3A] : memref<7680x128xf32, #tpu.memory_space<vmem_shared>> -> memref<480x128xf32, #tpu.memory_space<vmem_shared>>
      tpu.wait_dma2 semaphore(%run_scoped3A_32 : memref<!tpu.dma_semaphore, #tpu.memory_space<semaphore_mem>>) src(%arg6 : memref<480x128xf32, #tpu.memory_space<hbm>>) dst(%dma_wait3A_34 : memref<480x128xf32, #tpu.memory_space<vmem_shared>>)
      tpu.yield
    }) : () -> ()
    %scan3A = arith.constant 0 : i32
    %scan3A_3 = arith.constant 0 : i32
    %scan3A_4 = arith.constant 4 : i32
    %scan3A_5 = arith.addi %scan3A_3, %scan3A_4 : i32
    %scan3A_6 = arith.constant 1 : i32
    %scan3A_7 = scf.for %scan3A_32 = %scan3A_3 to %scan3A_5 step %scan3A_6 iter_args(%scan3A_33 = %scan3A) -> (i32)  : i32 {
      %mul3A_34 = arith.constant 32 : i32
      %mul3A_35 = arith.muli %scan3A_32, %mul3A_34 : i32
      %add3A_36 = arith.addi %add3A, %mul3A_35 : i32
      %lt3A = arith.constant 118 : i32
      %lt3A_37 = arith.cmpi slt, %add3A_36, %lt3A : i32
      %convert_element_type3A = arith.extui %lt3A_37 : i1 to i32
      %cond3A = arith.constant 0 : i32
      %cond3A_38 = arith.cmpi ne, %convert_element_type3A, %cond3A : i32
      scf.if %cond3A_38 {
        "tpu.region"() ({
          %run_scoped3A_46 = tpu.sem_alloc : memref<!tpu.dma_semaphore, #tpu.memory_space<semaphore_mem>>
          %dma_start3A_47 = arith.constant 0 : i32
          %dma_start3A_48 = tpu.memref_slice %arg3[%add3A_36, %dma_start3A_47] : memref<118x128xi32, #tpu.memory_space<hbm>> -> memref<1x128xi32, #tpu.memory_space<hbm>>
          %dma_start3A_49 = tpu.memref_squeeze %dma_start3A_48 : memref<1x128xi32, #tpu.memory_space<hbm>> -> memref<128xi32, #tpu.memory_space<hbm>>
          %dma_start3A_50 = arith.constant 0 : i32
          %dma_start3A_51 = tpu.memref_slice %arg3[%add3A_36, %dma_start3A_50] : memref<118x128xi32, #tpu.memory_space<hbm>> -> memref<1x128xi32, #tpu.memory_space<hbm>>
          %dma_start3A_52 = tpu.memref_squeeze %dma_start3A_51 : memref<1x128xi32, #tpu.memory_space<hbm>> -> memref<128xi32, #tpu.memory_space<hbm>>
          tpu.enqueue_dma source(%dma_start3A_52 : memref<128xi32, #tpu.memory_space<hbm>>) target(%arg9 : memref<128xi32, #tpu.memory_space<vmem>>) target_semaphore(%run_scoped3A_46 : memref<!tpu.dma_semaphore, #tpu.memory_space<semaphore_mem>>)
          %dma_wait3A_53 = arith.constant 0 : i32
          %dma_wait3A_54 = tpu.memref_slice %arg3[%add3A_36, %dma_wait3A_53] : memref<118x128xi32, #tpu.memory_space<hbm>> -> memref<1x128xi32, #tpu.memory_space<hbm>>
          %dma_wait3A_55 = tpu.memref_squeeze %dma_wait3A_54 : memref<1x128xi32, #tpu.memory_space<hbm>> -> memref<128xi32, #tpu.memory_space<hbm>>
          %dma_wait3A_56 = arith.constant 0 : i32
          %dma_wait3A_57 = tpu.memref_slice %arg3[%add3A_36, %dma_wait3A_56] : memref<118x128xi32, #tpu.memory_space<hbm>> -> memref<1x128xi32, #tpu.memory_space<hbm>>
          %dma_wait3A_58 = tpu.memref_squeeze %dma_wait3A_57 : memref<1x128xi32, #tpu.memory_space<hbm>> -> memref<128xi32, #tpu.memory_space<hbm>>
          tpu.wait_dma2 semaphore(%run_scoped3A_46 : memref<!tpu.dma_semaphore, #tpu.memory_space<semaphore_mem>>) src(%dma_wait3A_58 : memref<128xi32, #tpu.memory_space<hbm>>) dst(%arg9 : memref<128xi32, #tpu.memory_space<vmem>>)
          tpu.yield
        }) : () -> ()
        %dma_start3A = arith.constant 0 : i32
        %dma_start3A_40 = arith.constant 0 : i32
        %dma_start3A_41 = tpu.memref_slice %arg2[%dma_start3A, %dma_start3A_40] : memref<15000x128xf32, #tpu.memory_space<hbm>> -> memref<15000x128xf32, #tpu.memory_space<hbm>>
        tpu.enqueue_indirect_dma source(%dma_start3A_41 : memref<15000x128xf32, #tpu.memory_space<hbm>>) target(%arg11 : memref<128x128xf32, #tpu.memory_space<vmem>>) offsets(%arg9 : memref<128xi32, #tpu.memory_space<vmem>>) semaphore(%arg14 : memref<!tpu.dma_semaphore, #tpu.memory_space<semaphore_mem>>)
        %dma_wait3A = arith.constant 0 : i32
        %dma_wait3A_42 = arith.constant 0 : i32
        %dma_wait3A_43 = tpu.memref_slice %arg2[%dma_wait3A, %dma_wait3A_42] : memref<15000x128xf32, #tpu.memory_space<hbm>> -> memref<15000x128xf32, #tpu.memory_space<hbm>>
        tpu.wait_indirect_dma semaphore(%arg14 : memref<!tpu.dma_semaphore, #tpu.memory_space<semaphore_mem>>) src(%dma_wait3A_43 : memref<15000x128xf32, #tpu.memory_space<hbm>>) dst(%arg11 : memref<128x128xf32, #tpu.memory_space<vmem>>)
        %mul3A_44 = arith.constant 128 : i32
        %mul3A_45 = arith.muli %add3A_36, %mul3A_44 : i32
        "tpu.region"() ({
          %run_scoped3A_46 = tpu.sem_alloc : memref<!tpu.dma_semaphore, #tpu.memory_space<semaphore_mem>>
          %dma_start3A_47 = arith.constant 0 : i32
          %dma_start3A_48 = tpu.memref_slice %arg7[%mul3A_45, %dma_start3A_47] : memref<15104x128xf32, #tpu.memory_space<hbm>> -> memref<128x128xf32, #tpu.memory_space<hbm>>
          %dma_start3A_49 = arith.constant 0 : i32
          %dma_start3A_50 = tpu.memref_slice %arg7[%mul3A_45, %dma_start3A_49] : memref<15104x128xf32, #tpu.memory_space<hbm>> -> memref<128x128xf32, #tpu.memory_space<hbm>>
          tpu.enqueue_dma source(%arg11 : memref<128x128xf32, #tpu.memory_space<vmem>>) target(%dma_start3A_50 : memref<128x128xf32, #tpu.memory_space<hbm>>) target_semaphore(%run_scoped3A_46 : memref<!tpu.dma_semaphore, #tpu.memory_space<semaphore_mem>>)
          %dma_wait3A_51 = arith.constant 0 : i32
          %dma_wait3A_52 = tpu.memref_slice %arg7[%mul3A_45, %dma_wait3A_51] : memref<15104x128xf32, #tpu.memory_space<hbm>> -> memref<128x128xf32, #tpu.memory_space<hbm>>
          %dma_wait3A_53 = arith.constant 0 : i32
          %dma_wait3A_54 = tpu.memref_slice %arg7[%mul3A_45, %dma_wait3A_53] : memref<15104x128xf32, #tpu.memory_space<hbm>> -> memref<128x128xf32, #tpu.memory_space<hbm>>
          tpu.wait_dma2 semaphore(%run_scoped3A_46 : memref<!tpu.dma_semaphore, #tpu.memory_space<semaphore_mem>>) src(%arg11 : memref<128x128xf32, #tpu.memory_space<vmem>>) dst(%dma_wait3A_54 : memref<128x128xf32, #tpu.memory_space<hbm>>)
          tpu.yield
        }) : () -> ()
      } else {
      }
      %scan3A_39 = arith.constant 0 : i32
      scf.yield %scan3A_39 : i32
    }
    %scan3A_8 = arith.constant 4 : i32
    "tpu.region"() ({
      %run_scoped3A_32 = tpu.sem_alloc : memref<!tpu.dma_semaphore, #tpu.memory_space<semaphore_mem>>
      tpu.enqueue_dma source(%arg5 : memref<128x128xf32, #tpu.memory_space<hbm>>) target(%arg12 : memref<128x128xf32, #tpu.memory_space<vmem>>) target_semaphore(%run_scoped3A_32 : memref<!tpu.dma_semaphore, #tpu.memory_space<semaphore_mem>>)
      tpu.wait_dma2 semaphore(%run_scoped3A_32 : memref<!tpu.dma_semaphore, #tpu.memory_space<semaphore_mem>>) src(%arg5 : memref<128x128xf32, #tpu.memory_space<hbm>>) dst(%arg12 : memref<128x128xf32, #tpu.memory_space<vmem>>)
      tpu.yield
    }) : () -> ()
    %barrier3A = arith.constant 0 : index
    tpu.barrier barrier_id(%barrier3A)
    %run_scoped3A = arith.constant 0 : i32
    "tpu.region"() ({
      %run_scoped3A_32 = tpu.sem_alloc : memref<!tpu.dma_semaphore, #tpu.memory_space<semaphore_mem>>
      %dma_start3A = arith.constant 0 : i32
      %dma_start3A_33 = arith.constant 0 : i32
      %dma_start3A_34 = tpu.memref_slice %arg4[%arg0, %arg1, %run_scoped3A, %dma_start3A, %dma_start3A_33] : memref<2x16x2x118x128xi32, #tpu.memory_space<hbm>> -> memref<1x1x1x118x128xi32, #tpu.memory_space<hbm>>
      %dma_start3A_35 = tpu.memref_squeeze %dma_start3A_34 : memref<1x1x1x118x128xi32, #tpu.memory_space<hbm>> -> memref<118x128xi32, #tpu.memory_space<hbm>>
      %dma_start3A_36 = arith.constant 0 : i32
      %dma_start3A_37 = arith.constant 0 : i32
      %dma_start3A_38 = tpu.memref_slice %arg4[%arg0, %arg1, %run_scoped3A, %dma_start3A_36, %dma_start3A_37] : memref<2x16x2x118x128xi32, #tpu.memory_space<hbm>> -> memref<1x1x1x118x128xi32, #tpu.memory_space<hbm>>
      %dma_start3A_39 = tpu.memref_squeeze %dma_start3A_38 : memref<1x1x1x118x128xi32, #tpu.memory_space<hbm>> -> memref<118x128xi32, #tpu.memory_space<hbm>>
      tpu.enqueue_dma source(%dma_start3A_39 : memref<118x128xi32, #tpu.memory_space<hbm>>) target(%arg10 : memref<118x128xi32, #tpu.memory_space<vmem>>) target_semaphore(%run_scoped3A_32 : memref<!tpu.dma_semaphore, #tpu.memory_space<semaphore_mem>>)
      %dma_wait3A = arith.constant 0 : i32
      %dma_wait3A_40 = arith.constant 0 : i32
      %dma_wait3A_41 = tpu.memref_slice %arg4[%arg0, %arg1, %run_scoped3A, %dma_wait3A, %dma_wait3A_40] : memref<2x16x2x118x128xi32, #tpu.memory_space<hbm>> -> memref<1x1x1x118x128xi32, #tpu.memory_space<hbm>>
      %dma_wait3A_42 = tpu.memref_squeeze %dma_wait3A_41 : memref<1x1x1x118x128xi32, #tpu.memory_space<hbm>> -> memref<118x128xi32, #tpu.memory_space<hbm>>
      %dma_wait3A_43 = arith.constant 0 : i32
      %dma_wait3A_44 = arith.constant 0 : i32
      %dma_wait3A_45 = tpu.memref_slice %arg4[%arg0, %arg1, %run_scoped3A, %dma_wait3A_43, %dma_wait3A_44] : memref<2x16x2x118x128xi32, #tpu.memory_space<hbm>> -> memref<1x1x1x118x128xi32, #tpu.memory_space<hbm>>
      %dma_wait3A_46 = tpu.memref_squeeze %dma_wait3A_45 : memref<1x1x1x118x128xi32, #tpu.memory_space<hbm>> -> memref<118x128xi32, #tpu.memory_space<hbm>>
      tpu.wait_dma2 semaphore(%run_scoped3A_32 : memref<!tpu.dma_semaphore, #tpu.memory_space<semaphore_mem>>) src(%dma_wait3A_46 : memref<118x128xi32, #tpu.memory_space<hbm>>) dst(%arg10 : memref<118x128xi32, #tpu.memory_space<vmem>>)
      tpu.yield
    }) : () -> ()
    %scan3A_9 = arith.constant 0 : i32
    %scan3A_10 = arith.constant 0 : i32
    %scan3A_11 = arith.constant 118 : i32
    %scan3A_12 = arith.addi %scan3A_10, %scan3A_11 : i32
    %scan3A_13 = arith.constant 1 : i32
    %scan3A_14 = scf.for %scan3A_32 = %scan3A_10 to %scan3A_12 step %scan3A_13 iter_args(%scan3A_33 = %scan3A_9) -> (i32)  : i32 {
      "tpu.region"() ({
        %run_scoped3A_35 = tpu.sem_alloc : memref<!tpu.dma_semaphore, #tpu.memory_space<semaphore_mem>>
        %dma_start3A = arith.constant 0 : i32
        %dma_start3A_36 = tpu.memref_slice %arg10[%scan3A_32, %dma_start3A] : memref<118x128xi32, #tpu.memory_space<vmem>> -> memref<1x128xi32, #tpu.memory_space<vmem>>
        %dma_start3A_37 = tpu.memref_squeeze %dma_start3A_36 : memref<1x128xi32, #tpu.memory_space<vmem>> -> memref<128xi32, #tpu.memory_space<vmem>>
        %dma_start3A_38 = arith.constant 0 : i32
        %dma_start3A_39 = arith.constant 0 : i32
        %dma_start3A_40 = tpu.memref_slice %arg13[%dma_start3A_38, %dma_start3A_39] : memref<7680x128xf32, #tpu.memory_space<vmem_shared>> -> memref<7680x128xf32, #tpu.memory_space<vmem_shared>>
        tpu.enqueue_indirect_dma source(%arg12 : memref<128x128xf32, #tpu.memory_space<vmem>>) target(%dma_start3A_40 : memref<7680x128xf32, #tpu.memory_space<vmem_shared>>) offsets(%dma_start3A_37 : memref<128xi32, #tpu.memory_space<vmem>>) semaphore(%run_scoped3A_35 : memref<!tpu.dma_semaphore, #tpu.memory_space<semaphore_mem>>) {add = true}
        %dma_wait3A = arith.constant 0 : i32
        %dma_wait3A_41 = tpu.memref_slice %arg10[%scan3A_32, %dma_wait3A] : memref<118x128xi32, #tpu.memory_space<vmem>> -> memref<1x128xi32, #tpu.memory_space<vmem>>
        %dma_wait3A_42 = tpu.memref_squeeze %dma_wait3A_41 : memref<1x128xi32, #tpu.memory_space<vmem>> -> memref<128xi32, #tpu.memory_space<vmem>>
        %dma_wait3A_43 = arith.constant 0 : i32
        %dma_wait3A_44 = arith.constant 0 : i32
        %dma_wait3A_45 = tpu.memref_slice %arg13[%dma_wait3A_43, %dma_wait3A_44] : memref<7680x128xf32, #tpu.memory_space<vmem_shared>> -> memref<7680x128xf32, #tpu.memory_space<vmem_shared>>
        tpu.wait_indirect_dma semaphore(%run_scoped3A_35 : memref<!tpu.dma_semaphore, #tpu.memory_space<semaphore_mem>>) src(%arg12 : memref<128x128xf32, #tpu.memory_space<vmem>>) dst(%dma_wait3A_45 : memref<7680x128xf32, #tpu.memory_space<vmem_shared>>)
        tpu.yield
      }) : () -> ()
      %scan3A_34 = arith.constant 0 : i32
      scf.yield %scan3A_34 : i32
    }
    %scan3A_15 = arith.constant 118 : i32
    %run_scoped3A_16 = arith.constant 1 : i32
    "tpu.region"() ({
      %run_scoped3A_32 = tpu.sem_alloc : memref<!tpu.dma_semaphore, #tpu.memory_space<semaphore_mem>>
      %dma_start3A = arith.constant 0 : i32
      %dma_start3A_33 = arith.constant 0 : i32
      %dma_start3A_34 = tpu.memref_slice %arg4[%arg0, %arg1, %run_scoped3A_16, %dma_start3A, %dma_start3A_33] : memref<2x16x2x118x128xi32, #tpu.memory_space<hbm>> -> memref<1x1x1x118x128xi32, #tpu.memory_space<hbm>>
      %dma_start3A_35 = tpu.memref_squeeze %dma_start3A_34 : memref<1x1x1x118x128xi32, #tpu.memory_space<hbm>> -> memref<118x128xi32, #tpu.memory_space<hbm>>
      %dma_start3A_36 = arith.constant 0 : i32
      %dma_start3A_37 = arith.constant 0 : i32
      %dma_start3A_38 = tpu.memref_slice %arg4[%arg0, %arg1, %run_scoped3A_16, %dma_start3A_36, %dma_start3A_37] : memref<2x16x2x118x128xi32, #tpu.memory_space<hbm>> -> memref<1x1x1x118x128xi32, #tpu.memory_space<hbm>>
      %dma_start3A_39 = tpu.memref_squeeze %dma_start3A_38 : memref<1x1x1x118x128xi32, #tpu.memory_space<hbm>> -> memref<118x128xi32, #tpu.memory_space<hbm>>
      tpu.enqueue_dma source(%dma_start3A_39 : memref<118x128xi32, #tpu.memory_space<hbm>>) target(%arg10 : memref<118x128xi32, #tpu.memory_space<vmem>>) target_semaphore(%run_scoped3A_32 : memref<!tpu.dma_semaphore, #tpu.memory_space<semaphore_mem>>)
      %dma_wait3A = arith.constant 0 : i32
      %dma_wait3A_40 = arith.constant 0 : i32
      %dma_wait3A_41 = tpu.memref_slice %arg4[%arg0, %arg1, %run_scoped3A_16, %dma_wait3A, %dma_wait3A_40] : memref<2x16x2x118x128xi32, #tpu.memory_space<hbm>> -> memref<1x1x1x118x128xi32, #tpu.memory_space<hbm>>
      %dma_wait3A_42 = tpu.memref_squeeze %dma_wait3A_41 : memref<1x1x1x118x128xi32, #tpu.memory_space<hbm>> -> memref<118x128xi32, #tpu.memory_space<hbm>>
      %dma_wait3A_43 = arith.constant 0 : i32
      %dma_wait3A_44 = arith.constant 0 : i32
      %dma_wait3A_45 = tpu.memref_slice %arg4[%arg0, %arg1, %run_scoped3A_16, %dma_wait3A_43, %dma_wait3A_44] : memref<2x16x2x118x128xi32, #tpu.memory_space<hbm>> -> memref<1x1x1x118x128xi32, #tpu.memory_space<hbm>>
      %dma_wait3A_46 = tpu.memref_squeeze %dma_wait3A_45 : memref<1x1x1x118x128xi32, #tpu.memory_space<hbm>> -> memref<118x128xi32, #tpu.memory_space<hbm>>
      tpu.wait_dma2 semaphore(%run_scoped3A_32 : memref<!tpu.dma_semaphore, #tpu.memory_space<semaphore_mem>>) src(%dma_wait3A_46 : memref<118x128xi32, #tpu.memory_space<hbm>>) dst(%arg10 : memref<118x128xi32, #tpu.memory_space<vmem>>)
      tpu.yield
    }) : () -> ()
    %scan3A_17 = arith.constant 0 : i32
    %scan3A_18 = arith.constant 0 : i32
    %scan3A_19 = arith.constant 118 : i32
    %scan3A_20 = arith.addi %scan3A_18, %scan3A_19 : i32
    %scan3A_21 = arith.constant 1 : i32
    %scan3A_22 = scf.for %scan3A_32 = %scan3A_18 to %scan3A_20 step %scan3A_21 iter_args(%scan3A_33 = %scan3A_17) -> (i32)  : i32 {
      "tpu.region"() ({
        %run_scoped3A_35 = tpu.sem_alloc : memref<!tpu.dma_semaphore, #tpu.memory_space<semaphore_mem>>
        %dma_start3A = arith.constant 0 : i32
        %dma_start3A_36 = tpu.memref_slice %arg10[%scan3A_32, %dma_start3A] : memref<118x128xi32, #tpu.memory_space<vmem>> -> memref<1x128xi32, #tpu.memory_space<vmem>>
        %dma_start3A_37 = tpu.memref_squeeze %dma_start3A_36 : memref<1x128xi32, #tpu.memory_space<vmem>> -> memref<128xi32, #tpu.memory_space<vmem>>
        %dma_start3A_38 = arith.constant 0 : i32
        %dma_start3A_39 = arith.constant 0 : i32
        %dma_start3A_40 = tpu.memref_slice %arg13[%dma_start3A_38, %dma_start3A_39] : memref<7680x128xf32, #tpu.memory_space<vmem_shared>> -> memref<7680x128xf32, #tpu.memory_space<vmem_shared>>
        tpu.enqueue_indirect_dma source(%arg12 : memref<128x128xf32, #tpu.memory_space<vmem>>) target(%dma_start3A_40 : memref<7680x128xf32, #tpu.memory_space<vmem_shared>>) offsets(%dma_start3A_37 : memref<128xi32, #tpu.memory_space<vmem>>) semaphore(%run_scoped3A_35 : memref<!tpu.dma_semaphore, #tpu.memory_space<semaphore_mem>>) {add = true}
        %dma_wait3A = arith.constant 0 : i32
        %dma_wait3A_41 = tpu.memref_slice %arg10[%scan3A_32, %dma_wait3A] : memref<118x128xi32, #tpu.memory_space<vmem>> -> memref<1x128xi32, #tpu.memory_space<vmem>>
        %dma_wait3A_42 = tpu.memref_squeeze %dma_wait3A_41 : memref<1x128xi32, #tpu.memory_space<vmem>> -> memref<128xi32, #tpu.memory_space<vmem>>
        %dma_wait3A_43 = arith.constant 0 : i32
        %dma_wait3A_44 = arith.constant 0 : i32
        %dma_wait3A_45 = tpu.memref_slice %arg13[%dma_wait3A_43, %dma_wait3A_44] : memref<7680x128xf32, #tpu.memory_space<vmem_shared>> -> memref<7680x128xf32, #tpu.memory_space<vmem_shared>>
        tpu.wait_indirect_dma semaphore(%run_scoped3A_35 : memref<!tpu.dma_semaphore, #tpu.memory_space<semaphore_mem>>) src(%arg12 : memref<128x128xf32, #tpu.memory_space<vmem>>) dst(%dma_wait3A_45 : memref<7680x128xf32, #tpu.memory_space<vmem_shared>>)
        tpu.yield
      }) : () -> ()
      %scan3A_34 = arith.constant 0 : i32
      scf.yield %scan3A_34 : i32
    }
    %scan3A_23 = arith.constant 118 : i32
    %barrier3A_24 = arith.constant 0 : index
    tpu.barrier barrier_id(%barrier3A_24)
    %mul3A_25 = arith.constant 472 : i32
    %mul3A_26 = arith.muli %arg1, %mul3A_25 : i32
    %mul3A_27 = arith.constant 7552 : i32
    %mul3A_28 = arith.muli %arg0, %mul3A_27 : i32
    %mul3A_29 = arith.constant 472 : i32
    %mul3A_30 = arith.muli %arg1, %mul3A_29 : i32
    %add3A_31 = arith.addi %mul3A_28, %mul3A_30 : i32
    "tpu.region"() ({
      %run_scoped3A_32 = tpu.sem_alloc : memref<!tpu.dma_semaphore, #tpu.memory_space<semaphore_mem>>
      %dma_start3A = arith.constant 0 : i32
      %dma_start3A_33 = tpu.memref_slice %arg8[%add3A_31, %dma_start3A] : memref<15104x128xf32, #tpu.memory_space<hbm>> -> memref<472x128xf32, #tpu.memory_space<hbm>>
      %dma_start3A_34 = arith.constant 0 : i32
      %dma_start3A_35 = tpu.memref_slice %arg13[%mul3A_26, %dma_start3A_34] : memref<7680x128xf32, #tpu.memory_space<vmem_shared>> -> memref<472x128xf32, #tpu.memory_space<vmem_shared>>
      tpu.enqueue_dma source(%dma_start3A_35 : memref<472x128xf32, #tpu.memory_space<vmem_shared>>) target(%dma_start3A_33 : memref<472x128xf32, #tpu.memory_space<hbm>>) target_semaphore(%run_scoped3A_32 : memref<!tpu.dma_semaphore, #tpu.memory_space<semaphore_mem>>)
      %dma_wait3A = arith.constant 0 : i32
      %dma_wait3A_36 = tpu.memref_slice %arg8[%add3A_31, %dma_wait3A] : memref<15104x128xf32, #tpu.memory_space<hbm>> -> memref<472x128xf32, #tpu.memory_space<hbm>>
      %dma_wait3A_37 = arith.constant 0 : i32
      %dma_wait3A_38 = tpu.memref_slice %arg13[%mul3A_26, %dma_wait3A_37] : memref<7680x128xf32, #tpu.memory_space<vmem_shared>> -> memref<472x128xf32, #tpu.memory_space<vmem_shared>>
      tpu.wait_dma2 semaphore(%run_scoped3A_32 : memref<!tpu.dma_semaphore, #tpu.memory_space<semaphore_mem>>) src(%dma_wait3A_38 : memref<472x128xf32, #tpu.memory_space<vmem_shared>>) dst(%dma_wait3A_36 : memref<472x128xf32, #tpu.memory_space<hbm>>)
      tpu.yield
    }) : () -> ()
    return
  }
}

#map = affine_map<(d0, d1) -> (0, 0)>
#map1 = affine_map<(d0, d1) -> (0, 0, 0, 0)>
#map2 = affine_map<(d0, d1) -> (0, 0, 0, 0, 0)>
module attributes {stable_mosaic.version = 14 : i64} {
  func.func @_sc_edge_agg_body(%arg0: i32, %arg1: i32, %arg2: memref<15104x128xf32, #tpu.memory_space<hbm>>, %arg3: memref<16x2x118x128xi32, #tpu.memory_space<hbm>>, %arg4: memref<2x16x2x118x128xi32, #tpu.memory_space<hbm>>, %arg5: memref<15104x128xf32, #tpu.memory_space<hbm>>, %arg6: memref<118x128xi32, #tpu.memory_space<vmem>>, %arg7: memref<118x128xi32, #tpu.memory_space<vmem>>, %arg8: memref<128x128xf32, #tpu.memory_space<vmem>>, %arg9: memref<128x128xf32, #tpu.memory_space<vmem>>, %arg10: memref<7680x128xf32, #tpu.memory_space<vmem_shared>>, %arg11: memref<!tpu.dma_semaphore, #tpu.memory_space<semaphore_mem>>, %arg12: memref<!tpu.dma_semaphore, #tpu.memory_space<semaphore_mem>>) attributes {dimension_semantics = [#tpu.dimension_semantics<core_parallel>, #tpu.dimension_semantics<subcore_parallel>], iteration_bounds = array<i64: 2, 16>, scalar_prefetch = 0 : i64, scratch_operands = 7 : i64, tpu.core_type = #tpu.core_type<sc_vector_subcore>, window_params = [{transform_indices = #map}, {transform_indices = #map1}, {transform_indices = #map2}, {transform_indices = #map}]} {
    %mul3A = arith.constant 7552 : i32
    %mul3A_0 = arith.muli %arg0, %mul3A : i32
    %mul3A_1 = arith.constant 472 : i32
    %mul3A_2 = arith.muli %arg1, %mul3A_1 : i32
    %add3A = arith.addi %mul3A_0, %mul3A_2 : i32
    %mul3A_3 = arith.constant 472 : i32
    %mul3A_4 = arith.muli %arg1, %mul3A_3 : i32
    "tpu.region"() ({
      %run_scoped3A_42 = tpu.sem_alloc : memref<!tpu.dma_semaphore, #tpu.memory_space<semaphore_mem>>
      %dma_start3A_43 = arith.constant 0 : i32
      %dma_start3A_44 = tpu.memref_slice %arg10[%mul3A_4, %dma_start3A_43] : memref<7680x128xf32, #tpu.memory_space<vmem_shared>> -> memref<472x128xf32, #tpu.memory_space<vmem_shared>>
      %dma_start3A_45 = arith.constant 0 : i32
      %dma_start3A_46 = tpu.memref_slice %arg2[%add3A, %dma_start3A_45] : memref<15104x128xf32, #tpu.memory_space<hbm>> -> memref<472x128xf32, #tpu.memory_space<hbm>>
      tpu.enqueue_dma source(%dma_start3A_46 : memref<472x128xf32, #tpu.memory_space<hbm>>) target(%dma_start3A_44 : memref<472x128xf32, #tpu.memory_space<vmem_shared>>) target_semaphore(%run_scoped3A_42 : memref<!tpu.dma_semaphore, #tpu.memory_space<semaphore_mem>>)
      %dma_wait3A = arith.constant 0 : i32
      %dma_wait3A_47 = tpu.memref_slice %arg10[%mul3A_4, %dma_wait3A] : memref<7680x128xf32, #tpu.memory_space<vmem_shared>> -> memref<472x128xf32, #tpu.memory_space<vmem_shared>>
      %dma_wait3A_48 = arith.constant 0 : i32
      %dma_wait3A_49 = tpu.memref_slice %arg2[%add3A, %dma_wait3A_48] : memref<15104x128xf32, #tpu.memory_space<hbm>> -> memref<472x128xf32, #tpu.memory_space<hbm>>
      tpu.wait_dma2 semaphore(%run_scoped3A_42 : memref<!tpu.dma_semaphore, #tpu.memory_space<semaphore_mem>>) src(%dma_wait3A_49 : memref<472x128xf32, #tpu.memory_space<hbm>>) dst(%dma_wait3A_47 : memref<472x128xf32, #tpu.memory_space<vmem_shared>>)
      tpu.yield
    }) : () -> ()
    %barrier3A = arith.constant 0 : index
    tpu.barrier barrier_id(%barrier3A)
    %run_scoped3A = arith.constant 0 : i32
    "tpu.region"() ({
      %run_scoped3A_42 = tpu.sem_alloc : memref<!tpu.dma_semaphore, #tpu.memory_space<semaphore_mem>>
      %dma_start3A_43 = arith.constant 0 : i32
      %dma_start3A_44 = arith.constant 0 : i32
      %dma_start3A_45 = tpu.memref_slice %arg3[%arg1, %run_scoped3A, %dma_start3A_43, %dma_start3A_44] : memref<16x2x118x128xi32, #tpu.memory_space<hbm>> -> memref<1x1x118x128xi32, #tpu.memory_space<hbm>>
      %dma_start3A_46 = tpu.memref_squeeze %dma_start3A_45 : memref<1x1x118x128xi32, #tpu.memory_space<hbm>> -> memref<118x128xi32, #tpu.memory_space<hbm>>
      %dma_start3A_47 = arith.constant 0 : i32
      %dma_start3A_48 = arith.constant 0 : i32
      %dma_start3A_49 = tpu.memref_slice %arg3[%arg1, %run_scoped3A, %dma_start3A_47, %dma_start3A_48] : memref<16x2x118x128xi32, #tpu.memory_space<hbm>> -> memref<1x1x118x128xi32, #tpu.memory_space<hbm>>
      %dma_start3A_50 = tpu.memref_squeeze %dma_start3A_49 : memref<1x1x118x128xi32, #tpu.memory_space<hbm>> -> memref<118x128xi32, #tpu.memory_space<hbm>>
      tpu.enqueue_dma source(%dma_start3A_50 : memref<118x128xi32, #tpu.memory_space<hbm>>) target(%arg6 : memref<118x128xi32, #tpu.memory_space<vmem>>) target_semaphore(%run_scoped3A_42 : memref<!tpu.dma_semaphore, #tpu.memory_space<semaphore_mem>>)
      %dma_wait3A = arith.constant 0 : i32
      %dma_wait3A_51 = arith.constant 0 : i32
      %dma_wait3A_52 = tpu.memref_slice %arg3[%arg1, %run_scoped3A, %dma_wait3A, %dma_wait3A_51] : memref<16x2x118x128xi32, #tpu.memory_space<hbm>> -> memref<1x1x118x128xi32, #tpu.memory_space<hbm>>
      %dma_wait3A_53 = tpu.memref_squeeze %dma_wait3A_52 : memref<1x1x118x128xi32, #tpu.memory_space<hbm>> -> memref<118x128xi32, #tpu.memory_space<hbm>>
      %dma_wait3A_54 = arith.constant 0 : i32
      %dma_wait3A_55 = arith.constant 0 : i32
      %dma_wait3A_56 = tpu.memref_slice %arg3[%arg1, %run_scoped3A, %dma_wait3A_54, %dma_wait3A_55] : memref<16x2x118x128xi32, #tpu.memory_space<hbm>> -> memref<1x1x118x128xi32, #tpu.memory_space<hbm>>
      %dma_wait3A_57 = tpu.memref_squeeze %dma_wait3A_56 : memref<1x1x118x128xi32, #tpu.memory_space<hbm>> -> memref<118x128xi32, #tpu.memory_space<hbm>>
      tpu.wait_dma2 semaphore(%run_scoped3A_42 : memref<!tpu.dma_semaphore, #tpu.memory_space<semaphore_mem>>) src(%dma_wait3A_57 : memref<118x128xi32, #tpu.memory_space<hbm>>) dst(%arg6 : memref<118x128xi32, #tpu.memory_space<vmem>>)
      tpu.yield
    }) : () -> ()
    %run_scoped3A_5 = arith.constant 0 : i32
    "tpu.region"() ({
      %run_scoped3A_42 = tpu.sem_alloc : memref<!tpu.dma_semaphore, #tpu.memory_space<semaphore_mem>>
      %dma_start3A_43 = arith.constant 0 : i32
      %dma_start3A_44 = arith.constant 0 : i32
      %dma_start3A_45 = tpu.memref_slice %arg4[%arg0, %arg1, %run_scoped3A_5, %dma_start3A_43, %dma_start3A_44] : memref<2x16x2x118x128xi32, #tpu.memory_space<hbm>> -> memref<1x1x1x118x128xi32, #tpu.memory_space<hbm>>
      %dma_start3A_46 = tpu.memref_squeeze %dma_start3A_45 : memref<1x1x1x118x128xi32, #tpu.memory_space<hbm>> -> memref<118x128xi32, #tpu.memory_space<hbm>>
      %dma_start3A_47 = arith.constant 0 : i32
      %dma_start3A_48 = arith.constant 0 : i32
      %dma_start3A_49 = tpu.memref_slice %arg4[%arg0, %arg1, %run_scoped3A_5, %dma_start3A_47, %dma_start3A_48] : memref<2x16x2x118x128xi32, #tpu.memory_space<hbm>> -> memref<1x1x1x118x128xi32, #tpu.memory_space<hbm>>
      %dma_start3A_50 = tpu.memref_squeeze %dma_start3A_49 : memref<1x1x1x118x128xi32, #tpu.memory_space<hbm>> -> memref<118x128xi32, #tpu.memory_space<hbm>>
      tpu.enqueue_dma source(%dma_start3A_50 : memref<118x128xi32, #tpu.memory_space<hbm>>) target(%arg7 : memref<118x128xi32, #tpu.memory_space<vmem>>) target_semaphore(%run_scoped3A_42 : memref<!tpu.dma_semaphore, #tpu.memory_space<semaphore_mem>>)
      %dma_wait3A = arith.constant 0 : i32
      %dma_wait3A_51 = arith.constant 0 : i32
      %dma_wait3A_52 = tpu.memref_slice %arg4[%arg0, %arg1, %run_scoped3A_5, %dma_wait3A, %dma_wait3A_51] : memref<2x16x2x118x128xi32, #tpu.memory_space<hbm>> -> memref<1x1x1x118x128xi32, #tpu.memory_space<hbm>>
      %dma_wait3A_53 = tpu.memref_squeeze %dma_wait3A_52 : memref<1x1x1x118x128xi32, #tpu.memory_space<hbm>> -> memref<118x128xi32, #tpu.memory_space<hbm>>
      %dma_wait3A_54 = arith.constant 0 : i32
      %dma_wait3A_55 = arith.constant 0 : i32
      %dma_wait3A_56 = tpu.memref_slice %arg4[%arg0, %arg1, %run_scoped3A_5, %dma_wait3A_54, %dma_wait3A_55] : memref<2x16x2x118x128xi32, #tpu.memory_space<hbm>> -> memref<1x1x1x118x128xi32, #tpu.memory_space<hbm>>
      %dma_wait3A_57 = tpu.memref_squeeze %dma_wait3A_56 : memref<1x1x1x118x128xi32, #tpu.memory_space<hbm>> -> memref<118x128xi32, #tpu.memory_space<hbm>>
      tpu.wait_dma2 semaphore(%run_scoped3A_42 : memref<!tpu.dma_semaphore, #tpu.memory_space<semaphore_mem>>) src(%dma_wait3A_57 : memref<118x128xi32, #tpu.memory_space<hbm>>) dst(%arg7 : memref<118x128xi32, #tpu.memory_space<vmem>>)
      tpu.yield
    }) : () -> ()
    %dma_start3A = arith.constant 0 : i32
    %dma_start3A_6 = arith.constant 0 : i32
    %dma_start3A_7 = tpu.memref_slice %arg6[%dma_start3A, %dma_start3A_6] : memref<118x128xi32, #tpu.memory_space<vmem>> -> memref<1x128xi32, #tpu.memory_space<vmem>>
    %dma_start3A_8 = tpu.memref_squeeze %dma_start3A_7 : memref<1x128xi32, #tpu.memory_space<vmem>> -> memref<128xi32, #tpu.memory_space<vmem>>
    %dma_start3A_9 = arith.constant 0 : i32
    %dma_start3A_10 = arith.constant 0 : i32
    %dma_start3A_11 = tpu.memref_slice %arg2[%dma_start3A_9, %dma_start3A_10] : memref<15104x128xf32, #tpu.memory_space<hbm>> -> memref<15104x128xf32, #tpu.memory_space<hbm>>
    tpu.enqueue_indirect_dma source(%dma_start3A_11 : memref<15104x128xf32, #tpu.memory_space<hbm>>) target(%arg8 : memref<128x128xf32, #tpu.memory_space<vmem>>) offsets(%dma_start3A_8 : memref<128xi32, #tpu.memory_space<vmem>>) semaphore(%arg11 : memref<!tpu.dma_semaphore, #tpu.memory_space<semaphore_mem>>)
    %scan3A = arith.constant 0 : i32
    %scan3A_12 = arith.constant 0 : i32
    %scan3A_13 = arith.constant 59 : i32
    %scan3A_14 = arith.addi %scan3A_12, %scan3A_13 : i32
    %scan3A_15 = arith.constant 1 : i32
    %scan3A_16 = scf.for %scan3A_42 = %scan3A_12 to %scan3A_14 step %scan3A_15 iter_args(%scan3A_43 = %scan3A) -> (i32)  : i32 {
      %mul3A_44 = arith.constant 2 : i32
      %mul3A_45 = arith.muli %mul3A_44, %scan3A_42 : i32
      %add3A_46 = arith.constant 1 : i32
      %add3A_47 = arith.addi %mul3A_45, %add3A_46 : i32
      %dma_start3A_48 = arith.constant 0 : i32
      %dma_start3A_49 = tpu.memref_slice %arg6[%add3A_47, %dma_start3A_48] : memref<118x128xi32, #tpu.memory_space<vmem>> -> memref<1x128xi32, #tpu.memory_space<vmem>>
      %dma_start3A_50 = tpu.memref_squeeze %dma_start3A_49 : memref<1x128xi32, #tpu.memory_space<vmem>> -> memref<128xi32, #tpu.memory_space<vmem>>
      %dma_start3A_51 = arith.constant 0 : i32
      %dma_start3A_52 = arith.constant 0 : i32
      %dma_start3A_53 = tpu.memref_slice %arg2[%dma_start3A_51, %dma_start3A_52] : memref<15104x128xf32, #tpu.memory_space<hbm>> -> memref<15104x128xf32, #tpu.memory_space<hbm>>
      tpu.enqueue_indirect_dma source(%dma_start3A_53 : memref<15104x128xf32, #tpu.memory_space<hbm>>) target(%arg9 : memref<128x128xf32, #tpu.memory_space<vmem>>) offsets(%dma_start3A_50 : memref<128xi32, #tpu.memory_space<vmem>>) semaphore(%arg12 : memref<!tpu.dma_semaphore, #tpu.memory_space<semaphore_mem>>)
      %dma_wait3A = arith.constant 0 : i32
      %dma_wait3A_54 = tpu.memref_slice %arg6[%mul3A_45, %dma_wait3A] : memref<118x128xi32, #tpu.memory_space<vmem>> -> memref<1x128xi32, #tpu.memory_space<vmem>>
      %dma_wait3A_55 = tpu.memref_squeeze %dma_wait3A_54 : memref<1x128xi32, #tpu.memory_space<vmem>> -> memref<128xi32, #tpu.memory_space<vmem>>
      %dma_wait3A_56 = arith.constant 0 : i32
      %dma_wait3A_57 = arith.constant 0 : i32
      %dma_wait3A_58 = tpu.memref_slice %arg2[%dma_wait3A_56, %dma_wait3A_57] : memref<15104x128xf32, #tpu.memory_space<hbm>> -> memref<15104x128xf32, #tpu.memory_space<hbm>>
      tpu.wait_indirect_dma semaphore(%arg11 : memref<!tpu.dma_semaphore, #tpu.memory_space<semaphore_mem>>) src(%dma_wait3A_58 : memref<15104x128xf32, #tpu.memory_space<hbm>>) dst(%arg8 : memref<128x128xf32, #tpu.memory_space<vmem>>)
      "tpu.region"() ({
        %run_scoped3A_72 = tpu.sem_alloc : memref<!tpu.dma_semaphore, #tpu.memory_space<semaphore_mem>>
        %dma_start3A_73 = arith.constant 0 : i32
        %dma_start3A_74 = tpu.memref_slice %arg7[%mul3A_45, %dma_start3A_73] : memref<118x128xi32, #tpu.memory_space<vmem>> -> memref<1x128xi32, #tpu.memory_space<vmem>>
        %dma_start3A_75 = tpu.memref_squeeze %dma_start3A_74 : memref<1x128xi32, #tpu.memory_space<vmem>> -> memref<128xi32, #tpu.memory_space<vmem>>
        %dma_start3A_76 = arith.constant 0 : i32
        %dma_start3A_77 = arith.constant 0 : i32
        %dma_start3A_78 = tpu.memref_slice %arg10[%dma_start3A_76, %dma_start3A_77] : memref<7680x128xf32, #tpu.memory_space<vmem_shared>> -> memref<7680x128xf32, #tpu.memory_space<vmem_shared>>
        tpu.enqueue_indirect_dma source(%arg8 : memref<128x128xf32, #tpu.memory_space<vmem>>) target(%dma_start3A_78 : memref<7680x128xf32, #tpu.memory_space<vmem_shared>>) offsets(%dma_start3A_75 : memref<128xi32, #tpu.memory_space<vmem>>) semaphore(%run_scoped3A_72 : memref<!tpu.dma_semaphore, #tpu.memory_space<semaphore_mem>>) {add = true}
        %dma_wait3A_79 = arith.constant 0 : i32
        %dma_wait3A_80 = tpu.memref_slice %arg7[%mul3A_45, %dma_wait3A_79] : memref<118x128xi32, #tpu.memory_space<vmem>> -> memref<1x128xi32, #tpu.memory_space<vmem>>
        %dma_wait3A_81 = tpu.memref_squeeze %dma_wait3A_80 : memref<1x128xi32, #tpu.memory_space<vmem>> -> memref<128xi32, #tpu.memory_space<vmem>>
        %dma_wait3A_82 = arith.constant 0 : i32
        %dma_wait3A_83 = arith.constant 0 : i32
        %dma_wait3A_84 = tpu.memref_slice %arg10[%dma_wait3A_82, %dma_wait3A_83] : memref<7680x128xf32, #tpu.memory_space<vmem_shared>> -> memref<7680x128xf32, #tpu.memory_space<vmem_shared>>
        tpu.wait_indirect_dma semaphore(%run_scoped3A_72 : memref<!tpu.dma_semaphore, #tpu.memory_space<semaphore_mem>>) src(%arg8 : memref<128x128xf32, #tpu.memory_space<vmem>>) dst(%dma_wait3A_84 : memref<7680x128xf32, #tpu.memory_space<vmem_shared>>)
        tpu.yield
      }) : () -> ()
      %add3A_59 = arith.constant 2 : i32
      %add3A_60 = arith.addi %mul3A_45, %add3A_59 : i32
      %lt3A = arith.constant 118 : i32
      %lt3A_61 = arith.cmpi slt, %add3A_60, %lt3A : i32
      %convert_element_type3A = arith.extui %lt3A_61 : i1 to i32
      %cond3A = arith.constant 0 : i32
      %cond3A_62 = arith.cmpi ne, %convert_element_type3A, %cond3A : i32
      scf.if %cond3A_62 {
        %add3A_72 = arith.constant 2 : i32
        %add3A_73 = arith.addi %mul3A_45, %add3A_72 : i32
        %dma_start3A_74 = arith.constant 0 : i32
        %dma_start3A_75 = tpu.memref_slice %arg6[%add3A_73, %dma_start3A_74] : memref<118x128xi32, #tpu.memory_space<vmem>> -> memref<1x128xi32, #tpu.memory_space<vmem>>
        %dma_start3A_76 = tpu.memref_squeeze %dma_start3A_75 : memref<1x128xi32, #tpu.memory_space<vmem>> -> memref<128xi32, #tpu.memory_space<vmem>>
        %dma_start3A_77 = arith.constant 0 : i32
        %dma_start3A_78 = arith.constant 0 : i32
        %dma_start3A_79 = tpu.memref_slice %arg2[%dma_start3A_77, %dma_start3A_78] : memref<15104x128xf32, #tpu.memory_space<hbm>> -> memref<15104x128xf32, #tpu.memory_space<hbm>>
        tpu.enqueue_indirect_dma source(%dma_start3A_79 : memref<15104x128xf32, #tpu.memory_space<hbm>>) target(%arg8 : memref<128x128xf32, #tpu.memory_space<vmem>>) offsets(%dma_start3A_76 : memref<128xi32, #tpu.memory_space<vmem>>) semaphore(%arg11 : memref<!tpu.dma_semaphore, #tpu.memory_space<semaphore_mem>>)
      } else {
      }
      %dma_wait3A_63 = arith.constant 0 : i32
      %dma_wait3A_64 = tpu.memref_slice %arg6[%add3A_47, %dma_wait3A_63] : memref<118x128xi32, #tpu.memory_space<vmem>> -> memref<1x128xi32, #tpu.memory_space<vmem>>
      %dma_wait3A_65 = tpu.memref_squeeze %dma_wait3A_64 : memref<1x128xi32, #tpu.memory_space<vmem>> -> memref<128xi32, #tpu.memory_space<vmem>>
      %dma_wait3A_66 = arith.constant 0 : i32
      %dma_wait3A_67 = arith.constant 0 : i32
      %dma_wait3A_68 = tpu.memref_slice %arg2[%dma_wait3A_66, %dma_wait3A_67] : memref<15104x128xf32, #tpu.memory_space<hbm>> -> memref<15104x128xf32, #tpu.memory_space<hbm>>
      tpu.wait_indirect_dma semaphore(%arg12 : memref<!tpu.dma_semaphore, #tpu.memory_space<semaphore_mem>>) src(%dma_wait3A_68 : memref<15104x128xf32, #tpu.memory_space<hbm>>) dst(%arg9 : memref<128x128xf32, #tpu.memory_space<vmem>>)
      %add3A_69 = arith.constant 1 : i32
      %add3A_70 = arith.addi %mul3A_45, %add3A_69 : i32
      "tpu.region"() ({
        %run_scoped3A_72 = tpu.sem_alloc : memref<!tpu.dma_semaphore, #tpu.memory_space<semaphore_mem>>
        %dma_start3A_73 = arith.constant 0 : i32
        %dma_start3A_74 = tpu.memref_slice %arg7[%add3A_70, %dma_start3A_73] : memref<118x128xi32, #tpu.memory_space<vmem>> -> memref<1x128xi32, #tpu.memory_space<vmem>>
        %dma_start3A_75 = tpu.memref_squeeze %dma_start3A_74 : memref<1x128xi32, #tpu.memory_space<vmem>> -> memref<128xi32, #tpu.memory_space<vmem>>
        %dma_start3A_76 = arith.constant 0 : i32
        %dma_start3A_77 = arith.constant 0 : i32
        %dma_start3A_78 = tpu.memref_slice %arg10[%dma_start3A_76, %dma_start3A_77] : memref<7680x128xf32, #tpu.memory_space<vmem_shared>> -> memref<7680x128xf32, #tpu.memory_space<vmem_shared>>
        tpu.enqueue_indirect_dma source(%arg9 : memref<128x128xf32, #tpu.memory_space<vmem>>) target(%dma_start3A_78 : memref<7680x128xf32, #tpu.memory_space<vmem_shared>>) offsets(%dma_start3A_75 : memref<128xi32, #tpu.memory_space<vmem>>) semaphore(%run_scoped3A_72 : memref<!tpu.dma_semaphore, #tpu.memory_space<semaphore_mem>>) {add = true}
        %dma_wait3A_79 = arith.constant 0 : i32
        %dma_wait3A_80 = tpu.memref_slice %arg7[%add3A_70, %dma_wait3A_79] : memref<118x128xi32, #tpu.memory_space<vmem>> -> memref<1x128xi32, #tpu.memory_space<vmem>>
        %dma_wait3A_81 = tpu.memref_squeeze %dma_wait3A_80 : memref<1x128xi32, #tpu.memory_space<vmem>> -> memref<128xi32, #tpu.memory_space<vmem>>
        %dma_wait3A_82 = arith.constant 0 : i32
        %dma_wait3A_83 = arith.constant 0 : i32
        %dma_wait3A_84 = tpu.memref_slice %arg10[%dma_wait3A_82, %dma_wait3A_83] : memref<7680x128xf32, #tpu.memory_space<vmem_shared>> -> memref<7680x128xf32, #tpu.memory_space<vmem_shared>>
        tpu.wait_indirect_dma semaphore(%run_scoped3A_72 : memref<!tpu.dma_semaphore, #tpu.memory_space<semaphore_mem>>) src(%arg9 : memref<128x128xf32, #tpu.memory_space<vmem>>) dst(%dma_wait3A_84 : memref<7680x128xf32, #tpu.memory_space<vmem_shared>>)
        tpu.yield
      }) : () -> ()
      %scan3A_71 = arith.constant 0 : i32
      scf.yield %scan3A_71 : i32
    }
    %scan3A_17 = arith.constant 59 : i32
    %run_scoped3A_18 = arith.constant 1 : i32
    "tpu.region"() ({
      %run_scoped3A_42 = tpu.sem_alloc : memref<!tpu.dma_semaphore, #tpu.memory_space<semaphore_mem>>
      %dma_start3A_43 = arith.constant 0 : i32
      %dma_start3A_44 = arith.constant 0 : i32
      %dma_start3A_45 = tpu.memref_slice %arg3[%arg1, %run_scoped3A_18, %dma_start3A_43, %dma_start3A_44] : memref<16x2x118x128xi32, #tpu.memory_space<hbm>> -> memref<1x1x118x128xi32, #tpu.memory_space<hbm>>
      %dma_start3A_46 = tpu.memref_squeeze %dma_start3A_45 : memref<1x1x118x128xi32, #tpu.memory_space<hbm>> -> memref<118x128xi32, #tpu.memory_space<hbm>>
      %dma_start3A_47 = arith.constant 0 : i32
      %dma_start3A_48 = arith.constant 0 : i32
      %dma_start3A_49 = tpu.memref_slice %arg3[%arg1, %run_scoped3A_18, %dma_start3A_47, %dma_start3A_48] : memref<16x2x118x128xi32, #tpu.memory_space<hbm>> -> memref<1x1x118x128xi32, #tpu.memory_space<hbm>>
      %dma_start3A_50 = tpu.memref_squeeze %dma_start3A_49 : memref<1x1x118x128xi32, #tpu.memory_space<hbm>> -> memref<118x128xi32, #tpu.memory_space<hbm>>
      tpu.enqueue_dma source(%dma_start3A_50 : memref<118x128xi32, #tpu.memory_space<hbm>>) target(%arg6 : memref<118x128xi32, #tpu.memory_space<vmem>>) target_semaphore(%run_scoped3A_42 : memref<!tpu.dma_semaphore, #tpu.memory_space<semaphore_mem>>)
      %dma_wait3A = arith.constant 0 : i32
      %dma_wait3A_51 = arith.constant 0 : i32
      %dma_wait3A_52 = tpu.memref_slice %arg3[%arg1, %run_scoped3A_18, %dma_wait3A, %dma_wait3A_51] : memref<16x2x118x128xi32, #tpu.memory_space<hbm>> -> memref<1x1x118x128xi32, #tpu.memory_space<hbm>>
      %dma_wait3A_53 = tpu.memref_squeeze %dma_wait3A_52 : memref<1x1x118x128xi32, #tpu.memory_space<hbm>> -> memref<118x128xi32, #tpu.memory_space<hbm>>
      %dma_wait3A_54 = arith.constant 0 : i32
      %dma_wait3A_55 = arith.constant 0 : i32
      %dma_wait3A_56 = tpu.memref_slice %arg3[%arg1, %run_scoped3A_18, %dma_wait3A_54, %dma_wait3A_55] : memref<16x2x118x128xi32, #tpu.memory_space<hbm>> -> memref<1x1x118x128xi32, #tpu.memory_space<hbm>>
      %dma_wait3A_57 = tpu.memref_squeeze %dma_wait3A_56 : memref<1x1x118x128xi32, #tpu.memory_space<hbm>> -> memref<118x128xi32, #tpu.memory_space<hbm>>
      tpu.wait_dma2 semaphore(%run_scoped3A_42 : memref<!tpu.dma_semaphore, #tpu.memory_space<semaphore_mem>>) src(%dma_wait3A_57 : memref<118x128xi32, #tpu.memory_space<hbm>>) dst(%arg6 : memref<118x128xi32, #tpu.memory_space<vmem>>)
      tpu.yield
    }) : () -> ()
    %run_scoped3A_19 = arith.constant 1 : i32
    "tpu.region"() ({
      %run_scoped3A_42 = tpu.sem_alloc : memref<!tpu.dma_semaphore, #tpu.memory_space<semaphore_mem>>
      %dma_start3A_43 = arith.constant 0 : i32
      %dma_start3A_44 = arith.constant 0 : i32
      %dma_start3A_45 = tpu.memref_slice %arg4[%arg0, %arg1, %run_scoped3A_19, %dma_start3A_43, %dma_start3A_44] : memref<2x16x2x118x128xi32, #tpu.memory_space<hbm>> -> memref<1x1x1x118x128xi32, #tpu.memory_space<hbm>>
      %dma_start3A_46 = tpu.memref_squeeze %dma_start3A_45 : memref<1x1x1x118x128xi32, #tpu.memory_space<hbm>> -> memref<118x128xi32, #tpu.memory_space<hbm>>
      %dma_start3A_47 = arith.constant 0 : i32
      %dma_start3A_48 = arith.constant 0 : i32
      %dma_start3A_49 = tpu.memref_slice %arg4[%arg0, %arg1, %run_scoped3A_19, %dma_start3A_47, %dma_start3A_48] : memref<2x16x2x118x128xi32, #tpu.memory_space<hbm>> -> memref<1x1x1x118x128xi32, #tpu.memory_space<hbm>>
      %dma_start3A_50 = tpu.memref_squeeze %dma_start3A_49 : memref<1x1x1x118x128xi32, #tpu.memory_space<hbm>> -> memref<118x128xi32, #tpu.memory_space<hbm>>
      tpu.enqueue_dma source(%dma_start3A_50 : memref<118x128xi32, #tpu.memory_space<hbm>>) target(%arg7 : memref<118x128xi32, #tpu.memory_space<vmem>>) target_semaphore(%run_scoped3A_42 : memref<!tpu.dma_semaphore, #tpu.memory_space<semaphore_mem>>)
      %dma_wait3A = arith.constant 0 : i32
      %dma_wait3A_51 = arith.constant 0 : i32
      %dma_wait3A_52 = tpu.memref_slice %arg4[%arg0, %arg1, %run_scoped3A_19, %dma_wait3A, %dma_wait3A_51] : memref<2x16x2x118x128xi32, #tpu.memory_space<hbm>> -> memref<1x1x1x118x128xi32, #tpu.memory_space<hbm>>
      %dma_wait3A_53 = tpu.memref_squeeze %dma_wait3A_52 : memref<1x1x1x118x128xi32, #tpu.memory_space<hbm>> -> memref<118x128xi32, #tpu.memory_space<hbm>>
      %dma_wait3A_54 = arith.constant 0 : i32
      %dma_wait3A_55 = arith.constant 0 : i32
      %dma_wait3A_56 = tpu.memref_slice %arg4[%arg0, %arg1, %run_scoped3A_19, %dma_wait3A_54, %dma_wait3A_55] : memref<2x16x2x118x128xi32, #tpu.memory_space<hbm>> -> memref<1x1x1x118x128xi32, #tpu.memory_space<hbm>>
      %dma_wait3A_57 = tpu.memref_squeeze %dma_wait3A_56 : memref<1x1x1x118x128xi32, #tpu.memory_space<hbm>> -> memref<118x128xi32, #tpu.memory_space<hbm>>
      tpu.wait_dma2 semaphore(%run_scoped3A_42 : memref<!tpu.dma_semaphore, #tpu.memory_space<semaphore_mem>>) src(%dma_wait3A_57 : memref<118x128xi32, #tpu.memory_space<hbm>>) dst(%arg7 : memref<118x128xi32, #tpu.memory_space<vmem>>)
      tpu.yield
    }) : () -> ()
    %dma_start3A_20 = arith.constant 0 : i32
    %dma_start3A_21 = arith.constant 0 : i32
    %dma_start3A_22 = tpu.memref_slice %arg6[%dma_start3A_20, %dma_start3A_21] : memref<118x128xi32, #tpu.memory_space<vmem>> -> memref<1x128xi32, #tpu.memory_space<vmem>>
    %dma_start3A_23 = tpu.memref_squeeze %dma_start3A_22 : memref<1x128xi32, #tpu.memory_space<vmem>> -> memref<128xi32, #tpu.memory_space<vmem>>
    %dma_start3A_24 = arith.constant 0 : i32
    %dma_start3A_25 = arith.constant 0 : i32
    %dma_start3A_26 = tpu.memref_slice %arg2[%dma_start3A_24, %dma_start3A_25] : memref<15104x128xf32, #tpu.memory_space<hbm>> -> memref<15104x128xf32, #tpu.memory_space<hbm>>
    tpu.enqueue_indirect_dma source(%dma_start3A_26 : memref<15104x128xf32, #tpu.memory_space<hbm>>) target(%arg8 : memref<128x128xf32, #tpu.memory_space<vmem>>) offsets(%dma_start3A_23 : memref<128xi32, #tpu.memory_space<vmem>>) semaphore(%arg11 : memref<!tpu.dma_semaphore, #tpu.memory_space<semaphore_mem>>)
    %scan3A_27 = arith.constant 0 : i32
    %scan3A_28 = arith.constant 0 : i32
    %scan3A_29 = arith.constant 59 : i32
    %scan3A_30 = arith.addi %scan3A_28, %scan3A_29 : i32
    %scan3A_31 = arith.constant 1 : i32
    %scan3A_32 = scf.for %scan3A_42 = %scan3A_28 to %scan3A_30 step %scan3A_31 iter_args(%scan3A_43 = %scan3A_27) -> (i32)  : i32 {
      %mul3A_44 = arith.constant 2 : i32
      %mul3A_45 = arith.muli %mul3A_44, %scan3A_42 : i32
      %add3A_46 = arith.constant 1 : i32
      %add3A_47 = arith.addi %mul3A_45, %add3A_46 : i32
      %dma_start3A_48 = arith.constant 0 : i32
      %dma_start3A_49 = tpu.memref_slice %arg6[%add3A_47, %dma_start3A_48] : memref<118x128xi32, #tpu.memory_space<vmem>> -> memref<1x128xi32, #tpu.memory_space<vmem>>
      %dma_start3A_50 = tpu.memref_squeeze %dma_start3A_49 : memref<1x128xi32, #tpu.memory_space<vmem>> -> memref<128xi32, #tpu.memory_space<vmem>>
      %dma_start3A_51 = arith.constant 0 : i32
      %dma_start3A_52 = arith.constant 0 : i32
      %dma_start3A_53 = tpu.memref_slice %arg2[%dma_start3A_51, %dma_start3A_52] : memref<15104x128xf32, #tpu.memory_space<hbm>> -> memref<15104x128xf32, #tpu.memory_space<hbm>>
      tpu.enqueue_indirect_dma source(%dma_start3A_53 : memref<15104x128xf32, #tpu.memory_space<hbm>>) target(%arg9 : memref<128x128xf32, #tpu.memory_space<vmem>>) offsets(%dma_start3A_50 : memref<128xi32, #tpu.memory_space<vmem>>) semaphore(%arg12 : memref<!tpu.dma_semaphore, #tpu.memory_space<semaphore_mem>>)
      %dma_wait3A = arith.constant 0 : i32
      %dma_wait3A_54 = tpu.memref_slice %arg6[%mul3A_45, %dma_wait3A] : memref<118x128xi32, #tpu.memory_space<vmem>> -> memref<1x128xi32, #tpu.memory_space<vmem>>
      %dma_wait3A_55 = tpu.memref_squeeze %dma_wait3A_54 : memref<1x128xi32, #tpu.memory_space<vmem>> -> memref<128xi32, #tpu.memory_space<vmem>>
      %dma_wait3A_56 = arith.constant 0 : i32
      %dma_wait3A_57 = arith.constant 0 : i32
      %dma_wait3A_58 = tpu.memref_slice %arg2[%dma_wait3A_56, %dma_wait3A_57] : memref<15104x128xf32, #tpu.memory_space<hbm>> -> memref<15104x128xf32, #tpu.memory_space<hbm>>
      tpu.wait_indirect_dma semaphore(%arg11 : memref<!tpu.dma_semaphore, #tpu.memory_space<semaphore_mem>>) src(%dma_wait3A_58 : memref<15104x128xf32, #tpu.memory_space<hbm>>) dst(%arg8 : memref<128x128xf32, #tpu.memory_space<vmem>>)
      "tpu.region"() ({
        %run_scoped3A_72 = tpu.sem_alloc : memref<!tpu.dma_semaphore, #tpu.memory_space<semaphore_mem>>
        %dma_start3A_73 = arith.constant 0 : i32
        %dma_start3A_74 = tpu.memref_slice %arg7[%mul3A_45, %dma_start3A_73] : memref<118x128xi32, #tpu.memory_space<vmem>> -> memref<1x128xi32, #tpu.memory_space<vmem>>
        %dma_start3A_75 = tpu.memref_squeeze %dma_start3A_74 : memref<1x128xi32, #tpu.memory_space<vmem>> -> memref<128xi32, #tpu.memory_space<vmem>>
        %dma_start3A_76 = arith.constant 0 : i32
        %dma_start3A_77 = arith.constant 0 : i32
        %dma_start3A_78 = tpu.memref_slice %arg10[%dma_start3A_76, %dma_start3A_77] : memref<7680x128xf32, #tpu.memory_space<vmem_shared>> -> memref<7680x128xf32, #tpu.memory_space<vmem_shared>>
        tpu.enqueue_indirect_dma source(%arg8 : memref<128x128xf32, #tpu.memory_space<vmem>>) target(%dma_start3A_78 : memref<7680x128xf32, #tpu.memory_space<vmem_shared>>) offsets(%dma_start3A_75 : memref<128xi32, #tpu.memory_space<vmem>>) semaphore(%run_scoped3A_72 : memref<!tpu.dma_semaphore, #tpu.memory_space<semaphore_mem>>) {add = true}
        %dma_wait3A_79 = arith.constant 0 : i32
        %dma_wait3A_80 = tpu.memref_slice %arg7[%mul3A_45, %dma_wait3A_79] : memref<118x128xi32, #tpu.memory_space<vmem>> -> memref<1x128xi32, #tpu.memory_space<vmem>>
        %dma_wait3A_81 = tpu.memref_squeeze %dma_wait3A_80 : memref<1x128xi32, #tpu.memory_space<vmem>> -> memref<128xi32, #tpu.memory_space<vmem>>
        %dma_wait3A_82 = arith.constant 0 : i32
        %dma_wait3A_83 = arith.constant 0 : i32
        %dma_wait3A_84 = tpu.memref_slice %arg10[%dma_wait3A_82, %dma_wait3A_83] : memref<7680x128xf32, #tpu.memory_space<vmem_shared>> -> memref<7680x128xf32, #tpu.memory_space<vmem_shared>>
        tpu.wait_indirect_dma semaphore(%run_scoped3A_72 : memref<!tpu.dma_semaphore, #tpu.memory_space<semaphore_mem>>) src(%arg8 : memref<128x128xf32, #tpu.memory_space<vmem>>) dst(%dma_wait3A_84 : memref<7680x128xf32, #tpu.memory_space<vmem_shared>>)
        tpu.yield
      }) : () -> ()
      %add3A_59 = arith.constant 2 : i32
      %add3A_60 = arith.addi %mul3A_45, %add3A_59 : i32
      %lt3A = arith.constant 118 : i32
      %lt3A_61 = arith.cmpi slt, %add3A_60, %lt3A : i32
      %convert_element_type3A = arith.extui %lt3A_61 : i1 to i32
      %cond3A = arith.constant 0 : i32
      %cond3A_62 = arith.cmpi ne, %convert_element_type3A, %cond3A : i32
      scf.if %cond3A_62 {
        %add3A_72 = arith.constant 2 : i32
        %add3A_73 = arith.addi %mul3A_45, %add3A_72 : i32
        %dma_start3A_74 = arith.constant 0 : i32
        %dma_start3A_75 = tpu.memref_slice %arg6[%add3A_73, %dma_start3A_74] : memref<118x128xi32, #tpu.memory_space<vmem>> -> memref<1x128xi32, #tpu.memory_space<vmem>>
        %dma_start3A_76 = tpu.memref_squeeze %dma_start3A_75 : memref<1x128xi32, #tpu.memory_space<vmem>> -> memref<128xi32, #tpu.memory_space<vmem>>
        %dma_start3A_77 = arith.constant 0 : i32
        %dma_start3A_78 = arith.constant 0 : i32
        %dma_start3A_79 = tpu.memref_slice %arg2[%dma_start3A_77, %dma_start3A_78] : memref<15104x128xf32, #tpu.memory_space<hbm>> -> memref<15104x128xf32, #tpu.memory_space<hbm>>
        tpu.enqueue_indirect_dma source(%dma_start3A_79 : memref<15104x128xf32, #tpu.memory_space<hbm>>) target(%arg8 : memref<128x128xf32, #tpu.memory_space<vmem>>) offsets(%dma_start3A_76 : memref<128xi32, #tpu.memory_space<vmem>>) semaphore(%arg11 : memref<!tpu.dma_semaphore, #tpu.memory_space<semaphore_mem>>)
      } else {
      }
      %dma_wait3A_63 = arith.constant 0 : i32
      %dma_wait3A_64 = tpu.memref_slice %arg6[%add3A_47, %dma_wait3A_63] : memref<118x128xi32, #tpu.memory_space<vmem>> -> memref<1x128xi32, #tpu.memory_space<vmem>>
      %dma_wait3A_65 = tpu.memref_squeeze %dma_wait3A_64 : memref<1x128xi32, #tpu.memory_space<vmem>> -> memref<128xi32, #tpu.memory_space<vmem>>
      %dma_wait3A_66 = arith.constant 0 : i32
      %dma_wait3A_67 = arith.constant 0 : i32
      %dma_wait3A_68 = tpu.memref_slice %arg2[%dma_wait3A_66, %dma_wait3A_67] : memref<15104x128xf32, #tpu.memory_space<hbm>> -> memref<15104x128xf32, #tpu.memory_space<hbm>>
      tpu.wait_indirect_dma semaphore(%arg12 : memref<!tpu.dma_semaphore, #tpu.memory_space<semaphore_mem>>) src(%dma_wait3A_68 : memref<15104x128xf32, #tpu.memory_space<hbm>>) dst(%arg9 : memref<128x128xf32, #tpu.memory_space<vmem>>)
      %add3A_69 = arith.constant 1 : i32
      %add3A_70 = arith.addi %mul3A_45, %add3A_69 : i32
      "tpu.region"() ({
        %run_scoped3A_72 = tpu.sem_alloc : memref<!tpu.dma_semaphore, #tpu.memory_space<semaphore_mem>>
        %dma_start3A_73 = arith.constant 0 : i32
        %dma_start3A_74 = tpu.memref_slice %arg7[%add3A_70, %dma_start3A_73] : memref<118x128xi32, #tpu.memory_space<vmem>> -> memref<1x128xi32, #tpu.memory_space<vmem>>
        %dma_start3A_75 = tpu.memref_squeeze %dma_start3A_74 : memref<1x128xi32, #tpu.memory_space<vmem>> -> memref<128xi32, #tpu.memory_space<vmem>>
        %dma_start3A_76 = arith.constant 0 : i32
        %dma_start3A_77 = arith.constant 0 : i32
        %dma_start3A_78 = tpu.memref_slice %arg10[%dma_start3A_76, %dma_start3A_77] : memref<7680x128xf32, #tpu.memory_space<vmem_shared>> -> memref<7680x128xf32, #tpu.memory_space<vmem_shared>>
        tpu.enqueue_indirect_dma source(%arg9 : memref<128x128xf32, #tpu.memory_space<vmem>>) target(%dma_start3A_78 : memref<7680x128xf32, #tpu.memory_space<vmem_shared>>) offsets(%dma_start3A_75 : memref<128xi32, #tpu.memory_space<vmem>>) semaphore(%run_scoped3A_72 : memref<!tpu.dma_semaphore, #tpu.memory_space<semaphore_mem>>) {add = true}
        %dma_wait3A_79 = arith.constant 0 : i32
        %dma_wait3A_80 = tpu.memref_slice %arg7[%add3A_70, %dma_wait3A_79] : memref<118x128xi32, #tpu.memory_space<vmem>> -> memref<1x128xi32, #tpu.memory_space<vmem>>
        %dma_wait3A_81 = tpu.memref_squeeze %dma_wait3A_80 : memref<1x128xi32, #tpu.memory_space<vmem>> -> memref<128xi32, #tpu.memory_space<vmem>>
        %dma_wait3A_82 = arith.constant 0 : i32
        %dma_wait3A_83 = arith.constant 0 : i32
        %dma_wait3A_84 = tpu.memref_slice %arg10[%dma_wait3A_82, %dma_wait3A_83] : memref<7680x128xf32, #tpu.memory_space<vmem_shared>> -> memref<7680x128xf32, #tpu.memory_space<vmem_shared>>
        tpu.wait_indirect_dma semaphore(%run_scoped3A_72 : memref<!tpu.dma_semaphore, #tpu.memory_space<semaphore_mem>>) src(%arg9 : memref<128x128xf32, #tpu.memory_space<vmem>>) dst(%dma_wait3A_84 : memref<7680x128xf32, #tpu.memory_space<vmem_shared>>)
        tpu.yield
      }) : () -> ()
      %scan3A_71 = arith.constant 0 : i32
      scf.yield %scan3A_71 : i32
    }
    %scan3A_33 = arith.constant 59 : i32
    %barrier3A_34 = arith.constant 0 : index
    tpu.barrier barrier_id(%barrier3A_34)
    %mul3A_35 = arith.constant 472 : i32
    %mul3A_36 = arith.muli %arg1, %mul3A_35 : i32
    %mul3A_37 = arith.constant 7552 : i32
    %mul3A_38 = arith.muli %arg0, %mul3A_37 : i32
    %mul3A_39 = arith.constant 472 : i32
    %mul3A_40 = arith.muli %arg1, %mul3A_39 : i32
    %add3A_41 = arith.addi %mul3A_38, %mul3A_40 : i32
    "tpu.region"() ({
      %run_scoped3A_42 = tpu.sem_alloc : memref<!tpu.dma_semaphore, #tpu.memory_space<semaphore_mem>>
      %dma_start3A_43 = arith.constant 0 : i32
      %dma_start3A_44 = tpu.memref_slice %arg5[%add3A_41, %dma_start3A_43] : memref<15104x128xf32, #tpu.memory_space<hbm>> -> memref<472x128xf32, #tpu.memory_space<hbm>>
      %dma_start3A_45 = arith.constant 0 : i32
      %dma_start3A_46 = tpu.memref_slice %arg10[%mul3A_36, %dma_start3A_45] : memref<7680x128xf32, #tpu.memory_space<vmem_shared>> -> memref<472x128xf32, #tpu.memory_space<vmem_shared>>
      tpu.enqueue_dma source(%dma_start3A_46 : memref<472x128xf32, #tpu.memory_space<vmem_shared>>) target(%dma_start3A_44 : memref<472x128xf32, #tpu.memory_space<hbm>>) target_semaphore(%run_scoped3A_42 : memref<!tpu.dma_semaphore, #tpu.memory_space<semaphore_mem>>)
      %dma_wait3A = arith.constant 0 : i32
      %dma_wait3A_47 = tpu.memref_slice %arg5[%add3A_41, %dma_wait3A] : memref<15104x128xf32, #tpu.memory_space<hbm>> -> memref<472x128xf32, #tpu.memory_space<hbm>>
      %dma_wait3A_48 = arith.constant 0 : i32
      %dma_wait3A_49 = tpu.memref_slice %arg10[%mul3A_36, %dma_wait3A_48] : memref<7680x128xf32, #tpu.memory_space<vmem_shared>> -> memref<472x128xf32, #tpu.memory_space<vmem_shared>>
      tpu.wait_dma2 semaphore(%run_scoped3A_42 : memref<!tpu.dma_semaphore, #tpu.memory_space<semaphore_mem>>) src(%dma_wait3A_49 : memref<472x128xf32, #tpu.memory_space<vmem_shared>>) dst(%dma_wait3A_47 : memref<472x128xf32, #tpu.memory_space<hbm>>)
      tpu.yield
    }) : () -> ()
    return
  }
}

module attributes {stable_mosaic.version = 14 : i64} {
  func.func @_tc1_body(%arg0: i32, %arg1: memref<128x128xf32, #tpu.memory_space<vmem>>, %arg2: memref<128x128xf32, #tpu.memory_space<vmem>>, %arg3: memref<128x128xf32, #tpu.memory_space<vmem>>, %arg4: memref<128x128xf32, #tpu.memory_space<vmem>>, %arg5: memref<128x8xf32, #tpu.memory_space<vmem>>) attributes {dimension_semantics = [#tpu.dimension_semantics<arbitrary>], iteration_bounds = array<i64: 118>, scalar_prefetch = 0 : i64, scratch_operands = 0 : i64, tpu.core_type = #tpu.core_type<tc>, window_params = [{transform_indices = @transform_0, window_bounds = array<i64: 128, 128>}, {transform_indices = @transform_1, window_bounds = array<i64: 128, 128>}, {pipeline_mode = #tpu.pipeline_mode<synchronous>, transform_indices = @transform_2, window_bounds = array<i64: 128, 128>}, {transform_indices = @transform_3, window_bounds = array<i64: 128, 128>}, {transform_indices = @transform_4, window_bounds = array<i64: 128, 8>}]} {
    %get3A = arith.constant 0 : index
    %get3A_0 = arith.constant 0 : index
    %get3A_1 = vector.load %arg2[%get3A, %get3A_0] : memref<128x128xf32, #tpu.memory_space<vmem>>, vector<128x128xf32>
    %slice3A = vector.extract_strided_slice %get3A_1 {offsets = [0, 0], sizes = [128, 1], strides = [1, 1]} : vector<128x128xf32> to vector<128x1xf32>
    %add3A = arith.constant 1.000000e+00 : f32
    %add3A_2 = vector.broadcast %add3A : f32 to vector<128x1xf32>
    %add3A_3 = arith.addf %slice3A, %add3A_2 : vector<128x1xf32>
    %max3A = arith.constant 1.000000e+00 : f32
    %max3A_4 = vector.broadcast %max3A : f32 to vector<128x1xf32>
    %max3A_5 = arith.maximumf %add3A_3, %max3A_4 : vector<128x1xf32>
    %rsqrt3A = math.rsqrt %max3A_5 : vector<128x1xf32>
    %get3A_6 = arith.constant 0 : index
    %get3A_7 = arith.constant 0 : index
    %get3A_8 = vector.load %arg1[%get3A_6, %get3A_7] : memref<128x128xf32, #tpu.memory_space<vmem>>, vector<128x128xf32>
    %get3A_9 = arith.constant 0 : index
    %get3A_10 = arith.constant 0 : index
    %get3A_11 = vector.load %arg3[%get3A_9, %get3A_10] : memref<128x128xf32, #tpu.memory_space<vmem>>, vector<128x128xf32>
    %dot_general3A = arith.constant dense<0.000000e+00> : vector<128x128xf32>
    %dot_general3A_12 = tpu.matmul %get3A_8, %get3A_11, %dot_general3A {dimension_numbers = #tpu.dot_dimension_numbers<[1], [0], [0], [1], [0, 0, 1, 1], [], []>, transpose_lhs_hint = false} : vector<128x128xf32>, vector<128x128xf32>, vector<128x128xf32> -> vector<128x128xf32>
    %mul3A = vector.broadcast %rsqrt3A : vector<128x1xf32> to vector<128x128xf32>
    %mul3A_13 = arith.mulf %dot_general3A_12, %mul3A : vector<128x128xf32>
    %swap3A = arith.constant 0 : index
    %swap3A_14 = arith.constant 0 : index
    %swap3A_15 = vector.load %arg4[%swap3A, %swap3A_14] : memref<128x128xf32, #tpu.memory_space<vmem>>, vector<128x128xf32>
    tpu.vector_store %arg4[%swap3A, %swap3A_14], %mul3A_13 {strides = array<i32>} : memref<128x128xf32, #tpu.memory_space<vmem>>, vector<128x128xf32>,
    %broadcast_in_dim3A = vector.shape_cast %rsqrt3A : vector<128x1xf32> to vector<128x1xf32>
    %broadcast_in_dim3A_16 = vector.broadcast %broadcast_in_dim3A : vector<128x1xf32> to vector<128x8xf32>
    %swap3A_17 = arith.constant 0 : index
    %swap3A_18 = arith.constant 0 : index
    %swap3A_19 = vector.load %arg5[%swap3A_17, %swap3A_18] : memref<128x8xf32, #tpu.memory_space<vmem>>, vector<128x8xf32>
    tpu.vector_store %arg5[%swap3A_17, %swap3A_18], %broadcast_in_dim3A_16 {strides = array<i32>} : memref<128x8xf32, #tpu.memory_space<vmem>>, vector<128x8xf32>,
    return
  }
  func.func @transform_0(%arg0: i32) -> (i32, i32) {
    %c0_i32 = arith.constant 0 : i32
    %c0_i32_0 = arith.constant 0 : i32
    return %arg0, %c0_i32 : i32, i32
  }
  func.func @transform_1(%arg0: i32) -> (i32, i32) {
    %c0_i32 = arith.constant 0 : i32
    %c0_i32_0 = arith.constant 0 : i32
    return %arg0, %c0_i32 : i32, i32
  }
  func.func @transform_2(%arg0: i32) -> (i32, i32) {
    %c0_i32 = arith.constant 0 : i32
    %c0_i32_0 = arith.constant 0 : i32
    %c0_i32_1 = arith.constant 0 : i32
    return %c0_i32, %c0_i32_0 : i32, i32
  }
  func.func @transform_3(%arg0: i32) -> (i32, i32) {
    %c0_i32 = arith.constant 0 : i32
    %c0_i32_0 = arith.constant 0 : i32
    return %arg0, %c0_i32 : i32, i32
  }
  func.func @transform_4(%arg0: i32) -> (i32, i32) {
    %c0_i32 = arith.constant 0 : i32
    %c0_i32_0 = arith.constant 0 : i32
    return %arg0, %c0_i32 : i32, i32
  }
}

module attributes {stable_mosaic.version = 14 : i64} {
  func.func @_tc2_body(%arg0: i32, %arg1: memref<128x128xf32, #tpu.memory_space<vmem>>, %arg2: memref<128x8xf32, #tpu.memory_space<vmem>>, %arg3: memref<1x128xf32, #tpu.memory_space<vmem>>, %arg4: memref<128x128xf32, #tpu.memory_space<vmem>>, %arg5: memref<128x128xf32, #tpu.memory_space<vmem>>) attributes {dimension_semantics = [#tpu.dimension_semantics<arbitrary>], iteration_bounds = array<i64: 118>, scalar_prefetch = 0 : i64, scratch_operands = 0 : i64, tpu.core_type = #tpu.core_type<tc>, window_params = [{transform_indices = @transform_0, window_bounds = array<i64: 128, 128>}, {transform_indices = @transform_1, window_bounds = array<i64: 128, 8>}, {pipeline_mode = #tpu.pipeline_mode<synchronous>, transform_indices = @transform_2, window_bounds = array<i64: 1, 128>}, {pipeline_mode = #tpu.pipeline_mode<synchronous>, transform_indices = @transform_3, window_bounds = array<i64: 128, 128>}, {transform_indices = @transform_4, window_bounds = array<i64: 128, 128>}]} {
    %get3A = arith.constant 0 : index
    %get3A_0 = arith.constant 0 : index
    %get3A_1 = vector.load %arg2[%get3A, %get3A_0] : memref<128x8xf32, #tpu.memory_space<vmem>>, vector<128x8xf32>
    %slice3A = vector.extract_strided_slice %get3A_1 {offsets = [0, 0], sizes = [128, 1], strides = [1, 1]} : vector<128x8xf32> to vector<128x1xf32>
    %get3A_2 = arith.constant 0 : index
    %get3A_3 = arith.constant 0 : index
    %get3A_4 = vector.load %arg1[%get3A_2, %get3A_3] : memref<128x128xf32, #tpu.memory_space<vmem>>, vector<128x128xf32>
    %mul3A = vector.broadcast %slice3A : vector<128x1xf32> to vector<128x128xf32>
    %mul3A_5 = arith.mulf %get3A_4, %mul3A : vector<128x128xf32>
    %get3A_6 = arith.constant 0 : index
    %get3A_7 = arith.constant 0 : index
    %get3A_8 = vector.load %arg3[%get3A_6, %get3A_7] : memref<1x128xf32, #tpu.memory_space<vmem>>, vector<1x128xf32>
    %add3A = vector.broadcast %get3A_8 : vector<1x128xf32> to vector<128x128xf32>
    %add3A_9 = arith.addf %mul3A_5, %add3A : vector<128x128xf32>
    %max3A = arith.constant 0.000000e+00 : f32
    %max3A_10 = vector.broadcast %max3A : f32 to vector<128x128xf32>
    %max3A_11 = arith.maximumf %add3A_9, %max3A_10 : vector<128x128xf32>
    %get3A_12 = arith.constant 0 : index
    %get3A_13 = arith.constant 0 : index
    %get3A_14 = vector.load %arg4[%get3A_12, %get3A_13] : memref<128x128xf32, #tpu.memory_space<vmem>>, vector<128x128xf32>
    %dot_general3A = arith.constant dense<0.000000e+00> : vector<128x128xf32>
    %dot_general3A_15 = tpu.matmul %max3A_11, %get3A_14, %dot_general3A {dimension_numbers = #tpu.dot_dimension_numbers<[1], [0], [0], [1], [0, 0, 1, 1], [], []>, transpose_lhs_hint = false} : vector<128x128xf32>, vector<128x128xf32>, vector<128x128xf32> -> vector<128x128xf32>
    %mul3A_16 = vector.broadcast %slice3A : vector<128x1xf32> to vector<128x128xf32>
    %mul3A_17 = arith.mulf %dot_general3A_15, %mul3A_16 : vector<128x128xf32>
    %swap3A = arith.constant 0 : index
    %swap3A_18 = arith.constant 0 : index
    %swap3A_19 = vector.load %arg5[%swap3A, %swap3A_18] : memref<128x128xf32, #tpu.memory_space<vmem>>, vector<128x128xf32>
    tpu.vector_store %arg5[%swap3A, %swap3A_18], %mul3A_17 {strides = array<i32>} : memref<128x128xf32, #tpu.memory_space<vmem>>, vector<128x128xf32>,
    return
  }
  func.func @transform_0(%arg0: i32) -> (i32, i32) {
    %c0_i32 = arith.constant 0 : i32
    %c0_i32_0 = arith.constant 0 : i32
    return %arg0, %c0_i32 : i32, i32
  }
  func.func @transform_1(%arg0: i32) -> (i32, i32) {
    %c0_i32 = arith.constant 0 : i32
    %c0_i32_0 = arith.constant 0 : i32
    return %arg0, %c0_i32 : i32, i32
  }
  func.func @transform_2(%arg0: i32) -> (i32, i32) {
    %c0_i32 = arith.constant 0 : i32
    %c0_i32_0 = arith.constant 0 : i32
    %c0_i32_1 = arith.constant 0 : i32
    return %c0_i32, %c0_i32_0 : i32, i32
  }
  func.func @transform_3(%arg0: i32) -> (i32, i32) {
    %c0_i32 = arith.constant 0 : i32
    %c0_i32_0 = arith.constant 0 : i32
    %c0_i32_1 = arith.constant 0 : i32
    return %c0_i32, %c0_i32_0 : i32, i32
  }
  func.func @transform_4(%arg0: i32) -> (i32, i32) {
    %c0_i32 = arith.constant 0 : i32
    %c0_i32_0 = arith.constant 0 : i32
    return %arg0, %c0_i32 : i32, i32
  }
}

module attributes {stable_mosaic.version = 14 : i64} {
  func.func @_tc3_body(%arg0: memref<15104x128xf32, #tpu.memory_space<vmem>>, %arg1: memref<15104x8xf32, #tpu.memory_space<vmem>>, %arg2: memref<1x128xf32, #tpu.memory_space<vmem>>, %arg3: memref<128x384xf32, #tpu.memory_space<vmem>>, %arg4: memref<128x384xf32, #tpu.memory_space<vmem>>, %arg5: memref<1x384xf32, #tpu.memory_space<vmem>>, %arg6: memref<1x384xf32, #tpu.memory_space<vmem>>, %arg7: memref<128x384xf32, #tpu.memory_space<vmem>>, %arg8: memref<128x384xf32, #tpu.memory_space<vmem>>, %arg9: memref<1x384xf32, #tpu.memory_space<vmem>>, %arg10: memref<1x384xf32, #tpu.memory_space<vmem>>, %arg11: memref<128x384xf32, #tpu.memory_space<vmem>>, %arg12: memref<128x384xf32, #tpu.memory_space<vmem>>, %arg13: memref<1x384xf32, #tpu.memory_space<vmem>>, %arg14: memref<1x384xf32, #tpu.memory_space<vmem>>, %arg15: memref<384x128xf32, #tpu.memory_space<vmem>>, %arg16: memref<1x128xf32, #tpu.memory_space<vmem>>, %arg17: memref<2x128xf32, #tpu.memory_space<vmem>>, %arg18: memref<400x384xf32, #tpu.memory_space<vmem>>) attributes {dimension_semantics = [], scalar_prefetch = 0 : i64, scratch_operands = 1 : i64, tpu.core_type = #tpu.core_type<tc>} {
    %get3A = arith.constant 0 : index
    %get3A_0 = arith.constant 0 : index
    %get3A_1 = vector.load %arg2[%get3A, %get3A_0] : memref<1x128xf32, #tpu.memory_space<vmem>>, vector<1x128xf32>
    %broadcast_in_dim3A = arith.constant 0.000000e+00 : f32
    %broadcast_in_dim3A_2 = vector.broadcast %broadcast_in_dim3A : f32 to vector<50x128xf32>
    %broadcast_in_dim3A_3 = arith.constant 0.000000e+00 : f32
    %broadcast_in_dim3A_4 = vector.broadcast %broadcast_in_dim3A_3 : f32 to vector<50x128xf32>
    %broadcast_in_dim3A_5 = arith.constant 0.000000e+00 : f32
    %broadcast_in_dim3A_6 = vector.broadcast %broadcast_in_dim3A_5 : f32 to vector<50x128xf32>
    %broadcast_in_dim3A_7 = arith.constant 0.000000e+00 : f32
    %broadcast_in_dim3A_8 = vector.broadcast %broadcast_in_dim3A_7 : f32 to vector<50x128xf32>
    %broadcast_in_dim3A_9 = arith.constant 0.000000e+00 : f32
    %broadcast_in_dim3A_10 = vector.broadcast %broadcast_in_dim3A_9 : f32 to vector<50x128xf32>
    %broadcast_in_dim3A_11 = arith.constant 0.000000e+00 : f32
    %broadcast_in_dim3A_12 = vector.broadcast %broadcast_in_dim3A_11 : f32 to vector<50x128xf32>
    %scan3A = arith.constant 0 : i32
    %scan3A_13 = arith.constant 50 : i32
    %scan3A_14 = arith.addi %scan3A, %scan3A_13 : i32
    %scan3A_15 = arith.constant 1 : i32
    %scan3A_16:6 = scf.for %scan3A_163 = %scan3A to %scan3A_14 step %scan3A_15 iter_args(%scan3A_164 = %broadcast_in_dim3A_2, %scan3A_165 = %broadcast_in_dim3A_4, %scan3A_166 = %broadcast_in_dim3A_6, %scan3A_167 = %broadcast_in_dim3A_8, %scan3A_168 = %broadcast_in_dim3A_10, %scan3A_169 = %broadcast_in_dim3A_12) -> (vector<50x128xf32>, vector<50x128xf32>, vector<50x128xf32>, vector<50x128xf32>, vector<50x128xf32>, vector<50x128xf32>)  : i32 {
      %add3A_170 = arith.constant 0 : i32
      %add3A_171 = arith.addi %add3A_170, %scan3A_163 : i32
      %mul3A = arith.constant 3 : i32
      %mul3A_172 = arith.muli %add3A_171, %mul3A : i32
      %mul3A_173 = arith.constant 50 : i32
      %mul3A_174 = arith.muli %mul3A_172, %mul3A_173 : i32
      %get3A_175 = arith.index_cast %mul3A_174 : i32 to index
      %get3A_176 = arith.constant 0 : index
      %get3A_177 = vector.load %arg0[%get3A_175, %get3A_176] : memref<15104x128xf32, #tpu.memory_space<vmem>>, vector<150x128xf32>
      %get3A_178 = arith.index_cast %mul3A_174 : i32 to index
      %get3A_179 = arith.constant 0 : index
      %get3A_180 = vector.load %arg1[%get3A_178, %get3A_179] : memref<15104x8xf32, #tpu.memory_space<vmem>>, vector<150x1xf32>
      %mul3A_181 = vector.broadcast %get3A_180 : vector<150x1xf32> to vector<150x128xf32>
      %mul3A_182 = arith.mulf %get3A_177, %mul3A_181 : vector<150x128xf32>
      %add3A_183 = vector.broadcast %get3A_1 : vector<1x128xf32> to vector<150x128xf32>
      %add3A_184 = arith.addf %mul3A_182, %add3A_183 : vector<150x128xf32>
      %slice3A_185 = vector.extract_strided_slice %add3A_184 {offsets = [0, 0], sizes = [50, 128], strides = [1, 1]} : vector<150x128xf32> to vector<50x128xf32>
      %add3A_186 = arith.addf %scan3A_164, %slice3A_185 : vector<50x128xf32>
      %slice3A_187 = vector.extract_strided_slice %add3A_184 {offsets = [50, 0], sizes = [50, 128], strides = [1, 1]} : vector<150x128xf32> to vector<50x128xf32>
      %add3A_188 = arith.addf %scan3A_165, %slice3A_187 : vector<50x128xf32>
      %slice3A_189 = vector.extract_strided_slice %add3A_184 {offsets = [100, 0], sizes = [50, 128], strides = [1, 1]} : vector<150x128xf32> to vector<50x128xf32>
      %add3A_190 = arith.addf %scan3A_166, %slice3A_189 : vector<50x128xf32>
      %add3A_191 = arith.constant 50 : i32
      %add3A_192 = arith.addi %add3A_191, %scan3A_163 : i32
      %mul3A_193 = arith.constant 3 : i32
      %mul3A_194 = arith.muli %add3A_192, %mul3A_193 : i32
      %mul3A_195 = arith.constant 50 : i32
      %mul3A_196 = arith.muli %mul3A_194, %mul3A_195 : i32
      %get3A_197 = arith.index_cast %mul3A_196 : i32 to index
      %get3A_198 = arith.constant 0 : index
      %get3A_199 = vector.load %arg0[%get3A_197, %get3A_198] : memref<15104x128xf32, #tpu.memory_space<vmem>>, vector<150x128xf32>
      %get3A_200 = arith.index_cast %mul3A_196 : i32 to index
      %get3A_201 = arith.constant 0 : index
      %get3A_202 = vector.load %arg1[%get3A_200, %get3A_201] : memref<15104x8xf32, #tpu.memory_space<vmem>>, vector<150x1xf32>
      %mul3A_203 = vector.broadcast %get3A_202 : vector<150x1xf32> to vector<150x128xf32>
      %mul3A_204 = arith.mulf %get3A_199, %mul3A_203 : vector<150x128xf32>
      %add3A_205 = vector.broadcast %get3A_1 : vector<1x128xf32> to vector<150x128xf32>
      %add3A_206 = arith.addf %mul3A_204, %add3A_205 : vector<150x128xf32>
      %slice3A_207 = vector.extract_strided_slice %add3A_206 {offsets = [0, 0], sizes = [50, 128], strides = [1, 1]} : vector<150x128xf32> to vector<50x128xf32>
      %add3A_208 = arith.addf %scan3A_167, %slice3A_207 : vector<50x128xf32>
      %slice3A_209 = vector.extract_strided_slice %add3A_206 {offsets = [50, 0], sizes = [50, 128], strides = [1, 1]} : vector<150x128xf32> to vector<50x128xf32>
      %add3A_210 = arith.addf %scan3A_168, %slice3A_209 : vector<50x128xf32>
      %slice3A_211 = vector.extract_strided_slice %add3A_206 {offsets = [100, 0], sizes = [50, 128], strides = [1, 1]} : vector<150x128xf32> to vector<50x128xf32>
      %add3A_212 = arith.addf %scan3A_169, %slice3A_211 : vector<50x128xf32>
      scf.yield %add3A_186, %add3A_188, %add3A_190, %add3A_208, %add3A_210, %add3A_212 : vector<50x128xf32>, vector<50x128xf32>, vector<50x128xf32>, vector<50x128xf32>, vector<50x128xf32>, vector<50x128xf32>
    }
    %scan3A_17 = arith.constant 50 : i32
    %broadcast_in_dim3A_18 = arith.constant 0.000000e+00 : f32
    %broadcast_in_dim3A_19 = vector.broadcast %broadcast_in_dim3A_18 : f32 to vector<50x128xf32>
    %concatenate3A = tpu.concatenate %scan3A_16#0, %broadcast_in_dim3A_19, %broadcast_in_dim3A_19 in 1 : vector<50x128xf32>, vector<50x128xf32>, vector<50x128xf32> -> vector<50x384xf32>
    %reshape3A = vector.shape_cast %concatenate3A : vector<50x384xf32> to vector<50x1x384xf32>
    %concatenate3A_20 = tpu.concatenate %scan3A_16#3, %broadcast_in_dim3A_19, %broadcast_in_dim3A_19 in 1 : vector<50x128xf32>, vector<50x128xf32>, vector<50x128xf32> -> vector<50x384xf32>
    %reshape3A_21 = vector.shape_cast %concatenate3A_20 : vector<50x384xf32> to vector<50x1x384xf32>
    %concatenate3A_22 = tpu.concatenate %broadcast_in_dim3A_19, %scan3A_16#1, %broadcast_in_dim3A_19 in 1 : vector<50x128xf32>, vector<50x128xf32>, vector<50x128xf32> -> vector<50x384xf32>
    %reshape3A_23 = vector.shape_cast %concatenate3A_22 : vector<50x384xf32> to vector<50x1x384xf32>
    %concatenate3A_24 = tpu.concatenate %broadcast_in_dim3A_19, %scan3A_16#4, %broadcast_in_dim3A_19 in 1 : vector<50x128xf32>, vector<50x128xf32>, vector<50x128xf32> -> vector<50x384xf32>
    %reshape3A_25 = vector.shape_cast %concatenate3A_24 : vector<50x384xf32> to vector<50x1x384xf32>
    %concatenate3A_26 = tpu.concatenate %broadcast_in_dim3A_19, %broadcast_in_dim3A_19, %scan3A_16#2 in 1 : vector<50x128xf32>, vector<50x128xf32>, vector<50x128xf32> -> vector<50x384xf32>
    %reshape3A_27 = vector.shape_cast %concatenate3A_26 : vector<50x384xf32> to vector<50x1x384xf32>
    %concatenate3A_28 = tpu.concatenate %broadcast_in_dim3A_19, %broadcast_in_dim3A_19, %scan3A_16#5 in 1 : vector<50x128xf32>, vector<50x128xf32>, vector<50x128xf32> -> vector<50x384xf32>
    %reshape3A_29 = vector.shape_cast %concatenate3A_28 : vector<50x384xf32> to vector<50x1x384xf32>
    %broadcast_in_dim3A_30 = arith.constant 0.000000e+00 : f32
    %broadcast_in_dim3A_31 = vector.broadcast %broadcast_in_dim3A_30 : f32 to vector<50x1x384xf32>
    %concatenate3A_32 = tpu.concatenate %reshape3A, %reshape3A_21, %reshape3A_23, %reshape3A_25, %reshape3A_27, %reshape3A_29, %broadcast_in_dim3A_31, %broadcast_in_dim3A_31 in 1 : vector<50x1x384xf32>, vector<50x1x384xf32>, vector<50x1x384xf32>, vector<50x1x384xf32>, vector<50x1x384xf32>, vector<50x1x384xf32>, vector<50x1x384xf32>, vector<50x1x384xf32> -> vector<50x8x384xf32>
    %get3A_33 = arith.constant 0 : index
    %get3A_34 = arith.constant 0 : index
    %get3A_35 = vector.load %arg3[%get3A_33, %get3A_34] : memref<128x384xf32, #tpu.memory_space<vmem>>, vector<128x384xf32>
    %get3A_36 = arith.constant 0 : index
    %get3A_37 = arith.constant 0 : index
    %get3A_38 = vector.load %arg7[%get3A_36, %get3A_37] : memref<128x384xf32, #tpu.memory_space<vmem>>, vector<128x384xf32>
    %get3A_39 = arith.constant 0 : index
    %get3A_40 = arith.constant 0 : index
    %get3A_41 = vector.load %arg11[%get3A_39, %get3A_40] : memref<128x384xf32, #tpu.memory_space<vmem>>, vector<128x384xf32>
    %concatenate3A_42 = tpu.concatenate %get3A_35, %get3A_38, %get3A_41 in 0 : vector<128x384xf32>, vector<128x384xf32>, vector<128x384xf32> -> vector<384x384xf32>
    %get3A_43 = arith.constant 0 : index
    %get3A_44 = arith.constant 0 : index
    %get3A_45 = vector.load %arg4[%get3A_43, %get3A_44] : memref<128x384xf32, #tpu.memory_space<vmem>>, vector<128x384xf32>
    %get3A_46 = arith.constant 0 : index
    %get3A_47 = arith.constant 0 : index
    %get3A_48 = vector.load %arg8[%get3A_46, %get3A_47] : memref<128x384xf32, #tpu.memory_space<vmem>>, vector<128x384xf32>
    %get3A_49 = arith.constant 0 : index
    %get3A_50 = arith.constant 0 : index
    %get3A_51 = vector.load %arg12[%get3A_49, %get3A_50] : memref<128x384xf32, #tpu.memory_space<vmem>>, vector<128x384xf32>
    %concatenate3A_52 = tpu.concatenate %get3A_45, %get3A_48, %get3A_51 in 0 : vector<128x384xf32>, vector<128x384xf32>, vector<128x384xf32> -> vector<384x384xf32>
    %get3A_53 = arith.constant 0 : index
    %get3A_54 = arith.constant 0 : index
    %get3A_55 = vector.load %arg5[%get3A_53, %get3A_54] : memref<1x384xf32, #tpu.memory_space<vmem>>, vector<1x384xf32>
    %get3A_56 = arith.constant 0 : index
    %get3A_57 = arith.constant 0 : index
    %get3A_58 = vector.load %arg9[%get3A_56, %get3A_57] : memref<1x384xf32, #tpu.memory_space<vmem>>, vector<1x384xf32>
    %get3A_59 = arith.constant 0 : index
    %get3A_60 = arith.constant 0 : index
    %get3A_61 = vector.load %arg13[%get3A_59, %get3A_60] : memref<1x384xf32, #tpu.memory_space<vmem>>, vector<1x384xf32>
    %concatenate3A_62 = tpu.concatenate %get3A_55, %get3A_55, %get3A_58, %get3A_58, %get3A_61, %get3A_61 in 0 : vector<1x384xf32>, vector<1x384xf32>, vector<1x384xf32>, vector<1x384xf32>, vector<1x384xf32>, vector<1x384xf32> -> vector<6x384xf32>
    %get3A_63 = arith.constant 0 : index
    %get3A_64 = arith.constant 0 : index
    %get3A_65 = vector.load %arg6[%get3A_63, %get3A_64] : memref<1x384xf32, #tpu.memory_space<vmem>>, vector<1x384xf32>
    %get3A_66 = arith.constant 0 : index
    %get3A_67 = arith.constant 0 : index
    %get3A_68 = vector.load %arg10[%get3A_66, %get3A_67] : memref<1x384xf32, #tpu.memory_space<vmem>>, vector<1x384xf32>
    %get3A_69 = arith.constant 0 : index
    %get3A_70 = arith.constant 0 : index
    %get3A_71 = vector.load %arg14[%get3A_69, %get3A_70] : memref<1x384xf32, #tpu.memory_space<vmem>>, vector<1x384xf32>
    %concatenate3A_72 = tpu.concatenate %get3A_65, %get3A_65, %get3A_68, %get3A_68, %get3A_71, %get3A_71 in 0 : vector<1x384xf32>, vector<1x384xf32>, vector<1x384xf32>, vector<1x384xf32>, vector<1x384xf32>, vector<1x384xf32> -> vector<6x384xf32>
    %reshape3A_73 = vector.shape_cast %concatenate3A_32 : vector<50x8x384xf32> to vector<400x384xf32>
    %dot_general3A = arith.constant dense<0.000000e+00> : vector<400x384xf32>
    %dot_general3A_74 = tpu.matmul %reshape3A_73, %concatenate3A_42, %dot_general3A {dimension_numbers = #tpu.dot_dimension_numbers<[1], [0], [0], [1], [0, 0, 1, 1], [], []>, transpose_lhs_hint = false} : vector<400x384xf32>, vector<384x384xf32>, vector<400x384xf32> -> vector<400x384xf32>
    %swap3A = arith.constant 0 : index
    %swap3A_75 = arith.constant 0 : index
    %swap3A_76 = vector.load %arg18[%swap3A, %swap3A_75] : memref<400x384xf32, #tpu.memory_space<vmem>>, vector<400x384xf32>
    tpu.vector_store %arg18[%swap3A, %swap3A_75], %dot_general3A_74 {strides = array<i32>} : memref<400x384xf32, #tpu.memory_space<vmem>>, vector<400x384xf32>,
    %iota3A = tpu.iota {dimensions = array<i32: 0>} : vector<6x384xi32>
    %jit3A = arith.constant 2 : i32
    %div3A = vector.broadcast %jit3A : i32 to vector<6x384xi32>
    %div3A_77 = arith.divsi %iota3A, %div3A : vector<6x384xi32>
    %sign3A = arith.constant 0 : i32
    %sign3A_78 = vector.broadcast %sign3A : i32 to vector<6x384xi32>
    %sign3A_79 = arith.cmpi sgt, %iota3A, %sign3A_78 : vector<6x384xi32>
    %sign3A_80 = arith.extui %sign3A_79 : vector<6x384xi1> to vector<6x384xi32>
    %sign3A_81 = arith.constant 0 : i32
    %sign3A_82 = vector.broadcast %sign3A_81 : i32 to vector<6x384xi32>
    %sign3A_83 = arith.cmpi slt, %iota3A, %sign3A_82 : vector<6x384xi32>
    %sign3A_84 = arith.extui %sign3A_83 : vector<6x384xi1> to vector<6x384xi32>
    %sign3A_85 = arith.subi %sign3A_80, %sign3A_84 : vector<6x384xi32>
    %sign3A_86 = arith.constant 0 : i32
    %sign3A_87 = arith.cmpi sgt, %jit3A, %sign3A_86 : i32
    %sign3A_88 = arith.extui %sign3A_87 : i1 to i32
    %sign3A_89 = arith.constant 0 : i32
    %sign3A_90 = arith.cmpi slt, %jit3A, %sign3A_89 : i32
    %sign3A_91 = arith.extui %sign3A_90 : i1 to i32
    %sign3A_92 = arith.subi %sign3A_88, %sign3A_91 : i32
    %ne3A = vector.broadcast %sign3A_92 : i32 to vector<6x384xi32>
    %ne3A_93 = arith.cmpi ne, %sign3A_85, %ne3A : vector<6x384xi32>
    %rem3A = vector.broadcast %jit3A : i32 to vector<6x384xi32>
    %rem3A_94 = arith.remsi %iota3A, %rem3A : vector<6x384xi32>
    %ne3A_95 = arith.constant 0 : i32
    %ne3A_96 = vector.broadcast %ne3A_95 : i32 to vector<6x384xi32>
    %ne3A_97 = arith.cmpi ne, %rem3A_94, %ne3A_96 : vector<6x384xi32>
    %and3A = arith.andi %ne3A_93, %ne3A_97 : vector<6x384xi1>
    %sub3A = arith.constant 1 : i32
    %sub3A_98 = vector.broadcast %sub3A : i32 to vector<6x384xi32>
    %sub3A_99 = arith.subi %div3A_77, %sub3A_98 : vector<6x384xi32>
    %select_n3A = arith.select %and3A, %sub3A_99, %div3A_77 : vector<6x384xi1>, vector<6x384xi32>
    %iota3A_100 = tpu.iota {dimensions = array<i32: 1>} : vector<6x384xi32>
    %jit3A_101 = arith.constant 128 : i32
    %div3A_102 = vector.broadcast %jit3A_101 : i32 to vector<6x384xi32>
    %div3A_103 = arith.divsi %iota3A_100, %div3A_102 : vector<6x384xi32>
    %sign3A_104 = arith.constant 0 : i32
    %sign3A_105 = vector.broadcast %sign3A_104 : i32 to vector<6x384xi32>
    %sign3A_106 = arith.cmpi sgt, %iota3A_100, %sign3A_105 : vector<6x384xi32>
    %sign3A_107 = arith.extui %sign3A_106 : vector<6x384xi1> to vector<6x384xi32>
    %sign3A_108 = arith.constant 0 : i32
    %sign3A_109 = vector.broadcast %sign3A_108 : i32 to vector<6x384xi32>
    %sign3A_110 = arith.cmpi slt, %iota3A_100, %sign3A_109 : vector<6x384xi32>
    %sign3A_111 = arith.extui %sign3A_110 : vector<6x384xi1> to vector<6x384xi32>
    %sign3A_112 = arith.subi %sign3A_107, %sign3A_111 : vector<6x384xi32>
    %sign3A_113 = arith.constant 0 : i32
    %sign3A_114 = arith.cmpi sgt, %jit3A_101, %sign3A_113 : i32
    %sign3A_115 = arith.extui %sign3A_114 : i1 to i32
    %sign3A_116 = arith.constant 0 : i32
    %sign3A_117 = arith.cmpi slt, %jit3A_101, %sign3A_116 : i32
    %sign3A_118 = arith.extui %sign3A_117 : i1 to i32
    %sign3A_119 = arith.subi %sign3A_115, %sign3A_118 : i32
    %ne3A_120 = vector.broadcast %sign3A_119 : i32 to vector<6x384xi32>
    %ne3A_121 = arith.cmpi ne, %sign3A_112, %ne3A_120 : vector<6x384xi32>
    %rem3A_122 = vector.broadcast %jit3A_101 : i32 to vector<6x384xi32>
    %rem3A_123 = arith.remsi %iota3A_100, %rem3A_122 : vector<6x384xi32>
    %ne3A_124 = arith.constant 0 : i32
    %ne3A_125 = vector.broadcast %ne3A_124 : i32 to vector<6x384xi32>
    %ne3A_126 = arith.cmpi ne, %rem3A_123, %ne3A_125 : vector<6x384xi32>
    %and3A_127 = arith.andi %ne3A_121, %ne3A_126 : vector<6x384xi1>
    %sub3A_128 = arith.constant 1 : i32
    %sub3A_129 = vector.broadcast %sub3A_128 : i32 to vector<6x384xi32>
    %sub3A_130 = arith.subi %div3A_103, %sub3A_129 : vector<6x384xi32>
    %select_n3A_131 = arith.select %and3A_127, %sub3A_130, %div3A_103 : vector<6x384xi1>, vector<6x384xi32>
    %eq3A = arith.cmpi eq, %select_n3A, %select_n3A_131 : vector<6x384xi32>
    %convert_element_type3A = arith.extui %eq3A : vector<6x384xi1> to vector<6x384xi32>
    %convert_element_type3A_132 = arith.sitofp %convert_element_type3A : vector<6x384xi32> to vector<6x384xf32>
    %broadcast_in_dim3A_133 = arith.constant 0.000000e+00 : f32
    %broadcast_in_dim3A_134 = vector.broadcast %broadcast_in_dim3A_133 : f32 to vector<6x128xf32>
    %scan3A_135 = arith.constant 0 : i32
    %scan3A_136 = arith.constant 50 : i32
    %scan3A_137 = arith.addi %scan3A_135, %scan3A_136 : i32
    %scan3A_138 = arith.constant 1 : i32
    %scan3A_139 = scf.for %scan3A_163 = %scan3A_135 to %scan3A_137 step %scan3A_138 iter_args(%scan3A_164 = %broadcast_in_dim3A_134) -> (vector<6x128xf32>)  : i32 {
      %concatenate3A_165 = tpu.concatenate %scan3A_164, %scan3A_164, %scan3A_164 in 1 : vector<6x128xf32>, vector<6x128xf32>, vector<6x128xf32> -> vector<6x384xf32>
      %mul3A = arith.mulf %concatenate3A_165, %convert_element_type3A_132 : vector<6x384xf32>
      %dot_general3A_166 = arith.constant dense<0.000000e+00> : vector<6x384xf32>
      %dot_general3A_167 = tpu.matmul %mul3A, %concatenate3A_52, %dot_general3A_166 {dimension_numbers = #tpu.dot_dimension_numbers<[1], [0], [0], [1], [0, 0, 1, 1], [], []>, transpose_lhs_hint = false} : vector<6x384xf32>, vector<384x384xf32>, vector<6x384xf32> -> vector<6x384xf32>
      %add3A_168 = arith.addf %dot_general3A_167, %concatenate3A_72 : vector<6x384xf32>
      %mul3A_169 = arith.constant 8 : i32
      %mul3A_170 = arith.muli %mul3A_169, %scan3A_163 : i32
      %multiple_of3A = tpu.assume_multiple %mul3A_170, 8 : i32
      %get3A_171 = arith.index_cast %multiple_of3A : i32 to index
      %get3A_172 = arith.constant 0 : index
      %get3A_173 = vector.load %arg18[%get3A_171, %get3A_172] : memref<400x384xf32, #tpu.memory_space<vmem>>, vector<8x384xf32>
      %slice3A_174 = vector.extract_strided_slice %get3A_173 {offsets = [0, 0], sizes = [6, 384], strides = [1, 1]} : vector<8x384xf32> to vector<6x384xf32>
      %add3A_175 = arith.addf %slice3A_174, %concatenate3A_62 : vector<6x384xf32>
      %slice3A_176 = vector.extract_strided_slice %add3A_175 {offsets = [0, 0], sizes = [6, 128], strides = [1, 1]} : vector<6x384xf32> to vector<6x128xf32>
      %slice3A_177 = vector.extract_strided_slice %add3A_168 {offsets = [0, 0], sizes = [6, 128], strides = [1, 1]} : vector<6x384xf32> to vector<6x128xf32>
      %add3A_178 = arith.addf %slice3A_176, %slice3A_177 : vector<6x128xf32>
      %logistic3A = arith.negf %add3A_178 : vector<6x128xf32>
      %logistic3A_179 = math.exp %logistic3A : vector<6x128xf32>
      %logistic3A_180 = arith.constant 1.000000e+00 : f32
      %logistic3A_181 = vector.broadcast %logistic3A_180 : f32 to vector<6x128xf32>
      %logistic3A_182 = arith.addf %logistic3A_181, %logistic3A_179 : vector<6x128xf32>
      %logistic3A_183 = arith.divf %logistic3A_181, %logistic3A_182 : vector<6x128xf32>
      %slice3A_184 = vector.extract_strided_slice %add3A_175 {offsets = [0, 128], sizes = [6, 128], strides = [1, 1]} : vector<6x384xf32> to vector<6x128xf32>
      %slice3A_185 = vector.extract_strided_slice %add3A_168 {offsets = [0, 128], sizes = [6, 128], strides = [1, 1]} : vector<6x384xf32> to vector<6x128xf32>
      %add3A_186 = arith.addf %slice3A_184, %slice3A_185 : vector<6x128xf32>
      %logistic3A_187 = arith.negf %add3A_186 : vector<6x128xf32>
      %logistic3A_188 = math.exp %logistic3A_187 : vector<6x128xf32>
      %logistic3A_189 = arith.constant 1.000000e+00 : f32
      %logistic3A_190 = vector.broadcast %logistic3A_189 : f32 to vector<6x128xf32>
      %logistic3A_191 = arith.addf %logistic3A_190, %logistic3A_188 : vector<6x128xf32>
      %logistic3A_192 = arith.divf %logistic3A_190, %logistic3A_191 : vector<6x128xf32>
      %slice3A_193 = vector.extract_strided_slice %add3A_175 {offsets = [0, 256], sizes = [6, 128], strides = [1, 1]} : vector<6x384xf32> to vector<6x128xf32>
      %slice3A_194 = vector.extract_strided_slice %add3A_168 {offsets = [0, 256], sizes = [6, 128], strides = [1, 1]} : vector<6x384xf32> to vector<6x128xf32>
      %mul3A_195 = arith.mulf %logistic3A_183, %slice3A_194 : vector<6x128xf32>
      %add3A_196 = arith.addf %slice3A_193, %mul3A_195 : vector<6x128xf32>
      %tanh3A = math.tanh %add3A_196 : vector<6x128xf32>
      %sub3A_197 = arith.constant 1.000000e+00 : f32
      %sub3A_198 = vector.broadcast %sub3A_197 : f32 to vector<6x128xf32>
      %sub3A_199 = arith.subf %sub3A_198, %logistic3A_192 : vector<6x128xf32>
      %mul3A_200 = arith.mulf %sub3A_199, %tanh3A : vector<6x128xf32>
      %mul3A_201 = arith.mulf %logistic3A_192, %scan3A_164 : vector<6x128xf32>
      %add3A_202 = arith.addf %mul3A_200, %mul3A_201 : vector<6x128xf32>
      scf.yield %add3A_202 : vector<6x128xf32>
    }
    %scan3A_140 = arith.constant 50 : i32
    %slice3A = vector.extract_strided_slice %scan3A_139 {offsets = [0, 0], sizes = [1, 128], strides = [1, 1]} : vector<6x128xf32> to vector<1x128xf32>
    %slice3A_141 = vector.extract_strided_slice %scan3A_139 {offsets = [2, 0], sizes = [1, 128], strides = [1, 1]} : vector<6x128xf32> to vector<1x128xf32>
    %slice3A_142 = vector.extract_strided_slice %scan3A_139 {offsets = [4, 0], sizes = [1, 128], strides = [1, 1]} : vector<6x128xf32> to vector<1x128xf32>
    %concatenate3A_143 = tpu.concatenate %slice3A, %slice3A_141, %slice3A_142 in 1 : vector<1x128xf32>, vector<1x128xf32>, vector<1x128xf32> -> vector<1x384xf32>
    %slice3A_144 = vector.extract_strided_slice %scan3A_139 {offsets = [1, 0], sizes = [1, 128], strides = [1, 1]} : vector<6x128xf32> to vector<1x128xf32>
    %slice3A_145 = vector.extract_strided_slice %scan3A_139 {offsets = [3, 0], sizes = [1, 128], strides = [1, 1]} : vector<6x128xf32> to vector<1x128xf32>
    %slice3A_146 = vector.extract_strided_slice %scan3A_139 {offsets = [5, 0], sizes = [1, 128], strides = [1, 1]} : vector<6x128xf32> to vector<1x128xf32>
    %concatenate3A_147 = tpu.concatenate %slice3A_144, %slice3A_145, %slice3A_146 in 1 : vector<1x128xf32>, vector<1x128xf32>, vector<1x128xf32> -> vector<1x384xf32>
    %concatenate3A_148 = tpu.concatenate %concatenate3A_143, %concatenate3A_147 in 0 : vector<1x384xf32>, vector<1x384xf32> -> vector<2x384xf32>
    %max3A = arith.constant 0.000000e+00 : f32
    %max3A_149 = vector.broadcast %max3A : f32 to vector<2x384xf32>
    %max3A_150 = arith.maximumf %concatenate3A_148, %max3A_149 : vector<2x384xf32>
    %get3A_151 = arith.constant 0 : index
    %get3A_152 = arith.constant 0 : index
    %get3A_153 = vector.load %arg15[%get3A_151, %get3A_152] : memref<384x128xf32, #tpu.memory_space<vmem>>, vector<384x128xf32>
    %dot_general3A_154 = arith.constant dense<0.000000e+00> : vector<2x128xf32>
    %dot_general3A_155 = tpu.matmul %max3A_150, %get3A_153, %dot_general3A_154 {dimension_numbers = #tpu.dot_dimension_numbers<[1], [0], [0], [1], [0, 0, 1, 1], [], []>, transpose_lhs_hint = false} : vector<2x384xf32>, vector<384x128xf32>, vector<2x128xf32> -> vector<2x128xf32>
    %get3A_156 = arith.constant 0 : index
    %get3A_157 = arith.constant 0 : index
    %get3A_158 = vector.load %arg16[%get3A_156, %get3A_157] : memref<1x128xf32, #tpu.memory_space<vmem>>, vector<1x128xf32>
    %add3A = vector.broadcast %get3A_158 : vector<1x128xf32> to vector<2x128xf32>
    %add3A_159 = arith.addf %dot_general3A_155, %add3A : vector<2x128xf32>
    %swap3A_160 = arith.constant 0 : index
    %swap3A_161 = arith.constant 0 : index
    %swap3A_162 = vector.load %arg17[%swap3A_160, %swap3A_161] : memref<2x128xf32, #tpu.memory_space<vmem>>, vector<2x128xf32>
    tpu.vector_store %arg17[%swap3A_160, %swap3A_161], %add3A_159 {strides = array<i32>} : memref<2x128xf32, #tpu.memory_space<vmem>>, vector<2x128xf32>,
    return
  }
}

</mosaic_0001>

<sc_bundles>
// kernel: kernel.11.cloned.1.call-start
scs
__scs_entry_jumppad:
0x0: {  	(pc) =	sbr.rel $0x88, $3  }
0x1: {  	(tag) =	ssettag $0x0;
	lr =	simm.s32 $0x1  }
0x2: {  	[smem:$0x3F88] =	sst lr;
	_ =	strace $0xD0000000  }
0x3: {  	_ = 	snop  }
0x4: {  	_ = 	snop  }
0x5: {  	_ = 	snop  }
0x6: {  	_ = 	snop  }
0x7: {  	_ = 	snop  }
__scs_overlays_trampoline_lowered:
0x8: {  	[smem:$0x3F97] =	sst s0  }
0x9: {  	[smem:$0x3F98] =	sst s1  }
0xa: {  	[smem:$0x3F99] =	sst s2  }
0xb: {  	[smem:$0x3F9A] =	sst s3  }
0xc: {  	[smem:$0x3F9B] =	sst s4  }
0xd: {  	[smem:$0x3F9C] =	sst s5  }
0xe: {  	[smem:$0x3F9D] =	sst s6  }
0xf: {  	[smem:$0x3F9E] =	sst s7  }
0x10: {  	[smem:$0x3F9F] =	sst s8  }
0x11: {  	[smem:$0x3FA0] =	sst s9;
	s0 =	simm.s32 @!p0 $0x0  }
0x12: {  	s1 =	sld [smem:$0x3F86];
	s0 =	simm.s32 @p0 $0x1  }
0x13: {  	[smem:$0x3FA1] =	sst s0;
	s0 =	simm.s32 @!p1 $0x0  }
0x14: {  	s2 =	sld [smem:$0x3F85];
	s0 =	simm.s32 @p1 $0x1  }
0x15: {  	[smem:$0x3FA2] =	sst s0;
	s0 =	simm.s32 @!p2 $0x0  }
0x16: {  	s3 =	sld [smem:$0x3FDB];
	s0 =	simm.s32 @p2 $0x1  }
0x17: {  	s4 =	simm.s32 $0x1BF5;
	[smem:$0x3FA4] =	sst s0  }
0x18: {  	s0 =	sld [smem:$0x3F87];
	_ =	swait.ge [sflag:s4], $0x0  }
0x19: {  	s7 =	sld [smem:$0x3F88]  }
0x1a: {  	s8 =	sadd.s32 $0xFFFFE003, lr  }
0x1b: {  	s9 =	sadd.s32 $0xFFFFFEF7, lr;
	s5 =	simm.s32 $0xFFFFFFFF;
	p2 =	slt.u32 s8, $0xFFFFF086  }
0x1c: {  	p1 =	slt.u32 s9, $0xF7A;
	s5 =	simm.s32 @!p2 $0x0  }
0x1d: {  	s5 =	simm.s32 @p1 $0x1;
	p0 =	seq.s32 s7, s2  }
0x1e: {  	s7 =	smul.u32 @!p0 $0xF7A, s2;
	p2 =	seq.s32 @!p0 s5, $0x0  }
0x1f: {  	s9 =	smul.u32 $0xF7A, s1;
	s8 =	simm.s32 @!p0 $0x1BF5;
	p2 =	por !p2, p0  }
0x20: {  	[sflag:s8] =	ssyncset.s32 @!p0 $0xFFFFF086;
	s6 =	sadd.s32 @!p0 s3, s7;
	s7 =	simm.s32 @!p0 $0x108  }
0x21: {  	s3 =	sadd.s32 s3, s9;
	s6 =	sadd.s32 @!p0 $0x88, s6;
	s7 =	simm.s32 @p2 $0x1082  }
0x22: {  	[simem:s7], [sflag:s8] =	dma.local @!p0 [hbm:s6], $0xF7A  }
0x23: {  	s9 =	sor.u32 $0xD0000000, s2;
	s6 =	simm.s32 $0x108;
	_ =	swait.ge @!p0 [sflag:s8], $0x0  }
0x24: {  	s3 =	sadd.s32 $0x88, s3;
	s6 =	simm.s32 @!p1 $0x1082;
	[sflag:s4] =	ssyncset.s32 $0xFFFFF086  }
0x25: {  	[simem:s6], [sflag:s4] =	dma.local [hbm:s3], $0xF7A  }
0x26: {  	[smem:$0x3F88] =	sst s1;
	(tag) =	ssettag s2;
	_ =	strace s9  }
0x27: {  	s1 =	sld [smem:$0x3F98]  }
0x28: {  	s2 =	sld [smem:$0x3F99]  }
0x29: {  	s4 =	sld [smem:$0x3F9B]  }
0x2a: {  	p0 =	seq.s32 s5, $0x0;
	s5 =	sld [smem:$0x3F9C]  }
0x2b: {  	s6 =	sld [smem:$0x3F9D]  }
0x2c: {  	s7 =	sld [smem:$0x3F9E]  }
0x2d: {  	s3 =	simm.s32 $0x108;
	s8 =	sld [smem:$0x3F9F]  }
0x2e: {  	s3 =	simm.s32 @!p0 $0x1082;
	s9 =	sld [smem:$0x3FA0]  }
0x2f: {  	lr =	sadd.s32 s0, s3;
	s0 =	sld [smem:$0x3F97]  }
0x30: {  	s3 =	sld [smem:$0x3F9A]  }
0x31: {  	[smem:$0x3FA3] =	sst s10  }
0x32: {  	s10 =	sld [smem:$0x3FA1];
	_ =	sdelay $0x3  }
0x33: {  	p0 =	seq.s32 s10, $0x1;
	s10 =	sld [smem:$0x3FA3];
	_ =	sdelay $0x3  }
0x34: {  	[smem:$0x3FA3] =	sst s10  }
0x35: {  	s10 =	sld [smem:$0x3FA2];
	_ =	sdelay $0x3  }
0x36: {  	p1 =	seq.s32 s10, $0x1;
	s10 =	sld [smem:$0x3FA3];
	_ =	sdelay $0x3  }
0x37: {  	[smem:$0x3FA3] =	sst s10  }
0x38: {  	s10 =	sld [smem:$0x3FA4]  }
0x39: {  	_ = 	snop;
	(pc) =	sbr.ind lr, $3  }
0x3a: {  	_ = 	snop  }
0x3b: {  	_ = 	snop  }
0x3c: {  	p2 =	seq.s32 s10, $0x1;
	s10 =	sld [smem:$0x3FA3]  }
0x3d: {  	_ =	shalt  }
0x3e: {  	_ =	shalt  }
0x3f: {  	_ =	shalt  }
0x40: {  	_ =	shalt  }
0x41: {  	_ =	shalt  }
0x42: {  	_ =	shalt  }
0x43: {  	_ =	shalt  }
0x44: {  	_ =	shalt  }
0x45: {  	_ =	shalt  }
0x46: {  	_ =	shalt  }
0x47: {  	_ =	shalt  }
0x48: {  	_ =	shalt  }
0x49: {  	_ =	shalt  }
0x4a: {  	_ =	shalt  }
0x4b: {  	_ =	shalt  }
0x4c: {  	_ =	shalt  }
0x4d: {  	_ =	shalt  }
0x4e: {  	_ =	shalt  }
0x4f: {  	_ =	shalt  }
0x50: {  	_ =	shalt  }
0x51: {  	_ =	shalt  }
0x52: {  	_ =	shalt  }
0x53: {  	_ =	shalt  }
0x54: {  	_ =	shalt  }
0x55: {  	_ =	shalt  }
0x56: {  	_ =	shalt  }
0x57: {  	_ =	shalt  }
0x58: {  	_ =	shalt  }
0x59: {  	_ =	shalt  }
0x5a: {  	_ =	shalt  }
0x5b: {  	_ =	shalt  }
0x5c: {  	_ =	shalt  }
0x5d: {  	_ =	shalt  }
0x5e: {  	_ =	shalt  }
0x5f: {  	_ =	shalt  }
0x60: {  	_ =	shalt  }
0x61: {  	_ =	shalt  }
0x62: {  	_ =	shalt  }
0x63: {  	_ =	shalt  }
0x64: {  	_ =	shalt  }
0x65: {  	_ =	shalt  }
0x66: {  	_ =	shalt  }
0x67: {  	_ =	shalt  }
0x68: {  	_ =	shalt  }
0x69: {  	_ =	shalt  }
0x6a: {  	_ =	shalt  }
0x6b: {  	_ =	shalt  }
0x6c: {  	_ =	shalt  }
0x6d: {  	_ =	shalt  }
0x6e: {  	_ =	shalt  }
0x6f: {  	_ =	shalt  }
0x70: {  	_ =	shalt  }
0x71: {  	_ =	shalt  }
0x72: {  	_ =	shalt  }
0x73: {  	_ =	shalt  }
0x74: {  	_ =	shalt  }
0x75: {  	_ =	shalt  }
0x76: {  	_ =	shalt  }
0x77: {  	_ =	shalt  }
0x78: {  	_ =	shalt  }
0x79: {  	_ =	shalt  }
0x7a: {  	_ =	shalt  }
0x7b: {  	_ =	shalt  }
0x7c: {  	_ =	shalt  }
0x7d: {  	_ =	shalt  }
0x7e: {  	_ =	shalt  }
0x7f: {  	_ =	shalt  }
0x80: {  	_ =	shalt  }
0x81: {  	_ =	shalt  }
0x82: {  	_ =	shalt  }
0x83: {  	_ =	shalt  }
0x84: {  	_ =	shalt  }
0x85: {  	_ =	shalt  }
0x86: {  	_ =	shalt  }
0x87: {  	_ =	shalt  }
.Lfunc_end0:
.L_simem_size_0:
called_computation.1_lowered:
.L_overlay_start_0:
0x88: {  	s2 =	sld [smem:$0x3FD9]  }
0x89: {  	s3 =	sld [smem:$0x3FFE];
	_ =	sdelay $0x1  }
0x8a: {  	s1 =	srdreg.scid  }
0x8b: {  	s0 =	sand.u32 $0x1, s1  }
0x8c: {  	s16 =	sshll.u32 s0, $0xA;
	s2 =	sadd.s32 s3, s2  }
0x8d: {  	s2 =	sadd.s32 s2, s16  }
0x8e: {  	[smem:$0x3FAF] =	sst s2  }
0x8f: {  	_ = 	snop  }
0x90: {  	(tm) =	ssettm $0x1  }
0x91: {  	s17 =	sld [smem:$0x3FFB];
	_ =	sdelay $0x3  }
0x92: {  	_ =	strace s17  }
0x93: {  	s2 =	sld [smem:$0x3FFC];
	_ =	sdelay $0x3  }
0x94: {  	_ =	strace s2  }
0x95: {  	s2 =	sld [smem:$0x3FFD];
	_ =	sdelay $0x3  }
0x96: {  	_ =	strace s2  }
0x97: {  	_ =	strace $0x8FFFFFFF  }
0x98: {  	s18 =	sld [smem:$0x3FDB];
	_ =	sdelay $0x1  }
0x99: {  	s19 =	simm.s32 $_scs_section_size  }
0x9a: {  	s4 =	simm.s32 $_size__tile_overlayer_lowered;
	s5 =	simm.s32 $_tile_overlayer_lowered  }
0x9b: {  	s22 =	simm.s32 $0x1BFF;
	s21 =	sshll.u32 s5, $0x1;
	s2 =	sadd.s32 s19, s18  }
0x9c: {  	s6 =	simm.s32 $0x0;
	s20 =	sshll.u32 s4, $0x1;
	s4 =	sadd.s32 s21, s2  }
0x9d: {  	[timem:s6], [sflag:s22] =	dma.local [hbm:s4], s20  }
0x9e: {  	_ =	swait.ge [sflag:s22], s20  }
0x9f: {  	s3 =	ssub.s32 $0x0, s20;
	[sflag:s22] =	ssyncset.done $0x0  }
0xa0: {  	[sflag:s22] =	ssyncadd.s32 s3;
	_ =	sdelay $0x1  }
0xa1: {  	s23 =	simm.s32 $0x1B8B  }
0xa2: {  	_ =	swait.ge [sflag:s23], $0x1  }
0xa3: {  	[sflag:s23] =	ssyncset.done $0x0  }
0xa4: {  	s25 =	simm.s32 $0x1B8E;
	s24 =	sld [smem:$0x3FFE];
	[sflag:s23] =	ssyncadd.s32 $0xFFFFFFFF  }
0xa5: {  	s26 =	simm.s32 $execute0_lowered;
	[smem:$0x3FD2] =	sst s25  }
0xa6: {  	s4 =	sshll.u32 s26, $0x1;
	_ =	strace $0x80000049;
	[dreg:$0x1] =	wrdreg $0xFFFFFFFF  }
0xa7: {  	s28 =	simm.s32 $_size_execute0_lowered;
	s2 =	sadd.s32 s2, s4;
	[dreg:$0x0] =	wrdreg $0x0  }
0xa8: {  	s4 =	sshll.u32 s28, $0x1;
	[dreg:$0x2] =	wrdreg s2  }
0xa9: {  	[dreg:$0x3] =	wrdreg s4  }
0xaa: {  	[dreg:$0x4] =	wrdreg $0xC0  }
0xab: {  	_ =	task [dreg:s6], $0x5FFFF  }
0xac: {  	[dreg:$0x1] =	wrdreg $0xFFFFFFFF  }
0xad: {  	[dreg:$0x0] =	wrdreg $0x60  }
0xae: {  	[dreg:$0x2] =	wrdreg s24  }
0xaf: {  	[dreg:$0x3] =	wrdreg $0xF8000  }
0xb0: {  	[dreg:$0x4] =	wrdreg $0x9  }
0xb1: {  	_ =	task.clear_ibuf [dreg:s6], $0x5FFFF;
	_ =	strace $0x90000049  }
0xb2: {  	s29 =	simm.s32 $0x9;
	_ =	strace $0x8000004B  }
0xb3: {  	_ =	swait.ge [sflag:s29], $0x1  }
0xb4: {  	[sflag:s29] =	ssyncadd.s32 $0xFFFFFFFF  }
0xb5: {  	_ =	strace $0x9000004B  }
0xb6: {  	_ =	sfence  }
0xb7: {  	s30 =	sld [smem:$0x0];
	_ =	sdelay $0x2  }
0xb8: {  	s31 =	sshll.u32 s1, $0xD;
	s1 =	sshrl.u32 s1, $0x2  }
0xb9: {  	s3 =	sand.u32 $0x4000, s31;
	s1 =	sadd.s32 s1, s30  }
0xba: {  	s0 =	sor.u32 s3, s0;
	s1 =	sshll.u32 s1, $0x11  }
0xbb: {  	s0 =	sor.u32 s1, s0  }
0xbc: {  	s0 =	sadd.s32 $0x8F2B, s0  }
0xbd: {  	[sflag:s0] =	ssyncadd.remote.s32 $0x1  }
0xbe: {  	_ =	sfence.sel $0xFFFF  }
0xbf: {  	[dreg:$0x0] =	wrdreg $0xFFFFFFFF;
	(pc) =	sbr.abs _section_cstart, $3  }
0xc0: {  	[dreg:$0x1] =	wrdreg $0xFFFFFFFF  }
0xc1: {  	_ =	task.clear_ibuf [dreg:s6], $0x2FFFF;
	_ =	strace $0x9FFFFFFF  }
0xc2: {  	(tm) =	ssettm $0x7FFFFFFF  }
0xc3: {  	_ =	shalt  }
tec
execute0_lowered:
.L_overlay_start_1:
0x0: {  	(tag) =	ssettag $0x1  }
0x1: {  	s5 =	rddreg [dreg:$0x0];
	s0 =	stileid.u32  }
0x2: {  	s1 =	srdreg.scid;
	s2 =	rddreg [dreg:$0x1]  }
0x3: {  	s3 =	simm.s32 $0x0;
	s15 =	simm.s32 $0x3C00;
	s16 =	simm.s32 $0x80  }
0x4: {  	s17 =	simm.s32 $0x7800;
	s18 =	simm.s32 $0xB800;
	s19 =	simm.s32 $0x1  }
0x5: {  	s20 =	simm.s32 $0x2;
	s21 =	simm.s32 $0x3A80;
	s6 =	smul.u32 $0x7800, s0  }
0x6: {  	s22 =	simm.s32 $0x7600;
	s23 =	simm.s32 $0x7680;
	s10 =	smul.u32 $0x1D8, s0  }
0x7: {  	s7 =	sand.u32 $0x1, s1;
	s1 =	rddreg [dreg:$0x2];
	s26 =	smul.u32 $0x3B000, s0  }
0x8: {  	s24 =	simm.s32 $0x0;
	[smem:$0x7FF] =	sst s3;
	s8 =	smul.u32 $0x78000, s7  }
0x9: {  	s4 =	sadd.s32 $0x23400, s5;
	s31 =	sshll.u32 s0, $0x6;
	s9 =	smul.u32 $0x1D80, s7  }
0xa: {  	_ =	strace $0x8000004A;
	s7 =	ssub.s32 $0x2, s7;
	s11 =	sshrl.u32 s6, $0x3  }
0xb: {  	s29 =	sshrl.u32 s7, $0x1;
	s30 =	sshrl.u32 s26, $0x2;
	s6 =	sadd.s32 s6, s8  }
0xc: {  	s11 =	sadd.s32 s11, s5;
	s25 =	sadd.s32 s10, s9;
	s13 =	ssub.s32 s7, s29  }
0xd: {  	s14 =	sadd.s32 s30, s2;
	s6 =	sshrl.u32 s6, $0x3;
	s8 =	sshll.u32 s25, $0x4  }
0xe: {  	s7 =	sadd.s32 $0xD6400, s11;
	s9 =	sadd.s32 $0xD6B80, s11;
	s28 =	sadd.s32 s6, s5  }
0xf: {  	s12 =	sadd.s32 s8, s5;
	s5 =	sadd.s32 s4, s8;
	s6 =	sor.u32 $0x1C03, s31  }
0x10: {  	s8 =	sadd.s32 $0x5400, s28;
	s10 =	sadd.s32 $0x5B80, s28;
	s11 =	sadd.s32 $0x99400, s12  }
0x11: {  	s12 =	smax.u32 s13, $0x1;
	s13 =	sshrl.u32 s14, $0x3;
	s14 =	simm.s32 $0x3  }
.LBB2_1:
0x12: {  	[spmem:s13], [sflag:s6] =	dma.local [hbm:s5], $0x1D80  }
0x13: {  	_ =	swait.ge [sflag:s14], $0x1D80  }
0x14: {  	[sflag:s14] =	ssyncset.done $0x0  }
0x15: {  	[sflag:s14] =	ssyncadd.s32 $0xFFFFE280  }
0x16: {  	[bflag:$0x0] =	sbarrier.arrive $0xFFFF  }
0x17: {  	[tilespmem:s3], [sflag:$0x3] =	stream.linear.gather [hbm4b:s7+s3], $0x3B00, $0x38;
	[tilespmem:$0x1E800] =	vst v63  }
0x18: {  	_ =	swait.ge [sflag:s14], $0x3B00  }
0x19: {  	[sflag:s14] =	ssyncset.done $0x0  }
0x1a: {  	[sflag:s14] =	ssyncadd.s32 $0xFFFFC500  }
0x1b: {  	[tilespmem:s15], [sflag:$0x3] =	stream.linear.gather [hbm4b:s8+s3], $0x3B00, $0x38;
	[tilespmem:$0x1E800] =	vst v63  }
0x1c: {  	_ =	swait.ge [sflag:s14], $0x3B00  }
0x1d: {  	[sflag:s14] =	ssyncset.done $0x0  }
0x1e: {  	[sflag:s14] =	ssyncadd.s32 $0xFFFFC500  }
0x1f: {  	[tilespmem:s17], [sflag:$0x1] =	stream.indirect.gather [hbm4b:s4+s16], $0x80, s3, s16, $0xb8;
	[tilespmem:$0x1E800] =	vst v63  }
0x20: {  	s25 =	simm.s32 $0x80  }
0x21: {  	[tilespmem:s18], [sflag:$0x2] =	stream.indirect.gather [hbm4b:s4+s16], $0x80, s25, s16, $0xb8;
	[tilespmem:$0x1E800] =	vst v63  }
0x22: {  	_ =	swait.ge [sflag:s19], $0x4000  }
0x23: {  	[sflag:s19] =	ssyncset.done $0x0  }
0x24: {  	s29 =	simm.s32 $0x3C00;
	[sflag:s19] =	ssyncadd.s32 $0xFFFFC000  }
0x25: {  	[spmem:s2] =	stream.indirect.scatter.add.f32 [tilespmem:s17], [sflag:$0x3], $0x80, s29, s16, $0xb8;
	[tilespmem:$0x1E800] =	vst v63  }
0x26: {  	_ =	swait.ge [sflag:s14], $0x4000  }
0x27: {  	[sflag:s14] =	ssyncset.done $0x0  }
0x28: {  	s30 =	simm.s32 $0x100;
	[sflag:s14] =	ssyncadd.s32 $0xFFFFC000  }
0x29: {  	[tilespmem:s17], [sflag:$0x1] =	stream.indirect.gather [hbm4b:s4+s16], $0x80, s30, s16, $0xb8;
	[tilespmem:$0x1E800] =	vst v63  }
0x2a: {  	_ =	swait.ge [sflag:s20], $0x4000  }
0x2b: {  	[sflag:s20] =	ssyncset.done $0x0  }
0x2c: {  	s31 =	simm.s32 $0x3C80;
	[sflag:s20] =	ssyncadd.s32 $0xFFFFC000  }
0x2d: {  	[spmem:s2] =	stream.indirect.scatter.add.f32 [tilespmem:s18], [sflag:$0x3], $0x80, s31, s16, $0xb8;
	[tilespmem:$0x1E800] =	vst v63  }
0x2e: {  	_ =	swait.ge [sflag:s14], $0x4000  }
0x2f: {  	s26 =	simm.s32 $0x800;
	s25 =	simm.s32 $0x100;
	[sflag:s14] =	ssyncset.done $0x0  }
.LBB2_2:
0x30: {  	s28 =	sadd.s32 $0x80, s25  }
0x31: {  	[sflag:s14] =	ssyncadd.s32 $0xFFFFC000;
	s29 =	smov.u32 s26;
	s30 =	sadd.s32 $0x400, s26  }
0x32: {  	[tilespmem:s18], [sflag:$0x2] =	stream.indirect.gather [hbm4b:s4+s16], $0x80, s28, s16, $0xb8;
	[tilespmem:$0x1E800] =	vst v63  }
0x33: {  	p0 =	sne.s32 s26, $0xE400;
	_ =	swait.ge [sflag:s19], $0x4000  }
0x34: {  	[sflag:s19] =	ssyncset.done $0x0  }
0x35: {  	s26 =	sadd.s32 $0x3C00, s25;
	[sflag:s19] =	ssyncadd.s32 $0xFFFFC000  }
0x36: {  	[spmem:s2] =	stream.indirect.scatter.add.f32 [tilespmem:s17], [sflag:$0x3], $0x80, s26, s16, $0xb8;
	[tilespmem:$0x1E800] =	vst v63  }
0x37: {  	_ =	swait.ge [sflag:s14], $0x4000  }
0x38: {  	[sflag:s14] =	ssyncset.done $0x0  }
0x39: {  	s26 =	sadd.s32 $0x100, s25;
	[sflag:s14] =	ssyncadd.s32 $0xFFFFC000  }
0x3a: {  	[tilespmem:s17], [sflag:$0x1] =	stream.indirect.gather [hbm4b:s4+s16], $0x80, s26, s16, $0xb8;
	[tilespmem:$0x1E800] =	vst v63  }
0x3b: {  	_ =	swait.ge [sflag:s20], $0x4000  }
.Ltmp0:
0x3c: {  	[sflag:s20] =	ssyncset.done $0x0;
	(pc) =	sbr.rel @p0 .LBB2_2-.Ltmp0, $4  }
0x3d: {  	s25 =	sadd.s32 $0x3C80, s25;
	[sflag:s20] =	ssyncadd.s32 $0xFFFFC000  }
0x3e: {  	[spmem:s2] =	stream.indirect.scatter.add.f32 [tilespmem:s18], [sflag:$0x3], $0x80, s25, s16, $0xb8;
	[tilespmem:$0x1E800] =	vst v63  }
0x3f: {  	_ =	swait.ge [sflag:s14], $0x4000  }
0x40: {  	s26 =	smov.u32 s30;
	s25 =	sshra.s32 s29, $0x2;
	[sflag:s14] =	ssyncset.done $0x0  }
0x41: {  	s26 =	sadd.s32 $0x80, s25;
	[sflag:s14] =	ssyncadd.s32 $0xFFFFC000  }
0x42: {  	[tilespmem:s18], [sflag:$0x2] =	stream.indirect.gather [hbm4b:s4+s16], $0x80, s26, s16, $0xb8;
	[tilespmem:$0x1E800] =	vst v63  }
0x43: {  	_ =	swait.ge [sflag:s19], $0x4000  }
0x44: {  	[sflag:s19] =	ssyncset.done $0x0  }
0x45: {  	s29 =	sadd.s32 $0x3C00, s25;
	[sflag:s19] =	ssyncadd.s32 $0xFFFFC000  }
0x46: {  	[spmem:s2] =	stream.indirect.scatter.add.f32 [tilespmem:s17], [sflag:$0x3], $0x80, s29, s16, $0xb8;
	[tilespmem:$0x1E800] =	vst v63  }
0x47: {  	_ =	swait.ge [sflag:s14], $0x4000  }
0x48: {  	[sflag:s14] =	ssyncset.done $0x0  }
0x49: {  	s30 =	sadd.s32 $0x100, s25;
	[sflag:s14] =	ssyncadd.s32 $0xFFFFC000  }
0x4a: {  	[tilespmem:s17], [sflag:$0x1] =	stream.indirect.gather [hbm4b:s4+s16], $0x80, s30, s16, $0xb8;
	[tilespmem:$0x1E800] =	vst v63  }
0x4b: {  	_ =	swait.ge [sflag:s20], $0x4000  }
0x4c: {  	[sflag:s20] =	ssyncset.done $0x0  }
0x4d: {  	s31 =	sadd.s32 $0x3C80, s25;
	[sflag:s20] =	ssyncadd.s32 $0xFFFFC000  }
0x4e: {  	[spmem:s2] =	stream.indirect.scatter.add.f32 [tilespmem:s18], [sflag:$0x3], $0x80, s31, s16, $0xb8;
	[tilespmem:$0x1E800] =	vst v63  }
0x4f: {  	_ =	swait.ge [sflag:s14], $0x4000  }
0x50: {  	[sflag:s14] =	ssyncset.done $0x0  }
0x51: {  	[sflag:s14] =	ssyncadd.s32 $0xFFFFC000  }
0x52: {  	[tilespmem:s18], [sflag:$0x2] =	stream.indirect.gather [hbm4b:s4+s16], $0x80, s21, s16, $0xb8;
	[tilespmem:$0x1E800] =	vst v63  }
0x53: {  	_ =	swait.ge [sflag:s19], $0x4000  }
0x54: {  	[sflag:s19] =	ssyncset.done $0x0  }
0x55: {  	[sflag:s19] =	ssyncadd.s32 $0xFFFFC000  }
0x56: {  	[spmem:s2] =	stream.indirect.scatter.add.f32 [tilespmem:s17], [sflag:$0x3], $0x80, s22, s16, $0xb8;
	[tilespmem:$0x1E800] =	vst v63  }
0x57: {  	_ =	swait.ge [sflag:s14], $0x4000  }
0x58: {  	[sflag:s14] =	ssyncset.done $0x0  }
0x59: {  	[sflag:s14] =	ssyncadd.s32 $0xFFFFC000  }
0x5a: {  	_ =	swait.ge [sflag:s20], $0x4000  }
0x5b: {  	[sflag:s20] =	ssyncset.done $0x0  }
0x5c: {  	[sflag:s20] =	ssyncadd.s32 $0xFFFFC000  }
0x5d: {  	[spmem:s2] =	stream.indirect.scatter.add.f32 [tilespmem:s18], [sflag:$0x3], $0x80, s23, s16, $0xb8;
	[tilespmem:$0x1E800] =	vst v63  }
0x5e: {  	_ =	swait.ge [sflag:s14], $0x4000  }
0x5f: {  	[sflag:s14] =	ssyncset.done $0x0  }
0x60: {  	s26 =	simm.s32 $0x0;
	[sflag:s14] =	ssyncadd.s32 $0xFFFFC000  }
0x61: {  	[tilespmem:s26], [sflag:$0x3] =	stream.linear.gather [hbm4b:s9+s26], $0x3B00, $0x38;
	[tilespmem:$0x1E800] =	vst v63  }
0x62: {  	_ =	swait.ge [sflag:s14], $0x3B00  }
0x63: {  	[sflag:s14] =	ssyncset.done $0x0  }
0x64: {  	[sflag:s14] =	ssyncadd.s32 $0xFFFFC500  }
0x65: {  	[tilespmem:s15], [sflag:$0x3] =	stream.linear.gather [hbm4b:s10+s26], $0x3B00, $0x38;
	[tilespmem:$0x1E800] =	vst v63  }
0x66: {  	_ =	swait.ge [sflag:s14], $0x3B00  }
0x67: {  	[sflag:s14] =	ssyncset.done $0x0  }
0x68: {  	[sflag:s14] =	ssyncadd.s32 $0xFFFFC500  }
0x69: {  	[tilespmem:s17], [sflag:$0x1] =	stream.indirect.gather [hbm4b:s4+s16], $0x80, s26, s16, $0xb8;
	[tilespmem:$0x1E800] =	vst v63  }
0x6a: {  	s28 =	simm.s32 $0x80  }
0x6b: {  	[tilespmem:s18], [sflag:$0x2] =	stream.indirect.gather [hbm4b:s4+s16], $0x80, s28, s16, $0xb8;
	[tilespmem:$0x1E800] =	vst v63  }
0x6c: {  	_ =	swait.ge [sflag:s19], $0x4000  }
0x6d: {  	[sflag:s19] =	ssyncset.done $0x0  }
0x6e: {  	s29 =	simm.s32 $0x3C00;
	[sflag:s19] =	ssyncadd.s32 $0xFFFFC000  }
0x6f: {  	[spmem:s2] =	stream.indirect.scatter.add.f32 [tilespmem:s17], [sflag:$0x3], $0x80, s29, s16, $0xb8;
	[tilespmem:$0x1E800] =	vst v63  }
0x70: {  	_ =	swait.ge [sflag:s14], $0x4000  }
0x71: {  	[sflag:s14] =	ssyncset.done $0x0  }
0x72: {  	s30 =	simm.s32 $0x100;
	[sflag:s14] =	ssyncadd.s32 $0xFFFFC000  }
0x73: {  	[tilespmem:s17], [sflag:$0x1] =	stream.indirect.gather [hbm4b:s4+s16], $0x80, s30, s16, $0xb8;
	[tilespmem:$0x1E800] =	vst v63  }
0x74: {  	_ =	swait.ge [sflag:s20], $0x4000  }
0x75: {  	[sflag:s20] =	ssyncset.done $0x0  }
0x76: {  	s31 =	simm.s32 $0x3C80;
	[sflag:s20] =	ssyncadd.s32 $0xFFFFC000  }
0x77: {  	[spmem:s2] =	stream.indirect.scatter.add.f32 [tilespmem:s18], [sflag:$0x3], $0x80, s31, s16, $0xb8;
	[tilespmem:$0x1E800] =	vst v63  }
0x78: {  	_ =	swait.ge [sflag:s14], $0x4000  }
0x79: {  	s25 =	simm.s32 $0x100;
	s26 =	simm.s32 $0x800;
	[sflag:s14] =	ssyncset.done $0x0  }
.LBB2_4:
0x7a: {  	s28 =	sadd.s32 $0x80, s25  }
0x7b: {  	[sflag:s14] =	ssyncadd.s32 $0xFFFFC000;
	s29 =	smov.u32 s26;
	s30 =	sadd.s32 $0x400, s26  }
0x7c: {  	[tilespmem:s18], [sflag:$0x2] =	stream.indirect.gather [hbm4b:s4+s16], $0x80, s28, s16, $0xb8;
	[tilespmem:$0x1E800] =	vst v63  }
0x7d: {  	p0 =	sne.s32 s26, $0xE400;
	_ =	swait.ge [sflag:s19], $0x4000  }
0x7e: {  	[sflag:s19] =	ssyncset.done $0x0  }
0x7f: {  	s26 =	sadd.s32 $0x3C00, s25;
	[sflag:s19] =	ssyncadd.s32 $0xFFFFC000  }
0x80: {  	[spmem:s2] =	stream.indirect.scatter.add.f32 [tilespmem:s17], [sflag:$0x3], $0x80, s26, s16, $0xb8;
	[tilespmem:$0x1E800] =	vst v63  }
0x81: {  	_ =	swait.ge [sflag:s14], $0x4000  }
0x82: {  	[sflag:s14] =	ssyncset.done $0x0  }
0x83: {  	s26 =	sadd.s32 $0x100, s25;
	[sflag:s14] =	ssyncadd.s32 $0xFFFFC000  }
0x84: {  	[tilespmem:s17], [sflag:$0x1] =	stream.indirect.gather [hbm4b:s4+s16], $0x80, s26, s16, $0xb8;
	[tilespmem:$0x1E800] =	vst v63  }
0x85: {  	_ =	swait.ge [sflag:s20], $0x4000  }
.Ltmp1:
0x86: {  	[sflag:s20] =	ssyncset.done $0x0;
	(pc) =	sbr.rel @p0 .LBB2_4-.Ltmp1, $4  }
0x87: {  	s25 =	sadd.s32 $0x3C80, s25;
	[sflag:s20] =	ssyncadd.s32 $0xFFFFC000  }
0x88: {  	[spmem:s2] =	stream.indirect.scatter.add.f32 [tilespmem:s18], [sflag:$0x3], $0x80, s25, s16, $0xb8;
	[tilespmem:$0x1E800] =	vst v63  }
0x89: {  	_ =	swait.ge [sflag:s14], $0x4000  }
0x8a: {  	s26 =	smov.u32 s30;
	s25 =	sshra.s32 s29, $0x2;
	[sflag:s14] =	ssyncset.done $0x0  }
0x8b: {  	s26 =	sadd.s32 $0x80, s25;
	[sflag:s14] =	ssyncadd.s32 $0xFFFFC000  }
0x8c: {  	[tilespmem:s18], [sflag:$0x2] =	stream.indirect.gather [hbm4b:s4+s16], $0x80, s26, s16, $0xb8;
	[tilespmem:$0x1E800] =	vst v63  }
0x8d: {  	_ =	swait.ge [sflag:s19], $0x4000  }
0x8e: {  	[sflag:s19] =	ssyncset.done $0x0  }
0x8f: {  	s29 =	sadd.s32 $0x3C00, s25;
	[sflag:s19] =	ssyncadd.s32 $0xFFFFC000  }
0x90: {  	[spmem:s2] =	stream.indirect.scatter.add.f32 [tilespmem:s17], [sflag:$0x3], $0x80, s29, s16, $0xb8;
	[tilespmem:$0x1E800] =	vst v63  }
0x91: {  	_ =	swait.ge [sflag:s14], $0x4000  }
0x92: {  	[sflag:s14] =	ssyncset.done $0x0  }
0x93: {  	s30 =	sadd.s32 $0x100, s25;
	[sflag:s14] =	ssyncadd.s32 $0xFFFFC000  }
0x94: {  	[tilespmem:s17], [sflag:$0x1] =	stream.indirect.gather [hbm4b:s4+s16], $0x80, s30, s16, $0xb8;
	[tilespmem:$0x1E800] =	vst v63  }
0x95: {  	_ =	swait.ge [sflag:s20], $0x4000  }
0x96: {  	[sflag:s20] =	ssyncset.done $0x0  }
0x97: {  	s31 =	sadd.s32 $0x3C80, s25;
	[sflag:s20] =	ssyncadd.s32 $0xFFFFC000  }
0x98: {  	[spmem:s2] =	stream.indirect.scatter.add.f32 [tilespmem:s18], [sflag:$0x3], $0x80, s31, s16, $0xb8;
	[tilespmem:$0x1E800] =	vst v63  }
0x99: {  	_ =	swait.ge [sflag:s14], $0x4000  }
0x9a: {  	[sflag:s14] =	ssyncset.done $0x0  }
0x9b: {  	[sflag:s14] =	ssyncadd.s32 $0xFFFFC000  }
0x9c: {  	[tilespmem:s18], [sflag:$0x2] =	stream.indirect.gather [hbm4b:s4+s16], $0x80, s21, s16, $0xb8;
	[tilespmem:$0x1E800] =	vst v63  }
0x9d: {  	_ =	swait.ge [sflag:s19], $0x4000  }
0x9e: {  	[sflag:s19] =	ssyncset.done $0x0  }
0x9f: {  	[sflag:s19] =	ssyncadd.s32 $0xFFFFC000  }
0xa0: {  	[spmem:s2] =	stream.indirect.scatter.add.f32 [tilespmem:s17], [sflag:$0x3], $0x80, s22, s16, $0xb8;
	[tilespmem:$0x1E800] =	vst v63  }
0xa1: {  	_ =	swait.ge [sflag:s14], $0x4000  }
0xa2: {  	[sflag:s14] =	ssyncset.done $0x0  }
0xa3: {  	[sflag:s14] =	ssyncadd.s32 $0xFFFFC000  }
0xa4: {  	_ =	swait.ge [sflag:s20], $0x4000  }
0xa5: {  	[sflag:s20] =	ssyncset.done $0x0  }
0xa6: {  	[sflag:s20] =	ssyncadd.s32 $0xFFFFC000  }
0xa7: {  	[spmem:s2] =	stream.indirect.scatter.add.f32 [tilespmem:s18], [sflag:$0x3], $0x80, s23, s16, $0xb8;
	[tilespmem:$0x1E800] =	vst v63  }
0xa8: {  	_ =	swait.ge [sflag:s14], $0x4000  }
0xa9: {  	s24 =	sadd.s32 $0x1, s24;
	[sflag:s14] =	ssyncset.done $0x0  }
0xaa: {  	p0 =	sne.s32 s24, s12;
	[sflag:s14] =	ssyncadd.s32 $0xFFFFC000  }
.Ltmp2:
0xab: {  	[bflag:$0x0] =	sbarrier.arrive $0xFFFF;
	(pc) =	sbr.rel @p0 .LBB2_1-.Ltmp2, $4  }
0xac: {  	[hbm:s11], [sflag:s6] =	dma.local [spmem:s13], $0x1D80  }
0xad: {  	_ =	swait.ge [sflag:s14], $0x1D80  }
0xae: {  	[sflag:s14] =	ssyncset.done $0x0  }
0xaf: {  	[sflag:s14] =	ssyncadd.s32 $0xFFFFE280  }
0xb0: {  	_ =	sfence.sel $0x180000  }
0xb1: {  	[bflag:$0x0] =	sbarrier.arrive $0xFFFF  }
0xb2: {  	p0 =	sne.s32 s0, $0x0;
	_ =	strace $0x9000004A  }
0xb3: {  	s0 =	sadd.s32 @!p0 $0x100000, s1;
	[bflag:$0x2] =	sbarrier.arrive $0xFFFF  }
0xb4: {  	[sflag:s0] =	ssyncadd.tile.s32 @!p0 $0x1;
	_ =	shalt  }
.Lfunc_end2:
_tile_overlayer_lowered:
.L_overlay_start_2:
0xb5: {  	(tag) =	ssettag $0x2  }
0xb6: {  	s0 =	rddreg [dreg:$0x0];
	s2 =	stileid.u32  }
0xb7: {  	s1 =	rddreg [dreg:$0x1];
	p0 =	sne.s32 s2, $0x0  }
0xb8: {  	s3 =	rddreg [dreg:$0x2];
	[bflag:$0x3] =	sbarrier.arrive $0xFFFF;
	s2 =	simm.s32 @!p0 $0x1C03  }
0xb9: {  	[timem:s3], [sflag:s2] =	dma.local @!p0 [hbm:s0], s1  }
0xba: {  	s0 =	simm.s32 @!p0 $0x3  }
0xbb: {  	_ =	swait.ge @!p0 [sflag:s0], s1  }
0xbc: {  	s1 =	ssub.s32 @!p0 $0x0, s1;
	[sflag:s0] =	ssyncset.done @!p0 $0x0  }
0xbd: {  	[sflag:s0] =	ssyncadd.s32 @!p0 s1  }
0xbe: {  	[bflag:$0x3] =	sbarrier.arrive $0xFFFF  }
0xbf: {  	_ =	shalt  }

// kernel: kernel.14.cloned.1.call-start
scs
__scs_entry_jumppad:
0x0: {  	(pc) =	sbr.rel $0x88, $3  }
0x1: {  	(tag) =	ssettag $0x0;
	lr =	simm.s32 $0x1  }
0x2: {  	[smem:$0x3F88] =	sst lr;
	_ =	strace $0xD0000000  }
0x3: {  	_ = 	snop  }
0x4: {  	_ = 	snop  }
0x5: {  	_ = 	snop  }
0x6: {  	_ = 	snop  }
0x7: {  	_ = 	snop  }
__scs_overlays_trampoline_lowered:
0x8: {  	[smem:$0x3F97] =	sst s0  }
0x9: {  	[smem:$0x3F98] =	sst s1  }
0xa: {  	[smem:$0x3F99] =	sst s2  }
0xb: {  	[smem:$0x3F9A] =	sst s3  }
0xc: {  	[smem:$0x3F9B] =	sst s4  }
0xd: {  	[smem:$0x3F9C] =	sst s5  }
0xe: {  	[smem:$0x3F9D] =	sst s6  }
0xf: {  	[smem:$0x3F9E] =	sst s7  }
0x10: {  	[smem:$0x3F9F] =	sst s8  }
0x11: {  	[smem:$0x3FA0] =	sst s9;
	s0 =	simm.s32 @!p0 $0x0  }
0x12: {  	s1 =	sld [smem:$0x3F86];
	s0 =	simm.s32 @p0 $0x1  }
0x13: {  	[smem:$0x3FA1] =	sst s0;
	s0 =	simm.s32 @!p1 $0x0  }
0x14: {  	s2 =	sld [smem:$0x3F85];
	s0 =	simm.s32 @p1 $0x1  }
0x15: {  	[smem:$0x3FA2] =	sst s0;
	s0 =	simm.s32 @!p2 $0x0  }
0x16: {  	s3 =	sld [smem:$0x3FDB];
	s0 =	simm.s32 @p2 $0x1  }
0x17: {  	s4 =	simm.s32 $0x1BF5;
	[smem:$0x3FA4] =	sst s0  }
0x18: {  	s0 =	sld [smem:$0x3F87];
	_ =	swait.ge [sflag:s4], $0x0  }
0x19: {  	s7 =	sld [smem:$0x3F88]  }
0x1a: {  	s8 =	sadd.s32 $0xFFFFE003, lr  }
0x1b: {  	s9 =	sadd.s32 $0xFFFFFEF7, lr;
	s5 =	simm.s32 $0xFFFFFFFF;
	p2 =	slt.u32 s8, $0xFFFFF086  }
0x1c: {  	p1 =	slt.u32 s9, $0xF7A;
	s5 =	simm.s32 @!p2 $0x0  }
0x1d: {  	s5 =	simm.s32 @p1 $0x1;
	p0 =	seq.s32 s7, s2  }
0x1e: {  	s7 =	smul.u32 @!p0 $0xF7A, s2;
	p2 =	seq.s32 @!p0 s5, $0x0  }
0x1f: {  	s9 =	smul.u32 $0xF7A, s1;
	s8 =	simm.s32 @!p0 $0x1BF5;
	p2 =	por !p2, p0  }
0x20: {  	[sflag:s8] =	ssyncset.s32 @!p0 $0xFFFFF086;
	s6 =	sadd.s32 @!p0 s3, s7;
	s7 =	simm.s32 @!p0 $0x108  }
0x21: {  	s3 =	sadd.s32 s3, s9;
	s6 =	sadd.s32 @!p0 $0x88, s6;
	s7 =	simm.s32 @p2 $0x1082  }
0x22: {  	[simem:s7], [sflag:s8] =	dma.local @!p0 [hbm:s6], $0xF7A  }
0x23: {  	s9 =	sor.u32 $0xD0000000, s2;
	s6 =	simm.s32 $0x108;
	_ =	swait.ge @!p0 [sflag:s8], $0x0  }
0x24: {  	s3 =	sadd.s32 $0x88, s3;
	s6 =	simm.s32 @!p1 $0x1082;
	[sflag:s4] =	ssyncset.s32 $0xFFFFF086  }
0x25: {  	[simem:s6], [sflag:s4] =	dma.local [hbm:s3], $0xF7A  }
0x26: {  	[smem:$0x3F88] =	sst s1;
	(tag) =	ssettag s2;
	_ =	strace s9  }
0x27: {  	s1 =	sld [smem:$0x3F98]  }
0x28: {  	s2 =	sld [smem:$0x3F99]  }
0x29: {  	s4 =	sld [smem:$0x3F9B]  }
0x2a: {  	p0 =	seq.s32 s5, $0x0;
	s5 =	sld [smem:$0x3F9C]  }
0x2b: {  	s6 =	sld [smem:$0x3F9D]  }
0x2c: {  	s7 =	sld [smem:$0x3F9E]  }
0x2d: {  	s3 =	simm.s32 $0x108;
	s8 =	sld [smem:$0x3F9F]  }
0x2e: {  	s3 =	simm.s32 @!p0 $0x1082;
	s9 =	sld [smem:$0x3FA0]  }
0x2f: {  	lr =	sadd.s32 s0, s3;
	s0 =	sld [smem:$0x3F97]  }
0x30: {  	s3 =	sld [smem:$0x3F9A]  }
0x31: {  	[smem:$0x3FA3] =	sst s10  }
0x32: {  	s10 =	sld [smem:$0x3FA1];
	_ =	sdelay $0x3  }
0x33: {  	p0 =	seq.s32 s10, $0x1;
	s10 =	sld [smem:$0x3FA3];
	_ =	sdelay $0x3  }
0x34: {  	[smem:$0x3FA3] =	sst s10  }
0x35: {  	s10 =	sld [smem:$0x3FA2];
	_ =	sdelay $0x3  }
0x36: {  	p1 =	seq.s32 s10, $0x1;
	s10 =	sld [smem:$0x3FA3];
	_ =	sdelay $0x3  }
0x37: {  	[smem:$0x3FA3] =	sst s10  }
0x38: {  	s10 =	sld [smem:$0x3FA4]  }
0x39: {  	_ = 	snop;
	(pc) =	sbr.ind lr, $3  }
0x3a: {  	_ = 	snop  }
0x3b: {  	_ = 	snop  }
0x3c: {  	p2 =	seq.s32 s10, $0x1;
	s10 =	sld [smem:$0x3FA3]  }
0x3d: {  	_ =	shalt  }
0x3e: {  	_ =	shalt  }
0x3f: {  	_ =	shalt  }
0x40: {  	_ =	shalt  }
0x41: {  	_ =	shalt  }
0x42: {  	_ =	shalt  }
0x43: {  	_ =	shalt  }
0x44: {  	_ =	shalt  }
0x45: {  	_ =	shalt  }
0x46: {  	_ =	shalt  }
0x47: {  	_ =	shalt  }
0x48: {  	_ =	shalt  }
0x49: {  	_ =	shalt  }
0x4a: {  	_ =	shalt  }
0x4b: {  	_ =	shalt  }
0x4c: {  	_ =	shalt  }
0x4d: {  	_ =	shalt  }
0x4e: {  	_ =	shalt  }
0x4f: {  	_ =	shalt  }
0x50: {  	_ =	shalt  }
0x51: {  	_ =	shalt  }
0x52: {  	_ =	shalt  }
0x53: {  	_ =	shalt  }
0x54: {  	_ =	shalt  }
0x55: {  	_ =	shalt  }
0x56: {  	_ =	shalt  }
0x57: {  	_ =	shalt  }
0x58: {  	_ =	shalt  }
0x59: {  	_ =	shalt  }
0x5a: {  	_ =	shalt  }
0x5b: {  	_ =	shalt  }
0x5c: {  	_ =	shalt  }
0x5d: {  	_ =	shalt  }
0x5e: {  	_ =	shalt  }
0x5f: {  	_ =	shalt  }
0x60: {  	_ =	shalt  }
0x61: {  	_ =	shalt  }
0x62: {  	_ =	shalt  }
0x63: {  	_ =	shalt  }
0x64: {  	_ =	shalt  }
0x65: {  	_ =	shalt  }
0x66: {  	_ =	shalt  }
0x67: {  	_ =	shalt  }
0x68: {  	_ =	shalt  }
0x69: {  	_ =	shalt  }
0x6a: {  	_ =	shalt  }
0x6b: {  	_ =	shalt  }
0x6c: {  	_ =	shalt  }
0x6d: {  	_ =	shalt  }
0x6e: {  	_ =	shalt  }
0x6f: {  	_ =	shalt  }
0x70: {  	_ =	shalt  }
0x71: {  	_ =	shalt  }
0x72: {  	_ =	shalt  }
0x73: {  	_ =	shalt  }
0x74: {  	_ =	shalt  }
0x75: {  	_ =	shalt  }
0x76: {  	_ =	shalt  }
0x77: {  	_ =	shalt  }
0x78: {  	_ =	shalt  }
0x79: {  	_ =	shalt  }
0x7a: {  	_ =	shalt  }
0x7b: {  	_ =	shalt  }
0x7c: {  	_ =	shalt  }
0x7d: {  	_ =	shalt  }
0x7e: {  	_ =	shalt  }
0x7f: {  	_ =	shalt  }
0x80: {  	_ =	shalt  }
0x81: {  	_ =	shalt  }
0x82: {  	_ =	shalt  }
0x83: {  	_ =	shalt  }
0x84: {  	_ =	shalt  }
0x85: {  	_ =	shalt  }
0x86: {  	_ =	shalt  }
0x87: {  	_ =	shalt  }
.Lfunc_end0:
.L_simem_size_0:
called_computation.2_lowered:
.L_overlay_start_0:
0x88: {  	s2 =	sld [smem:$0x3FD9]  }
0x89: {  	s3 =	sld [smem:$0x3FFE];
	_ =	sdelay $0x1  }
0x8a: {  	s1 =	srdreg.scid  }
0x8b: {  	s0 =	sand.u32 $0x1, s1  }
0x8c: {  	s16 =	sshll.u32 s0, $0xA;
	s2 =	sadd.s32 s3, s2  }
0x8d: {  	s2 =	sadd.s32 s2, s16  }
0x8e: {  	[smem:$0x3FAF] =	sst s2  }
0x8f: {  	_ = 	snop  }
0x90: {  	(tm) =	ssettm $0x1  }
0x91: {  	s17 =	sld [smem:$0x3FFB];
	_ =	sdelay $0x3  }
0x92: {  	_ =	strace s17  }
0x93: {  	s2 =	sld [smem:$0x3FFC];
	_ =	sdelay $0x3  }
0x94: {  	_ =	strace s2  }
0x95: {  	s2 =	sld [smem:$0x3FFD];
	_ =	sdelay $0x3  }
0x96: {  	_ =	strace s2  }
0x97: {  	_ =	strace $0x8FFFFFFF  }
0x98: {  	s18 =	sld [smem:$0x3FDB];
	_ =	sdelay $0x1  }
0x99: {  	s19 =	simm.s32 $_scs_section_size  }
0x9a: {  	s4 =	simm.s32 $_size__tile_overlayer_lowered;
	s5 =	simm.s32 $_tile_overlayer_lowered  }
0x9b: {  	s22 =	simm.s32 $0x1BFF;
	s21 =	sshll.u32 s5, $0x1;
	s2 =	sadd.s32 s19, s18  }
0x9c: {  	s6 =	simm.s32 $0x0;
	s20 =	sshll.u32 s4, $0x1;
	s4 =	sadd.s32 s21, s2  }
0x9d: {  	[timem:s6], [sflag:s22] =	dma.local [hbm:s4], s20  }
0x9e: {  	_ =	swait.ge [sflag:s22], s20  }
0x9f: {  	s3 =	ssub.s32 $0x0, s20;
	[sflag:s22] =	ssyncset.done $0x0  }
0xa0: {  	[sflag:s22] =	ssyncadd.s32 s3;
	_ =	sdelay $0x1  }
0xa1: {  	s23 =	simm.s32 $0x1B8B  }
0xa2: {  	_ =	swait.ge [sflag:s23], $0x1  }
0xa3: {  	[sflag:s23] =	ssyncset.done $0x0  }
0xa4: {  	s25 =	simm.s32 $0x1B8E;
	s24 =	sld [smem:$0x3FFE];
	[sflag:s23] =	ssyncadd.s32 $0xFFFFFFFF  }
0xa5: {  	s26 =	simm.s32 $execute0_lowered;
	[smem:$0x3FD2] =	sst s25  }
0xa6: {  	s4 =	sshll.u32 s26, $0x1;
	_ =	strace $0x8000004C;
	[dreg:$0x1] =	wrdreg $0xFFFFFFFF  }
0xa7: {  	s28 =	simm.s32 $_size_execute0_lowered;
	s2 =	sadd.s32 s2, s4;
	[dreg:$0x0] =	wrdreg $0x0  }
0xa8: {  	s4 =	sshll.u32 s28, $0x1;
	[dreg:$0x2] =	wrdreg s2  }
0xa9: {  	[dreg:$0x3] =	wrdreg s4  }
0xaa: {  	[dreg:$0x4] =	wrdreg $0xC0  }
0xab: {  	_ =	task [dreg:s6], $0x5FFFF  }
0xac: {  	[dreg:$0x1] =	wrdreg $0xFFFFFFFF  }
0xad: {  	[dreg:$0x0] =	wrdreg $0x60  }
0xae: {  	[dreg:$0x2] =	wrdreg s24  }
0xaf: {  	[dreg:$0x3] =	wrdreg $0xF8000  }
0xb0: {  	[dreg:$0x4] =	wrdreg $0x9  }
0xb1: {  	_ =	task.clear_ibuf [dreg:s6], $0x5FFFF;
	_ =	strace $0x9000004C  }
0xb2: {  	s29 =	simm.s32 $0x9;
	_ =	strace $0x8000004E  }
0xb3: {  	_ =	swait.ge [sflag:s29], $0x1  }
0xb4: {  	[sflag:s29] =	ssyncadd.s32 $0xFFFFFFFF  }
0xb5: {  	_ =	strace $0x9000004E  }
0xb6: {  	_ =	sfence  }
0xb7: {  	s30 =	sld [smem:$0x0];
	_ =	sdelay $0x2  }
0xb8: {  	s31 =	sshll.u32 s1, $0xD;
	s1 =	sshrl.u32 s1, $0x2  }
0xb9: {  	s3 =	sand.u32 $0x4000, s31;
	s1 =	sadd.s32 s1, s30  }
0xba: {  	s0 =	sor.u32 s3, s0;
	s1 =	sshll.u32 s1, $0x11  }
0xbb: {  	s0 =	sor.u32 s1, s0  }
0xbc: {  	s0 =	sadd.s32 $0x8F2B, s0  }
0xbd: {  	[sflag:s0] =	ssyncadd.remote.s32 $0x1  }
0xbe: {  	_ =	sfence.sel $0xFFFF  }
0xbf: {  	[dreg:$0x0] =	wrdreg $0xFFFFFFFF;
	(pc) =	sbr.abs _section_cstart, $3  }
0xc0: {  	[dreg:$0x1] =	wrdreg $0xFFFFFFFF  }
0xc1: {  	_ =	task.clear_ibuf [dreg:s6], $0x2FFFF;
	_ =	strace $0x9FFFFFFF  }
0xc2: {  	(tm) =	ssettm $0x7FFFFFFF  }
0xc3: {  	_ =	shalt  }
tec
execute0_lowered:
.L_overlay_start_1:
0x0: {  	(tag) =	ssettag $0x1  }
0x1: {  	s5 =	rddreg [dreg:$0x0];
	s0 =	stileid.u32  }
0x2: {  	s1 =	srdreg.scid;
	s2 =	rddreg [dreg:$0x1]  }
0x3: {  	s3 =	simm.s32 $0x0;
	s15 =	simm.s32 $0x3C00;
	s16 =	simm.s32 $0x80  }
0x4: {  	s17 =	simm.s32 $0x7800;
	s18 =	simm.s32 $0xB800;
	s19 =	simm.s32 $0x1  }
0x5: {  	s20 =	simm.s32 $0x2;
	s21 =	simm.s32 $0x3A80;
	s6 =	smul.u32 $0x7800, s0  }
0x6: {  	s22 =	simm.s32 $0x7600;
	s23 =	simm.s32 $0x7680;
	s10 =	smul.u32 $0x1D8, s0  }
0x7: {  	s7 =	sand.u32 $0x1, s1;
	s1 =	rddreg [dreg:$0x2];
	s26 =	smul.u32 $0x3B000, s0  }
0x8: {  	s24 =	simm.s32 $0x0;
	[smem:$0x7FF] =	sst s3;
	s8 =	smul.u32 $0x78000, s7  }
0x9: {  	s4 =	sadd.s32 $0x23400, s5;
	s31 =	sshll.u32 s0, $0x6;
	s9 =	smul.u32 $0x1D80, s7  }
0xa: {  	_ =	strace $0x8000004D;
	s7 =	ssub.s32 $0x2, s7;
	s11 =	sshrl.u32 s6, $0x3  }
0xb: {  	s29 =	sshrl.u32 s7, $0x1;
	s30 =	sshrl.u32 s26, $0x2;
	s6 =	sadd.s32 s6, s8  }
0xc: {  	s11 =	sadd.s32 s11, s5;
	s25 =	sadd.s32 s10, s9;
	s13 =	ssub.s32 s7, s29  }
0xd: {  	s14 =	sadd.s32 s30, s2;
	s6 =	sshrl.u32 s6, $0x3;
	s8 =	sshll.u32 s25, $0x4  }
0xe: {  	s7 =	sadd.s32 $0xD6400, s11;
	s9 =	sadd.s32 $0xD6B80, s11;
	s28 =	sadd.s32 s6, s5  }
0xf: {  	s12 =	sadd.s32 s8, s5;
	s5 =	sadd.s32 s4, s8;
	s6 =	sor.u32 $0x1C03, s31  }
0x10: {  	s8 =	sadd.s32 $0x5400, s28;
	s10 =	sadd.s32 $0x5B80, s28;
	s11 =	sadd.s32 $0x99400, s12  }
0x11: {  	s12 =	smax.u32 s13, $0x1;
	s13 =	sshrl.u32 s14, $0x3;
	s14 =	simm.s32 $0x3  }
.LBB2_1:
0x12: {  	[spmem:s13], [sflag:s6] =	dma.local [hbm:s5], $0x1D80  }
0x13: {  	_ =	swait.ge [sflag:s14], $0x1D80  }
0x14: {  	[sflag:s14] =	ssyncset.done $0x0  }
0x15: {  	[sflag:s14] =	ssyncadd.s32 $0xFFFFE280  }
0x16: {  	[bflag:$0x0] =	sbarrier.arrive $0xFFFF  }
0x17: {  	[tilespmem:s3], [sflag:$0x3] =	stream.linear.gather [hbm4b:s7+s3], $0x3B00, $0x38;
	[tilespmem:$0x1E800] =	vst v63  }
0x18: {  	_ =	swait.ge [sflag:s14], $0x3B00  }
0x19: {  	[sflag:s14] =	ssyncset.done $0x0  }
0x1a: {  	[sflag:s14] =	ssyncadd.s32 $0xFFFFC500  }
0x1b: {  	[tilespmem:s15], [sflag:$0x3] =	stream.linear.gather [hbm4b:s8+s3], $0x3B00, $0x38;
	[tilespmem:$0x1E800] =	vst v63  }
0x1c: {  	_ =	swait.ge [sflag:s14], $0x3B00  }
0x1d: {  	[sflag:s14] =	ssyncset.done $0x0  }
0x1e: {  	[sflag:s14] =	ssyncadd.s32 $0xFFFFC500  }
0x1f: {  	[tilespmem:s17], [sflag:$0x1] =	stream.indirect.gather [hbm4b:s4+s16], $0x80, s3, s16, $0xb8;
	[tilespmem:$0x1E800] =	vst v63  }
0x20: {  	s25 =	simm.s32 $0x80  }
0x21: {  	[tilespmem:s18], [sflag:$0x2] =	stream.indirect.gather [hbm4b:s4+s16], $0x80, s25, s16, $0xb8;
	[tilespmem:$0x1E800] =	vst v63  }
0x22: {  	_ =	swait.ge [sflag:s19], $0x4000  }
0x23: {  	[sflag:s19] =	ssyncset.done $0x0  }
0x24: {  	s29 =	simm.s32 $0x3C00;
	[sflag:s19] =	ssyncadd.s32 $0xFFFFC000  }
0x25: {  	[spmem:s2] =	stream.indirect.scatter.add.f32 [tilespmem:s17], [sflag:$0x3], $0x80, s29, s16, $0xb8;
	[tilespmem:$0x1E800] =	vst v63  }
0x26: {  	_ =	swait.ge [sflag:s14], $0x4000  }
0x27: {  	[sflag:s14] =	ssyncset.done $0x0  }
0x28: {  	s30 =	simm.s32 $0x100;
	[sflag:s14] =	ssyncadd.s32 $0xFFFFC000  }
0x29: {  	[tilespmem:s17], [sflag:$0x1] =	stream.indirect.gather [hbm4b:s4+s16], $0x80, s30, s16, $0xb8;
	[tilespmem:$0x1E800] =	vst v63  }
0x2a: {  	_ =	swait.ge [sflag:s20], $0x4000  }
0x2b: {  	[sflag:s20] =	ssyncset.done $0x0  }
0x2c: {  	s31 =	simm.s32 $0x3C80;
	[sflag:s20] =	ssyncadd.s32 $0xFFFFC000  }
0x2d: {  	[spmem:s2] =	stream.indirect.scatter.add.f32 [tilespmem:s18], [sflag:$0x3], $0x80, s31, s16, $0xb8;
	[tilespmem:$0x1E800] =	vst v63  }
0x2e: {  	_ =	swait.ge [sflag:s14], $0x4000  }
0x2f: {  	s26 =	simm.s32 $0x800;
	s25 =	simm.s32 $0x100;
	[sflag:s14] =	ssyncset.done $0x0  }
.LBB2_2:
0x30: {  	s28 =	sadd.s32 $0x80, s25  }
0x31: {  	[sflag:s14] =	ssyncadd.s32 $0xFFFFC000;
	s29 =	smov.u32 s26;
	s30 =	sadd.s32 $0x400, s26  }
0x32: {  	[tilespmem:s18], [sflag:$0x2] =	stream.indirect.gather [hbm4b:s4+s16], $0x80, s28, s16, $0xb8;
	[tilespmem:$0x1E800] =	vst v63  }
0x33: {  	p0 =	sne.s32 s26, $0xE400;
	_ =	swait.ge [sflag:s19], $0x4000  }
0x34: {  	[sflag:s19] =	ssyncset.done $0x0  }
0x35: {  	s26 =	sadd.s32 $0x3C00, s25;
	[sflag:s19] =	ssyncadd.s32 $0xFFFFC000  }
0x36: {  	[spmem:s2] =	stream.indirect.scatter.add.f32 [tilespmem:s17], [sflag:$0x3], $0x80, s26, s16, $0xb8;
	[tilespmem:$0x1E800] =	vst v63  }
0x37: {  	_ =	swait.ge [sflag:s14], $0x4000  }
0x38: {  	[sflag:s14] =	ssyncset.done $0x0  }
0x39: {  	s26 =	sadd.s32 $0x100, s25;
	[sflag:s14] =	ssyncadd.s32 $0xFFFFC000  }
0x3a: {  	[tilespmem:s17], [sflag:$0x1] =	stream.indirect.gather [hbm4b:s4+s16], $0x80, s26, s16, $0xb8;
	[tilespmem:$0x1E800] =	vst v63  }
0x3b: {  	_ =	swait.ge [sflag:s20], $0x4000  }
.Ltmp0:
0x3c: {  	[sflag:s20] =	ssyncset.done $0x0;
	(pc) =	sbr.rel @p0 .LBB2_2-.Ltmp0, $4  }
0x3d: {  	s25 =	sadd.s32 $0x3C80, s25;
	[sflag:s20] =	ssyncadd.s32 $0xFFFFC000  }
0x3e: {  	[spmem:s2] =	stream.indirect.scatter.add.f32 [tilespmem:s18], [sflag:$0x3], $0x80, s25, s16, $0xb8;
	[tilespmem:$0x1E800] =	vst v63  }
0x3f: {  	_ =	swait.ge [sflag:s14], $0x4000  }
0x40: {  	s26 =	smov.u32 s30;
	s25 =	sshra.s32 s29, $0x2;
	[sflag:s14] =	ssyncset.done $0x0  }
0x41: {  	s26 =	sadd.s32 $0x80, s25;
	[sflag:s14] =	ssyncadd.s32 $0xFFFFC000  }
0x42: {  	[tilespmem:s18], [sflag:$0x2] =	stream.indirect.gather [hbm4b:s4+s16], $0x80, s26, s16, $0xb8;
	[tilespmem:$0x1E800] =	vst v63  }
0x43: {  	_ =	swait.ge [sflag:s19], $0x4000  }
0x44: {  	[sflag:s19] =	ssyncset.done $0x0  }
0x45: {  	s29 =	sadd.s32 $0x3C00, s25;
	[sflag:s19] =	ssyncadd.s32 $0xFFFFC000  }
0x46: {  	[spmem:s2] =	stream.indirect.scatter.add.f32 [tilespmem:s17], [sflag:$0x3], $0x80, s29, s16, $0xb8;
	[tilespmem:$0x1E800] =	vst v63  }
0x47: {  	_ =	swait.ge [sflag:s14], $0x4000  }
0x48: {  	[sflag:s14] =	ssyncset.done $0x0  }
0x49: {  	s30 =	sadd.s32 $0x100, s25;
	[sflag:s14] =	ssyncadd.s32 $0xFFFFC000  }
0x4a: {  	[tilespmem:s17], [sflag:$0x1] =	stream.indirect.gather [hbm4b:s4+s16], $0x80, s30, s16, $0xb8;
	[tilespmem:$0x1E800] =	vst v63  }
0x4b: {  	_ =	swait.ge [sflag:s20], $0x4000  }
0x4c: {  	[sflag:s20] =	ssyncset.done $0x0  }
0x4d: {  	s31 =	sadd.s32 $0x3C80, s25;
	[sflag:s20] =	ssyncadd.s32 $0xFFFFC000  }
0x4e: {  	[spmem:s2] =	stream.indirect.scatter.add.f32 [tilespmem:s18], [sflag:$0x3], $0x80, s31, s16, $0xb8;
	[tilespmem:$0x1E800] =	vst v63  }
0x4f: {  	_ =	swait.ge [sflag:s14], $0x4000  }
0x50: {  	[sflag:s14] =	ssyncset.done $0x0  }
0x51: {  	[sflag:s14] =	ssyncadd.s32 $0xFFFFC000  }
0x52: {  	[tilespmem:s18], [sflag:$0x2] =	stream.indirect.gather [hbm4b:s4+s16], $0x80, s21, s16, $0xb8;
	[tilespmem:$0x1E800] =	vst v63  }
0x53: {  	_ =	swait.ge [sflag:s19], $0x4000  }
0x54: {  	[sflag:s19] =	ssyncset.done $0x0  }
0x55: {  	[sflag:s19] =	ssyncadd.s32 $0xFFFFC000  }
0x56: {  	[spmem:s2] =	stream.indirect.scatter.add.f32 [tilespmem:s17], [sflag:$0x3], $0x80, s22, s16, $0xb8;
	[tilespmem:$0x1E800] =	vst v63  }
0x57: {  	_ =	swait.ge [sflag:s14], $0x4000  }
0x58: {  	[sflag:s14] =	ssyncset.done $0x0  }
0x59: {  	[sflag:s14] =	ssyncadd.s32 $0xFFFFC000  }
0x5a: {  	_ =	swait.ge [sflag:s20], $0x4000  }
0x5b: {  	[sflag:s20] =	ssyncset.done $0x0  }
0x5c: {  	[sflag:s20] =	ssyncadd.s32 $0xFFFFC000  }
0x5d: {  	[spmem:s2] =	stream.indirect.scatter.add.f32 [tilespmem:s18], [sflag:$0x3], $0x80, s23, s16, $0xb8;
	[tilespmem:$0x1E800] =	vst v63  }
0x5e: {  	_ =	swait.ge [sflag:s14], $0x4000  }
0x5f: {  	[sflag:s14] =	ssyncset.done $0x0  }
0x60: {  	s26 =	simm.s32 $0x0;
	[sflag:s14] =	ssyncadd.s32 $0xFFFFC000  }
0x61: {  	[tilespmem:s26], [sflag:$0x3] =	stream.linear.gather [hbm4b:s9+s26], $0x3B00, $0x38;
	[tilespmem:$0x1E800] =	vst v63  }
0x62: {  	_ =	swait.ge [sflag:s14], $0x3B00  }
0x63: {  	[sflag:s14] =	ssyncset.done $0x0  }
0x64: {  	[sflag:s14] =	ssyncadd.s32 $0xFFFFC500  }
0x65: {  	[tilespmem:s15], [sflag:$0x3] =	stream.linear.gather [hbm4b:s10+s26], $0x3B00, $0x38;
	[tilespmem:$0x1E800] =	vst v63  }
0x66: {  	_ =	swait.ge [sflag:s14], $0x3B00  }
0x67: {  	[sflag:s14] =	ssyncset.done $0x0  }
0x68: {  	[sflag:s14] =	ssyncadd.s32 $0xFFFFC500  }
0x69: {  	[tilespmem:s17], [sflag:$0x1] =	stream.indirect.gather [hbm4b:s4+s16], $0x80, s26, s16, $0xb8;
	[tilespmem:$0x1E800] =	vst v63  }
0x6a: {  	s28 =	simm.s32 $0x80  }
0x6b: {  	[tilespmem:s18], [sflag:$0x2] =	stream.indirect.gather [hbm4b:s4+s16], $0x80, s28, s16, $0xb8;
	[tilespmem:$0x1E800] =	vst v63  }
0x6c: {  	_ =	swait.ge [sflag:s19], $0x4000  }
0x6d: {  	[sflag:s19] =	ssyncset.done $0x0  }
0x6e: {  	s29 =	simm.s32 $0x3C00;
	[sflag:s19] =	ssyncadd.s32 $0xFFFFC000  }
0x6f: {  	[spmem:s2] =	stream.indirect.scatter.add.f32 [tilespmem:s17], [sflag:$0x3], $0x80, s29, s16, $0xb8;
	[tilespmem:$0x1E800] =	vst v63  }
0x70: {  	_ =	swait.ge [sflag:s14], $0x4000  }
0x71: {  	[sflag:s14] =	ssyncset.done $0x0  }
0x72: {  	s30 =	simm.s32 $0x100;
	[sflag:s14] =	ssyncadd.s32 $0xFFFFC000  }
0x73: {  	[tilespmem:s17], [sflag:$0x1] =	stream.indirect.gather [hbm4b:s4+s16], $0x80, s30, s16, $0xb8;
	[tilespmem:$0x1E800] =	vst v63  }
0x74: {  	_ =	swait.ge [sflag:s20], $0x4000  }
0x75: {  	[sflag:s20] =	ssyncset.done $0x0  }
0x76: {  	s31 =	simm.s32 $0x3C80;
	[sflag:s20] =	ssyncadd.s32 $0xFFFFC000  }
0x77: {  	[spmem:s2] =	stream.indirect.scatter.add.f32 [tilespmem:s18], [sflag:$0x3], $0x80, s31, s16, $0xb8;
	[tilespmem:$0x1E800] =	vst v63  }
0x78: {  	_ =	swait.ge [sflag:s14], $0x4000  }
0x79: {  	s25 =	simm.s32 $0x100;
	s26 =	simm.s32 $0x800;
	[sflag:s14] =	ssyncset.done $0x0  }
.LBB2_4:
0x7a: {  	s28 =	sadd.s32 $0x80, s25  }
0x7b: {  	[sflag:s14] =	ssyncadd.s32 $0xFFFFC000;
	s29 =	smov.u32 s26;
	s30 =	sadd.s32 $0x400, s26  }
0x7c: {  	[tilespmem:s18], [sflag:$0x2] =	stream.indirect.gather [hbm4b:s4+s16], $0x80, s28, s16, $0xb8;
	[tilespmem:$0x1E800] =	vst v63  }
0x7d: {  	p0 =	sne.s32 s26, $0xE400;
	_ =	swait.ge [sflag:s19], $0x4000  }
0x7e: {  	[sflag:s19] =	ssyncset.done $0x0  }
0x7f: {  	s26 =	sadd.s32 $0x3C00, s25;
	[sflag:s19] =	ssyncadd.s32 $0xFFFFC000  }
0x80: {  	[spmem:s2] =	stream.indirect.scatter.add.f32 [tilespmem:s17], [sflag:$0x3], $0x80, s26, s16, $0xb8;
	[tilespmem:$0x1E800] =	vst v63  }
0x81: {  	_ =	swait.ge [sflag:s14], $0x4000  }
0x82: {  	[sflag:s14] =	ssyncset.done $0x0  }
0x83: {  	s26 =	sadd.s32 $0x100, s25;
	[sflag:s14] =	ssyncadd.s32 $0xFFFFC000  }
0x84: {  	[tilespmem:s17], [sflag:$0x1] =	stream.indirect.gather [hbm4b:s4+s16], $0x80, s26, s16, $0xb8;
	[tilespmem:$0x1E800] =	vst v63  }
0x85: {  	_ =	swait.ge [sflag:s20], $0x4000  }
.Ltmp1:
0x86: {  	[sflag:s20] =	ssyncset.done $0x0;
	(pc) =	sbr.rel @p0 .LBB2_4-.Ltmp1, $4  }
0x87: {  	s25 =	sadd.s32 $0x3C80, s25;
	[sflag:s20] =	ssyncadd.s32 $0xFFFFC000  }
0x88: {  	[spmem:s2] =	stream.indirect.scatter.add.f32 [tilespmem:s18], [sflag:$0x3], $0x80, s25, s16, $0xb8;
	[tilespmem:$0x1E800] =	vst v63  }
0x89: {  	_ =	swait.ge [sflag:s14], $0x4000  }
0x8a: {  	s26 =	smov.u32 s30;
	s25 =	sshra.s32 s29, $0x2;
	[sflag:s14] =	ssyncset.done $0x0  }
0x8b: {  	s26 =	sadd.s32 $0x80, s25;
	[sflag:s14] =	ssyncadd.s32 $0xFFFFC000  }
0x8c: {  	[tilespmem:s18], [sflag:$0x2] =	stream.indirect.gather [hbm4b:s4+s16], $0x80, s26, s16, $0xb8;
	[tilespmem:$0x1E800] =	vst v63  }
0x8d: {  	_ =	swait.ge [sflag:s19], $0x4000  }
0x8e: {  	[sflag:s19] =	ssyncset.done $0x0  }
0x8f: {  	s29 =	sadd.s32 $0x3C00, s25;
	[sflag:s19] =	ssyncadd.s32 $0xFFFFC000  }
0x90: {  	[spmem:s2] =	stream.indirect.scatter.add.f32 [tilespmem:s17], [sflag:$0x3], $0x80, s29, s16, $0xb8;
	[tilespmem:$0x1E800] =	vst v63  }
0x91: {  	_ =	swait.ge [sflag:s14], $0x4000  }
0x92: {  	[sflag:s14] =	ssyncset.done $0x0  }
0x93: {  	s30 =	sadd.s32 $0x100, s25;
	[sflag:s14] =	ssyncadd.s32 $0xFFFFC000  }
0x94: {  	[tilespmem:s17], [sflag:$0x1] =	stream.indirect.gather [hbm4b:s4+s16], $0x80, s30, s16, $0xb8;
	[tilespmem:$0x1E800] =	vst v63  }
0x95: {  	_ =	swait.ge [sflag:s20], $0x4000  }
0x96: {  	[sflag:s20] =	ssyncset.done $0x0  }
0x97: {  	s31 =	sadd.s32 $0x3C80, s25;
	[sflag:s20] =	ssyncadd.s32 $0xFFFFC000  }
0x98: {  	[spmem:s2] =	stream.indirect.scatter.add.f32 [tilespmem:s18], [sflag:$0x3], $0x80, s31, s16, $0xb8;
	[tilespmem:$0x1E800] =	vst v63  }
0x99: {  	_ =	swait.ge [sflag:s14], $0x4000  }
0x9a: {  	[sflag:s14] =	ssyncset.done $0x0  }
0x9b: {  	[sflag:s14] =	ssyncadd.s32 $0xFFFFC000  }
0x9c: {  	[tilespmem:s18], [sflag:$0x2] =	stream.indirect.gather [hbm4b:s4+s16], $0x80, s21, s16, $0xb8;
	[tilespmem:$0x1E800] =	vst v63  }
0x9d: {  	_ =	swait.ge [sflag:s19], $0x4000  }
0x9e: {  	[sflag:s19] =	ssyncset.done $0x0  }
0x9f: {  	[sflag:s19] =	ssyncadd.s32 $0xFFFFC000  }
0xa0: {  	[spmem:s2] =	stream.indirect.scatter.add.f32 [tilespmem:s17], [sflag:$0x3], $0x80, s22, s16, $0xb8;
	[tilespmem:$0x1E800] =	vst v63  }
0xa1: {  	_ =	swait.ge [sflag:s14], $0x4000  }
0xa2: {  	[sflag:s14] =	ssyncset.done $0x0  }
0xa3: {  	[sflag:s14] =	ssyncadd.s32 $0xFFFFC000  }
0xa4: {  	_ =	swait.ge [sflag:s20], $0x4000  }
0xa5: {  	[sflag:s20] =	ssyncset.done $0x0  }
0xa6: {  	[sflag:s20] =	ssyncadd.s32 $0xFFFFC000  }
0xa7: {  	[spmem:s2] =	stream.indirect.scatter.add.f32 [tilespmem:s18], [sflag:$0x3], $0x80, s23, s16, $0xb8;
	[tilespmem:$0x1E800] =	vst v63  }
0xa8: {  	_ =	swait.ge [sflag:s14], $0x4000  }
0xa9: {  	s24 =	sadd.s32 $0x1, s24;
	[sflag:s14] =	ssyncset.done $0x0  }
0xaa: {  	p0 =	sne.s32 s24, s12;
	[sflag:s14] =	ssyncadd.s32 $0xFFFFC000  }
.Ltmp2:
0xab: {  	[bflag:$0x0] =	sbarrier.arrive $0xFFFF;
	(pc) =	sbr.rel @p0 .LBB2_1-.Ltmp2, $4  }
0xac: {  	[hbm:s11], [sflag:s6] =	dma.local [spmem:s13], $0x1D80  }
0xad: {  	_ =	swait.ge [sflag:s14], $0x1D80  }
0xae: {  	[sflag:s14] =	ssyncset.done $0x0  }
0xaf: {  	[sflag:s14] =	ssyncadd.s32 $0xFFFFE280  }
0xb0: {  	_ =	sfence.sel $0x180000  }
0xb1: {  	[bflag:$0x0] =	sbarrier.arrive $0xFFFF  }
0xb2: {  	p0 =	sne.s32 s0, $0x0;
	_ =	strace $0x9000004D  }
0xb3: {  	s0 =	sadd.s32 @!p0 $0x100000, s1;
	[bflag:$0x2] =	sbarrier.arrive $0xFFFF  }
0xb4: {  	[sflag:s0] =	ssyncadd.tile.s32 @!p0 $0x1;
	_ =	shalt  }
.Lfunc_end2:
_tile_overlayer_lowered:
.L_overlay_start_2:
0xb5: {  	(tag) =	ssettag $0x2  }
0xb6: {  	s0 =	rddreg [dreg:$0x0];
	s2 =	stileid.u32  }
0xb7: {  	s1 =	rddreg [dreg:$0x1];
	p0 =	sne.s32 s2, $0x0  }
0xb8: {  	s3 =	rddreg [dreg:$0x2];
	[bflag:$0x3] =	sbarrier.arrive $0xFFFF;
	s2 =	simm.s32 @!p0 $0x1C03  }
0xb9: {  	[timem:s3], [sflag:s2] =	dma.local @!p0 [hbm:s0], s1  }
0xba: {  	s0 =	simm.s32 @!p0 $0x3  }
0xbb: {  	_ =	swait.ge @!p0 [sflag:s0], s1  }
0xbc: {  	s1 =	ssub.s32 @!p0 $0x0, s1;
	[sflag:s0] =	ssyncset.done @!p0 $0x0  }
0xbd: {  	[sflag:s0] =	ssyncadd.s32 @!p0 s1  }
0xbe: {  	[bflag:$0x3] =	sbarrier.arrive $0xFFFF  }
0xbf: {  	_ =	shalt  }

// kernel: kernel.8.cloned.1.call-start
scs
__scs_entry_jumppad:
0x0: {  	(pc) =	sbr.rel $0x88, $3  }
0x1: {  	(tag) =	ssettag $0x0;
	lr =	simm.s32 $0x1  }
0x2: {  	[smem:$0x3F88] =	sst lr;
	_ =	strace $0xD0000000  }
0x3: {  	_ = 	snop  }
0x4: {  	_ = 	snop  }
0x5: {  	_ = 	snop  }
0x6: {  	_ = 	snop  }
0x7: {  	_ = 	snop  }
__scs_overlays_trampoline_lowered:
0x8: {  	[smem:$0x3F97] =	sst s0  }
0x9: {  	[smem:$0x3F98] =	sst s1  }
0xa: {  	[smem:$0x3F99] =	sst s2  }
0xb: {  	[smem:$0x3F9A] =	sst s3  }
0xc: {  	[smem:$0x3F9B] =	sst s4  }
0xd: {  	[smem:$0x3F9C] =	sst s5  }
0xe: {  	[smem:$0x3F9D] =	sst s6  }
0xf: {  	[smem:$0x3F9E] =	sst s7  }
0x10: {  	[smem:$0x3F9F] =	sst s8  }
0x11: {  	[smem:$0x3FA0] =	sst s9;
	s0 =	simm.s32 @!p0 $0x0  }
0x12: {  	s1 =	sld [smem:$0x3F86];
	s0 =	simm.s32 @p0 $0x1  }
0x13: {  	[smem:$0x3FA1] =	sst s0;
	s0 =	simm.s32 @!p1 $0x0  }
0x14: {  	s2 =	sld [smem:$0x3F85];
	s0 =	simm.s32 @p1 $0x1  }
0x15: {  	[smem:$0x3FA2] =	sst s0;
	s0 =	simm.s32 @!p2 $0x0  }
0x16: {  	s3 =	sld [smem:$0x3FDB];
	s0 =	simm.s32 @p2 $0x1  }
0x17: {  	s4 =	simm.s32 $0x1BF5;
	[smem:$0x3FA4] =	sst s0  }
0x18: {  	s0 =	sld [smem:$0x3F87];
	_ =	swait.ge [sflag:s4], $0x0  }
0x19: {  	s7 =	sld [smem:$0x3F88]  }
0x1a: {  	s8 =	sadd.s32 $0xFFFFE003, lr  }
0x1b: {  	s9 =	sadd.s32 $0xFFFFFEF7, lr;
	s5 =	simm.s32 $0xFFFFFFFF;
	p2 =	slt.u32 s8, $0xFFFFF086  }
0x1c: {  	p1 =	slt.u32 s9, $0xF7A;
	s5 =	simm.s32 @!p2 $0x0  }
0x1d: {  	s5 =	simm.s32 @p1 $0x1;
	p0 =	seq.s32 s7, s2  }
0x1e: {  	s7 =	smul.u32 @!p0 $0xF7A, s2;
	p2 =	seq.s32 @!p0 s5, $0x0  }
0x1f: {  	s9 =	smul.u32 $0xF7A, s1;
	s8 =	simm.s32 @!p0 $0x1BF5;
	p2 =	por !p2, p0  }
0x20: {  	[sflag:s8] =	ssyncset.s32 @!p0 $0xFFFFF086;
	s6 =	sadd.s32 @!p0 s3, s7;
	s7 =	simm.s32 @!p0 $0x108  }
0x21: {  	s3 =	sadd.s32 s3, s9;
	s6 =	sadd.s32 @!p0 $0x88, s6;
	s7 =	simm.s32 @p2 $0x1082  }
0x22: {  	[simem:s7], [sflag:s8] =	dma.local @!p0 [hbm:s6], $0xF7A  }
0x23: {  	s9 =	sor.u32 $0xD0000000, s2;
	s6 =	simm.s32 $0x108;
	_ =	swait.ge @!p0 [sflag:s8], $0x0  }
0x24: {  	s3 =	sadd.s32 $0x88, s3;
	s6 =	simm.s32 @!p1 $0x1082;
	[sflag:s4] =	ssyncset.s32 $0xFFFFF086  }
0x25: {  	[simem:s6], [sflag:s4] =	dma.local [hbm:s3], $0xF7A  }
0x26: {  	[smem:$0x3F88] =	sst s1;
	(tag) =	ssettag s2;
	_ =	strace s9  }
0x27: {  	s1 =	sld [smem:$0x3F98]  }
0x28: {  	s2 =	sld [smem:$0x3F99]  }
0x29: {  	s4 =	sld [smem:$0x3F9B]  }
0x2a: {  	p0 =	seq.s32 s5, $0x0;
	s5 =	sld [smem:$0x3F9C]  }
0x2b: {  	s6 =	sld [smem:$0x3F9D]  }
0x2c: {  	s7 =	sld [smem:$0x3F9E]  }
0x2d: {  	s3 =	simm.s32 $0x108;
	s8 =	sld [smem:$0x3F9F]  }
0x2e: {  	s3 =	simm.s32 @!p0 $0x1082;
	s9 =	sld [smem:$0x3FA0]  }
0x2f: {  	lr =	sadd.s32 s0, s3;
	s0 =	sld [smem:$0x3F97]  }
0x30: {  	s3 =	sld [smem:$0x3F9A]  }
0x31: {  	[smem:$0x3FA3] =	sst s10  }
0x32: {  	s10 =	sld [smem:$0x3FA1];
	_ =	sdelay $0x3  }
0x33: {  	p0 =	seq.s32 s10, $0x1;
	s10 =	sld [smem:$0x3FA3];
	_ =	sdelay $0x3  }
0x34: {  	[smem:$0x3FA3] =	sst s10  }
0x35: {  	s10 =	sld [smem:$0x3FA2];
	_ =	sdelay $0x3  }
0x36: {  	p1 =	seq.s32 s10, $0x1;
	s10 =	sld [smem:$0x3FA3];
	_ =	sdelay $0x3  }
0x37: {  	[smem:$0x3FA3] =	sst s10  }
0x38: {  	s10 =	sld [smem:$0x3FA4]  }
0x39: {  	_ = 	snop;
	(pc) =	sbr.ind lr, $3  }
0x3a: {  	_ = 	snop  }
0x3b: {  	_ = 	snop  }
0x3c: {  	p2 =	seq.s32 s10, $0x1;
	s10 =	sld [smem:$0x3FA3]  }
0x3d: {  	_ =	shalt  }
0x3e: {  	_ =	shalt  }
0x3f: {  	_ =	shalt  }
0x40: {  	_ =	shalt  }
0x41: {  	_ =	shalt  }
0x42: {  	_ =	shalt  }
0x43: {  	_ =	shalt  }
0x44: {  	_ =	shalt  }
0x45: {  	_ =	shalt  }
0x46: {  	_ =	shalt  }
0x47: {  	_ =	shalt  }
0x48: {  	_ =	shalt  }
0x49: {  	_ =	shalt  }
0x4a: {  	_ =	shalt  }
0x4b: {  	_ =	shalt  }
0x4c: {  	_ =	shalt  }
0x4d: {  	_ =	shalt  }
0x4e: {  	_ =	shalt  }
0x4f: {  	_ =	shalt  }
0x50: {  	_ =	shalt  }
0x51: {  	_ =	shalt  }
0x52: {  	_ =	shalt  }
0x53: {  	_ =	shalt  }
0x54: {  	_ =	shalt  }
0x55: {  	_ =	shalt  }
0x56: {  	_ =	shalt  }
0x57: {  	_ =	shalt  }
0x58: {  	_ =	shalt  }
0x59: {  	_ =	shalt  }
0x5a: {  	_ =	shalt  }
0x5b: {  	_ =	shalt  }
0x5c: {  	_ =	shalt  }
0x5d: {  	_ =	shalt  }
0x5e: {  	_ =	shalt  }
0x5f: {  	_ =	shalt  }
0x60: {  	_ =	shalt  }
0x61: {  	_ =	shalt  }
0x62: {  	_ =	shalt  }
0x63: {  	_ =	shalt  }
0x64: {  	_ =	shalt  }
0x65: {  	_ =	shalt  }
0x66: {  	_ =	shalt  }
0x67: {  	_ =	shalt  }
0x68: {  	_ =	shalt  }
0x69: {  	_ =	shalt  }
0x6a: {  	_ =	shalt  }
0x6b: {  	_ =	shalt  }
0x6c: {  	_ =	shalt  }
0x6d: {  	_ =	shalt  }
0x6e: {  	_ =	shalt  }
0x6f: {  	_ =	shalt  }
0x70: {  	_ =	shalt  }
0x71: {  	_ =	shalt  }
0x72: {  	_ =	shalt  }
0x73: {  	_ =	shalt  }
0x74: {  	_ =	shalt  }
0x75: {  	_ =	shalt  }
0x76: {  	_ =	shalt  }
0x77: {  	_ =	shalt  }
0x78: {  	_ =	shalt  }
0x79: {  	_ =	shalt  }
0x7a: {  	_ =	shalt  }
0x7b: {  	_ =	shalt  }
0x7c: {  	_ =	shalt  }
0x7d: {  	_ =	shalt  }
0x7e: {  	_ =	shalt  }
0x7f: {  	_ =	shalt  }
0x80: {  	_ =	shalt  }
0x81: {  	_ =	shalt  }
0x82: {  	_ =	shalt  }
0x83: {  	_ =	shalt  }
0x84: {  	_ =	shalt  }
0x85: {  	_ =	shalt  }
0x86: {  	_ =	shalt  }
0x87: {  	_ =	shalt  }
.Lfunc_end0:
.L_simem_size_0:
called_computation_lowered:
.L_overlay_start_0:
0x88: {  	s2 =	sld [smem:$0x3FD9]  }
0x89: {  	s3 =	sld [smem:$0x3FFE];
	_ =	sdelay $0x1  }
0x8a: {  	s1 =	srdreg.scid  }
0x8b: {  	s0 =	sand.u32 $0x1, s1  }
0x8c: {  	s16 =	sshll.u32 s0, $0xA;
	s2 =	sadd.s32 s3, s2  }
0x8d: {  	s2 =	sadd.s32 s2, s16  }
0x8e: {  	[smem:$0x3FAF] =	sst s2  }
0x8f: {  	_ = 	snop  }
0x90: {  	(tm) =	ssettm $0x1  }
0x91: {  	s17 =	sld [smem:$0x3FFB];
	_ =	sdelay $0x3  }
0x92: {  	_ =	strace s17  }
0x93: {  	s2 =	sld [smem:$0x3FFC];
	_ =	sdelay $0x3  }
0x94: {  	_ =	strace s2  }
0x95: {  	s2 =	sld [smem:$0x3FFD];
	_ =	sdelay $0x3  }
0x96: {  	_ =	strace s2  }
0x97: {  	_ =	strace $0x8FFFFFFF  }
0x98: {  	s18 =	sld [smem:$0x3FDB];
	_ =	sdelay $0x1  }
0x99: {  	s19 =	simm.s32 $_scs_section_size  }
0x9a: {  	s4 =	simm.s32 $_size__tile_overlayer_lowered;
	s5 =	simm.s32 $_tile_overlayer_lowered  }
0x9b: {  	s22 =	simm.s32 $0x1BFF;
	s21 =	sshll.u32 s5, $0x1;
	s2 =	sadd.s32 s19, s18  }
0x9c: {  	s6 =	simm.s32 $0x0;
	s20 =	sshll.u32 s4, $0x1;
	s4 =	sadd.s32 s21, s2  }
0x9d: {  	[timem:s6], [sflag:s22] =	dma.local [hbm:s4], s20  }
0x9e: {  	_ =	swait.ge [sflag:s22], s20  }
0x9f: {  	s3 =	ssub.s32 $0x0, s20;
	[sflag:s22] =	ssyncset.done $0x0  }
0xa0: {  	[sflag:s22] =	ssyncadd.s32 s3;
	_ =	sdelay $0x1  }
0xa1: {  	s23 =	simm.s32 $0x1B8B  }
0xa2: {  	_ =	swait.ge [sflag:s23], $0x1  }
0xa3: {  	[sflag:s23] =	ssyncset.done $0x0  }
0xa4: {  	s25 =	simm.s32 $0x1B8E;
	s24 =	sld [smem:$0x3FFE];
	[sflag:s23] =	ssyncadd.s32 $0xFFFFFFFF  }
0xa5: {  	s26 =	simm.s32 $execute0_lowered;
	[smem:$0x3FD2] =	sst s25  }
0xa6: {  	s4 =	sshll.u32 s26, $0x1;
	_ =	strace $0x80000046;
	[dreg:$0x1] =	wrdreg $0xFFFFFFFF  }
0xa7: {  	s28 =	simm.s32 $_size_execute0_lowered;
	s2 =	sadd.s32 s2, s4;
	[dreg:$0x0] =	wrdreg $0x0  }
0xa8: {  	s4 =	sshll.u32 s28, $0x1;
	[dreg:$0x2] =	wrdreg s2  }
0xa9: {  	[dreg:$0x3] =	wrdreg s4  }
0xaa: {  	[dreg:$0x4] =	wrdreg $0xC0  }
0xab: {  	_ =	task [dreg:s6], $0x5FFFF  }
0xac: {  	[dreg:$0x1] =	wrdreg $0xFFFFFFFF  }
0xad: {  	[dreg:$0x0] =	wrdreg $0x60  }
0xae: {  	[dreg:$0x2] =	wrdreg s24  }
0xaf: {  	[dreg:$0x3] =	wrdreg $0xBC800  }
0xb0: {  	[dreg:$0x4] =	wrdreg $0x9  }
0xb1: {  	_ =	task.clear_ibuf [dreg:s6], $0x5FFFF;
	_ =	strace $0x90000046  }
0xb2: {  	s29 =	simm.s32 $0x9;
	_ =	strace $0x80000048  }
0xb3: {  	_ =	swait.ge [sflag:s29], $0x1  }
0xb4: {  	[sflag:s29] =	ssyncadd.s32 $0xFFFFFFFF  }
0xb5: {  	_ =	strace $0x90000048  }
0xb6: {  	_ =	sfence  }
0xb7: {  	s30 =	sld [smem:$0x0];
	_ =	sdelay $0x2  }
0xb8: {  	s31 =	sshll.u32 s1, $0xD;
	s1 =	sshrl.u32 s1, $0x2  }
0xb9: {  	s3 =	sand.u32 $0x4000, s31;
	s1 =	sadd.s32 s1, s30  }
0xba: {  	s0 =	sor.u32 s3, s0;
	s1 =	sshll.u32 s1, $0x11  }
0xbb: {  	s0 =	sor.u32 s1, s0  }
0xbc: {  	s0 =	sadd.s32 $0x8F2B, s0  }
0xbd: {  	[sflag:s0] =	ssyncadd.remote.s32 $0x1  }
0xbe: {  	_ =	sfence.sel $0xFFFF  }
0xbf: {  	[dreg:$0x0] =	wrdreg $0xFFFFFFFF;
	(pc) =	sbr.abs _section_cstart, $3  }
0xc0: {  	[dreg:$0x1] =	wrdreg $0xFFFFFFFF  }
0xc1: {  	_ =	task.clear_ibuf [dreg:s6], $0x2FFFF;
	_ =	strace $0x9FFFFFFF  }
0xc2: {  	(tm) =	ssettm $0x7FFFFFFF  }
0xc3: {  	_ =	shalt  }
tec
execute0_lowered:
.L_overlay_start_1:
0x0: {  	(tag) =	ssettag $0x1  }
0x1: {  	s7 =	rddreg [dreg:$0x0]  }
0x2: {  	s2 =	rddreg [dreg:$0x1];
	s1 =	stileid.u32  }
0x3: {  	s3 =	srdreg.scid;
	s6 =	smul.u32 $0x7800, s1  }
0x4: {  	s28 =	simm.s32 $0x7C80;
	s29 =	simm.s32 $0x0;
	s11 =	smul.u32 $0x1D80, s1  }
0x5: {  	s8 =	sand.u32 $0x1, s3;
	s3 =	simm.s32 $0x0;
	s20 =	smul.u32 $0x3C000, s1  }
0x6: {  	s4 =	sshll.u32 s1, $0x1;
	s19 =	sadd.s32 $0x60400, s7;
	s15 =	smul.u32 $0x3B000, s1  }
0x7: {  	s14 =	sshll.u32 s1, $0x6;
	s5 =	smul.u32 $0x78000, s8;
	[smem:$0x7FF] =	sst s3  }
0x8: {  	s16 =	sor.u32 s8, s4;
	s4 =	sadd.s32 $0x23400, s7;
	s10 =	smul.u32 $0x1D800, s8  }
0x9: {  	s8 =	ssub.s32 $0x2, s8;
	_ =	strace $0x80000047;
	s12 =	sshll.u32 s16, $0x4  }
0xa: {  	s21 =	sshrl.u32 s8, $0x1;
	s22 =	sshrl.u32 s15, $0x2;
	s23 =	sor.u32 $0x20, s16  }
0xb: {  	s24 =	sshll.u32 s16, $0xB;
	s30 =	sor.u32 $0x40, s16;
	s9 =	sand.u32 $0x70, s12  }
0xc: {  	s5 =	sadd.s32 s6, s5;
	s6 =	sadd.s32 $0x5DE00, s7;
	s10 =	sadd.s32 s11, s10  }
0xd: {  	s11 =	sshrl.u32 s20, $0x2;
	s17 =	ssub.s32 s8, s21;
	s25 =	sadd.s32 s22, s2  }
0xe: {  	s12 =	sand.u32 $0x180, s12;
	s26 =	sshll.u32 s23, $0x4;
	s15 =	sshll.u32 s23, $0xB  }
0xf: {  	s21 =	sshll.u32 s30, $0x4;
	s22 =	sor.u32 $0x60, s16;
	s9 =	sadd.s32 s9, s7  }
0x10: {  	s5 =	sshrl.u32 s5, $0x3;
	s10 =	sadd.s32 s10, s7;
	s20 =	sadd.s32 s11, s2  }
0x11: {  	s11 =	smax.u32 s17, $0x1;
	s15 =	sadd.s32 s19, s15;
	s21 =	sand.u32 $0x580, s21  }
0x12: {  	s17 =	sshll.u32 s30, $0xB;
	s31 =	sshll.u32 s22, $0x4;
	s23 =	sshll.u32 s22, $0xB  }
0x13: {  	p0 =	sgt.u32 s22, $0x75;
	s22 =	simm.s32 $0x3;
	s25 =	sshrl.u32 s25, $0x3  }
0x14: {  	s13 =	sadd.s32 s5, s7;
	s5 =	sadd.s32 $0x5FC00, s7;
	s7 =	sor.u32 $0x1C02, s14  }
0x15: {  	s18 =	sadd.s32 $0x4C00, s9;
	s10 =	sadd.s32 $0x9B400, s10;
	s14 =	sand.u32 $0x380, s26  }
0x16: {  	s17 =	sadd.s32 s19, s17;
	s20 =	sshrl.u32 s20, $0x3;
	s26 =	simm.s32 $0x1  }
0x17: {  	s8 =	sadd.s32 $0x5400, s13;
	s9 =	sadd.s32 $0x5B80, s13;
	s12 =	sadd.s32 s12, s18  }
0x18: {  	s13 =	sadd.s32 s19, s24;
	s14 =	sadd.s32 s14, s18;
	s16 =	sadd.s32 s21, s18  }
0x19: {  	s21 =	sand.u32 $0x780, s31;
	s19 =	sadd.s32 s19, s23;
	s23 =	simm.s32 $0x80  }
0x1a: {  	s24 =	simm.s32 $0x3C80;
	s18 =	sadd.s32 s21, s18;
	s21 =	simm.s32 $0x2  }
.LBB2_1:
0x1b: {  	[spmem:s20], [sflag:s7] =	dma.local [hbm:s6], $0x1E00  }
0x1c: {  	_ =	swait.ge [sflag:s21], $0x1E00  }
0x1d: {  	[sflag:s21] =	ssyncset.done $0x0  }
0x1e: {  	[sflag:s21] =	ssyncadd.s32 $0xFFFFE200  }
0x1f: {  	[tilespmem:s3], [sflag:$0x3] =	stream.linear.gather [hbm4b:s12+s3], $0x80, $0x38;
	[tilespmem:$0x1AC80] =	vst v63  }
0x20: {  	_ =	swait.ge [sflag:s22], $0x80  }
0x21: {  	[sflag:s22] =	ssyncset.done $0x0  }
0x22: {  	[sflag:s22] =	ssyncadd.s32 $0xFFFFFF80  }
0x23: {  	[tilespmem:s24], [sflag:$0x1] =	stream.indirect.gather [hbm4b:s4+s23], $0x80, s3, s23, $0xb8;
	[tilespmem:$0x1AC80] =	vst v63  }
0x24: {  	_ =	swait.ge [sflag:s26], $0x4000  }
0x25: {  	[sflag:s26] =	ssyncset.done $0x0  }
0x26: {  	[sflag:s26] =	ssyncadd.s32 $0xFFFFC000  }
0x27: {  	[hbm4b:s13+s3] =	stream.linear.scatter [tilespmem:s24], [sflag:$0x2], $0x4000, $0x38;
	[tilespmem:$0x1AC80] =	vst v63  }
0x28: {  	_ =	swait.ge [sflag:s21], $0x4000  }
0x29: {  	[sflag:s21] =	ssyncset.done $0x0  }
0x2a: {  	[sflag:s21] =	ssyncadd.s32 $0xFFFFC000  }
0x2b: {  	[tilespmem:s3], [sflag:$0x3] =	stream.linear.gather [hbm4b:s14+s3], $0x80, $0x38;
	[tilespmem:$0x1AC80] =	vst v63  }
0x2c: {  	_ =	swait.ge [sflag:s22], $0x80  }
0x2d: {  	[sflag:s22] =	ssyncset.done $0x0  }
0x2e: {  	[sflag:s22] =	ssyncadd.s32 $0xFFFFFF80  }
0x2f: {  	[tilespmem:s24], [sflag:$0x1] =	stream.indirect.gather [hbm4b:s4+s23], $0x80, s3, s23, $0xb8;
	[tilespmem:$0x1AC80] =	vst v63  }
0x30: {  	_ =	swait.ge [sflag:s26], $0x4000  }
0x31: {  	[sflag:s26] =	ssyncset.done $0x0  }
0x32: {  	[sflag:s26] =	ssyncadd.s32 $0xFFFFC000  }
0x33: {  	[hbm4b:s15+s3] =	stream.linear.scatter [tilespmem:s24], [sflag:$0x2], $0x4000, $0x38;
	[tilespmem:$0x1AC80] =	vst v63  }
0x34: {  	_ =	swait.ge [sflag:s21], $0x4000  }
0x35: {  	[sflag:s21] =	ssyncset.done $0x0  }
0x36: {  	[sflag:s21] =	ssyncadd.s32 $0xFFFFC000  }
0x37: {  	[tilespmem:s3], [sflag:$0x3] =	stream.linear.gather [hbm4b:s16+s3], $0x80, $0x38;
	[tilespmem:$0x1AC80] =	vst v63  }
0x38: {  	_ =	swait.ge [sflag:s22], $0x80  }
0x39: {  	[sflag:s22] =	ssyncset.done $0x0  }
0x3a: {  	[sflag:s22] =	ssyncadd.s32 $0xFFFFFF80  }
0x3b: {  	[tilespmem:s24], [sflag:$0x1] =	stream.indirect.gather [hbm4b:s4+s23], $0x80, s3, s23, $0xb8;
	[tilespmem:$0x1AC80] =	vst v63  }
0x3c: {  	_ =	swait.ge [sflag:s26], $0x4000  }
0x3d: {  	[sflag:s26] =	ssyncset.done $0x0  }
0x3e: {  	[sflag:s26] =	ssyncadd.s32 $0xFFFFC000  }
0x3f: {  	[hbm4b:s17+s3] =	stream.linear.scatter [tilespmem:s24], [sflag:$0x2], $0x4000, $0x38;
	[tilespmem:$0x1AC80] =	vst v63  }
0x40: {  	_ =	swait.ge [sflag:s21], $0x4000  }
0x41: {  	[sflag:s21] =	ssyncset.done $0x0  }
0x42: {  	s30 =	simm.s32 @!p0 $0x0;
	s31 =	simm.s32 @!p0 $0x3;
	[sflag:s21] =	ssyncadd.s32 $0xFFFFC000  }
0x43: {  	[tilespmem:s30], [sflag:$0x3] =	stream.linear.gather @!p0 [hbm4b:s18+s30], $0x80, $0x38;
	[tilespmem:$0x1AC80] =	vst v63  }
0x44: {  	_ =	swait.ge @!p0 [sflag:s31], $0x80  }
0x45: {  	[sflag:s31] =	ssyncset.done @!p0 $0x0  }
0x46: {  	s0 =	simm.s32 @!p0 $0x3C80;
	[sflag:s31] =	ssyncadd.s32 @!p0 $0xFFFFFF80;
	s31 =	simm.s32 @!p0 $0x80  }
0x47: {  	[tilespmem:s0], [sflag:$0x1] =	stream.indirect.gather @!p0 [hbm4b:s4+s31], $0x80, s30, s31, $0xb8;
	[tilespmem:$0x1AC80] =	vst v63  }
0x48: {  	s31 =	simm.s32 @!p0 $0x1  }
0x49: {  	_ =	swait.ge @!p0 [sflag:s31], $0x4000  }
0x4a: {  	[sflag:s31] =	ssyncset.done @!p0 $0x0  }
0x4b: {  	[sflag:s31] =	ssyncadd.s32 @!p0 $0xFFFFC000  }
0x4c: {  	[hbm4b:s19+s30] =	stream.linear.scatter @!p0 [tilespmem:s0], [sflag:$0x2], $0x4000, $0x38;
	[tilespmem:$0x1AC80] =	vst v63  }
0x4d: {  	s0 =	simm.s32 @!p0 $0x2  }
0x4e: {  	_ =	swait.ge @!p0 [sflag:s0], $0x4000  }
0x4f: {  	[sflag:s0] =	ssyncset.done @!p0 $0x0  }
0x50: {  	[sflag:s0] =	ssyncadd.s32 @!p0 $0xFFFFC000  }
0x51: {  	[tilespmem:s28], [sflag:$0x2] =	stream.linear.gather [hbm4b:s5+s3], $0x4000, $0x38;
	[tilespmem:$0x1AC80] =	vst v63  }
0x52: {  	_ =	swait.ge [sflag:s21], $0x4000  }
0x53: {  	[sflag:s21] =	ssyncset.done $0x0  }
0x54: {  	[sflag:s21] =	ssyncadd.s32 $0xFFFFC000  }
0x55: {  	[bflag:$0x0] =	sbarrier.arrive $0xFFFF  }
0x56: {  	[tilespmem:s23], [sflag:$0x2] =	stream.linear.gather [hbm4b:s8+s3], $0x3B00, $0x38;
	[tilespmem:$0x1AC80] =	vst v63  }
0x57: {  	_ =	swait.ge [sflag:s21], $0x3B00  }
0x58: {  	[sflag:s21] =	ssyncset.done $0x0  }
0x59: {  	s31 =	simm.s32 $0x80;
	[sflag:s21] =	ssyncadd.s32 $0xFFFFC500  }
0x5a: {  	[spmem:s2] =	stream.indirect.scatter.add.f32 [tilespmem:s28], [sflag:$0x2], $0x80, s31, s23, $0xb8;
	[tilespmem:$0x1AC80] =	vst v63  }
0x5b: {  	s30 =	simm.s32 $0x200;
	_ =	swait.ge [sflag:s21], $0x4000  }
.LBB2_2:
0x5c: {  	s0 =	sshra.s32 s30, $0x2;
	[sflag:s21] =	ssyncset.done $0x0;
	p1 =	sne.s32 s30, $0xEA00  }
.Ltmp0:
0x5d: {  	s0 =	sadd.s32 $0x80, s0;
	[sflag:s21] =	ssyncadd.s32 $0xFFFFC000;
	(pc) =	sbr.rel @p1 .LBB2_2-.Ltmp0, $3  }
0x5e: {  	[spmem:s2] =	stream.indirect.scatter.add.f32 [tilespmem:s28], [sflag:$0x2], $0x80, s0, s23, $0xb8;
	[tilespmem:$0x1AC80] =	vst v63  }
0x5f: {  	s30 =	sadd.s32 $0x200, s30;
	_ =	sdelay $0x1  }
0x60: {  	_ =	swait.ge [sflag:s21], $0x4000  }
0x61: {  	[sflag:s21] =	ssyncset.done $0x0  }
0x62: {  	s0 =	simm.s32 $0x0;
	[sflag:s21] =	ssyncadd.s32 $0xFFFFC000  }
0x63: {  	[tilespmem:s23], [sflag:$0x2] =	stream.linear.gather [hbm4b:s9+s0], $0x3B00, $0x38;
	[tilespmem:$0x1AC80] =	vst v63  }
0x64: {  	_ =	swait.ge [sflag:s21], $0x3B00  }
0x65: {  	[sflag:s21] =	ssyncset.done $0x0  }
0x66: {  	s31 =	simm.s32 $0x80;
	[sflag:s21] =	ssyncadd.s32 $0xFFFFC500  }
0x67: {  	[spmem:s2] =	stream.indirect.scatter.add.f32 [tilespmem:s28], [sflag:$0x2], $0x80, s31, s23, $0xb8;
	[tilespmem:$0x1AC80] =	vst v63  }
0x68: {  	s30 =	simm.s32 $0x200;
	_ =	swait.ge [sflag:s21], $0x4000  }
.LBB2_4:
0x69: {  	s0 =	sshra.s32 s30, $0x2;
	[sflag:s21] =	ssyncset.done $0x0;
	p1 =	sne.s32 s30, $0xEA00  }
.Ltmp1:
0x6a: {  	s0 =	sadd.s32 $0x80, s0;
	[sflag:s21] =	ssyncadd.s32 $0xFFFFC000;
	(pc) =	sbr.rel @p1 .LBB2_4-.Ltmp1, $3  }
0x6b: {  	[spmem:s2] =	stream.indirect.scatter.add.f32 [tilespmem:s28], [sflag:$0x2], $0x80, s0, s23, $0xb8;
	[tilespmem:$0x1AC80] =	vst v63  }
0x6c: {  	s30 =	sadd.s32 $0x200, s30;
	_ =	sdelay $0x1  }
0x6d: {  	_ =	swait.ge [sflag:s21], $0x4000  }
0x6e: {  	[sflag:s21] =	ssyncset.done $0x0;
	s29 =	sadd.s32 $0x1, s29  }
0x6f: {  	[sflag:s21] =	ssyncadd.s32 $0xFFFFC000;
	p1 =	sne.s32 s29, s11  }
.Ltmp2:
0x70: {  	[bflag:$0x0] =	sbarrier.arrive $0xFFFF;
	(pc) =	sbr.rel @p1 .LBB2_1-.Ltmp2, $4  }
0x71: {  	[hbm:s10], [sflag:s7] =	dma.local [spmem:s25], $0x1D80  }
0x72: {  	_ =	swait.ge [sflag:s21], $0x1D80  }
0x73: {  	[sflag:s21] =	ssyncset.done $0x0  }
0x74: {  	[sflag:s21] =	ssyncadd.s32 $0xFFFFE280  }
0x75: {  	_ =	sfence.sel $0x180000  }
0x76: {  	[bflag:$0x0] =	sbarrier.arrive $0xFFFF  }
0x77: {  	_ =	strace $0x90000047  }
0x78: {  	[bflag:$0x2] =	sbarrier.arrive $0xFFFF  }
0x79: {  	p0 =	sne.s32 s1, $0x0;
	s0 =	rddreg [dreg:$0x2]  }
0x7a: {  	s0 =	sadd.s32 @!p0 $0x100000, s0  }
0x7b: {  	[sflag:s0] =	ssyncadd.tile.s32 @!p0 $0x1;
	_ =	shalt  }
.Lfunc_end2:
_tile_overlayer_lowered:
.L_overlay_start_2:
0x7c: {  	(tag) =	ssettag $0x2  }
0x7d: {  	s0 =	rddreg [dreg:$0x0];
	s2 =	stileid.u32  }
0x7e: {  	s1 =	rddreg [dreg:$0x1];
	p0 =	sne.s32 s2, $0x0  }
0x7f: {  	s3 =	rddreg [dreg:$0x2];
	[bflag:$0x3] =	sbarrier.arrive $0xFFFF;
	s2 =	simm.s32 @!p0 $0x1C02  }
0x80: {  	[timem:s3], [sflag:s2] =	dma.local @!p0 [hbm:s0], s1  }
0x81: {  	s0 =	simm.s32 @!p0 $0x2  }
0x82: {  	_ =	swait.ge @!p0 [sflag:s0], s1  }
0x83: {  	s1 =	ssub.s32 @!p0 $0x0, s1;
	[sflag:s0] =	ssyncset.done @!p0 $0x0  }
0x84: {  	[sflag:s0] =	ssyncadd.s32 @!p0 s1  }
0x85: {  	[bflag:$0x3] =	sbarrier.arrive $0xFFFF  }
0x86: {  	_ =	shalt  }

</sc_bundles>
